<compile_context>
chip_gen: v7x
topology: tpu7x:2x2x1
jax: 0.10.2.dev20260603
libtpu: 0.0.44.dev20260713+nightly
codegen_flags: <defaults>
</compile_context>

<pallas_src>
import functools

import jax
import jax.numpy as jnp
from jax import lax
from jax.experimental import pallas as pl
from jax.experimental.pallas import tpu as pltpu
from jax.experimental.pallas import tpu_sc as plsc

_T = 32768
_K = _T // 16 + 1
_ROWS = 128
_NV = _T // 16
_NB = 1024
_NW = 32

_TC_ROWS = 64
_SC_ROWS = _ROWS - _TC_ROWS
_SC_RPW = _SC_ROWS // _NW

_HI_BITS = 0x3F800000
_SEARCH_ITERS = 30
_W_ACC = 2048
_TC_BLOCK = 64

_mesh = plsc.VectorSubcoreMesh(core_axis_name="c", subcore_axis_name="s")



def _scan_hist(hist_c, r):
    iota = lax.iota(jnp.int32, 16)

    def coarse(i, carry):
        c_hi, jsel, cbase = carry
        j = (_NB // 16 - 1) - i
        tot = jnp.sum(hist_c[pl.ds(j * 16, 16)])
        new_c = c_hi + tot
        hit = jnp.logical_and(c_hi < r, new_c >= r)
        jsel = jnp.where(hit, j, jsel)
        cbase = jnp.where(hit, c_hi, cbase)
        return new_c, jsel, cbase

    _, jsel, cbase = lax.fori_loop(
        0, _NB // 16, coarse, (jnp.int32(0), jnp.int32(0), jnp.int32(0)))

    c = hist_c[pl.ds(jsel * 16, 16)]
    cs = jnp.cumsum(c)
    tot = jnp.max(cs)
    suf_next = cbase + tot - cs
    cond = jnp.logical_and(suf_next + c >= r, suf_next < r)
    bsel = jnp.max(jnp.where(cond, jsel * 16 + iota, -1))
    c_above = jnp.max(jnp.where(cond, suf_next, -1))
    return bsel, c_above


@functools.partial(
    pl.kernel,
    mesh=_mesh,
    out_type=jax.ShapeDtypeStruct((_NW, 16), jnp.float32),
    compiler_params=pltpu.CompilerParams(needs_layout_passes=False),
    scratch_types=[
        pltpu.VMEM((_T,), jnp.float32),
        pltpu.VMEM((_T,), jnp.float32),
        pltpu.VMEM((_NB,), jnp.int32),
        pltpu.VMEM((16,), jnp.float32),
        pltpu.SemaphoreType.DMA,
    ],
)
def _sc_topk(frame_hbm, out_hbm, row0_v, row1_v, hist_c, out_v, sem):
    wid = lax.axis_index("s") * 2 + lax.axis_index("c")
    ones16 = jnp.ones((16,), jnp.int32)
    iota = lax.iota(jnp.int32, 16)
    outvec = jnp.zeros((16,), jnp.float32)
    bufs = (row0_v, row1_v)
    base = _TC_ROWS + wid * _SC_RPW

    pltpu.async_copy(frame_hbm.at[base], bufs[0], sem).wait()

    for j in range(_SC_RPW):
        row_v = bufs[j % 2]
        if j + 1 < _SC_RPW:
            nxt = pltpu.async_copy(frame_hbm.at[base + j + 1],
                                   bufs[(j + 1) % 2], sem)

        def hist_pass(shift, prefix_shift, prefix):
            z_i = jnp.zeros((16,), jnp.int32)

            @plsc.parallel_loop(0, _NB // 16, 1, unroll=16)
            def _(i):
                hist_c[pl.ds(i * 16, 16)] = z_i

            @plsc.parallel_loop(0, _NV, 1, unroll=16)
            def _(i):
                v = row_v[pl.ds(i * 16, 16)]
                bits = lax.bitcast_convert_type(v, jnp.int32)
                idx = jnp.bitwise_and(lax.shift_right_logical(bits, shift),
                                      _NB - 1)
                if prefix is None:
                    plsc.addupdate_scatter(hist_c, [idx], ones16)
                else:
                    m = lax.shift_right_logical(bits, prefix_shift) == prefix
                    plsc.addupdate_scatter(hist_c, [idx], ones16, mask=m)

        hist_pass(20, None, None)
        b1, c1 = _scan_hist(hist_c, _K)
        r2 = _K - c1

        hist_pass(10, 20, b1)
        b2, c2 = _scan_hist(hist_c, r2)
        r3 = r2 - c2

        pref2 = jnp.bitwise_or(lax.shift_left(b1, 10), b2)
        hist_pass(0, 10, pref2)
        b3, c3 = _scan_hist(hist_c, r3)
        rfinal = r3 - c3
        tbits = jnp.bitwise_or(lax.shift_left(pref2, 10), b3)

        def fsum(i, a):
            v = row_v[pl.ds(i * 16, 16)]
            bits = lax.bitcast_convert_type(v, jnp.int32)
            return a + jnp.where(bits > tbits, v, 0.0)

        acc = plsc.parallel_loop(0, _NV, 1, unroll=16,
                                 carry=jnp.zeros((16,), jnp.float32))(fsum)
        sum_gt = jnp.sum(acc)

        tvec = lax.bitcast_convert_type(jnp.full((16,), tbits, jnp.int32),
                                        jnp.float32)
        tval = jnp.max(tvec)
        anomaly = (sum_gt + rfinal.astype(jnp.float32) * tval) * (1.0 / _K)
        outvec = jnp.where(iota == j, anomaly, outvec)

        if j + 1 < _SC_RPW:
            nxt.wait()

    out_v[...] = outvec
    pltpu.sync_copy(out_v, out_hbm.at[wid])



def _lane_fold(acc):
    w = acc.shape[1]
    while w > 128:
        w //= 2
        acc = acc[:, :w] + acc[:, w:]
    return jnp.sum(acc, axis=-1, keepdims=True)


def _tc_topk_body(frame_ref, anom_ref):
    x = frame_ref[...]
    xi = lax.bitcast_convert_type(x, jnp.int32)

    lo = jnp.zeros((_TC_BLOCK, 1), jnp.int32)
    hi = jnp.full((_TC_BLOCK, 1), _HI_BITS, jnp.int32)

    def step(_, carry):
        lo, hi = carry
        mid = (lo + hi) >> 1
        acc = jnp.zeros((_TC_BLOCK, _W_ACC), jnp.int32)
        for j in range(_T // _W_ACC):
            sl = xi[:, j * _W_ACC:(j + 1) * _W_ACC]
            acc = acc + (sl >= mid).astype(jnp.int32)
        cnt = _lane_fold(acc)
        pred = cnt >= _K
        return jnp.where(pred, mid, lo), jnp.where(pred, hi, mid)

    lo, hi = lax.fori_loop(0, _SEARCH_ITERS, step, (lo, hi))
    thr_bits = lo
    thr = lax.bitcast_convert_type(thr_bits, jnp.float32)

    acc_c = jnp.zeros((_TC_BLOCK, _W_ACC), jnp.float32)
    acc_s = jnp.zeros((_TC_BLOCK, _W_ACC), jnp.float32)
    for j in range(_T // _W_ACC):
        sl_i = xi[:, j * _W_ACC:(j + 1) * _W_ACC]
        sl_x = x[:, j * _W_ACC:(j + 1) * _W_ACC]
        gt = sl_i > thr_bits
        acc_c = acc_c + gt.astype(jnp.float32)
        acc_s = acc_s + jnp.where(gt, sl_x, 0.0)
    cnt_gt = _lane_fold(acc_c)
    sum_gt = _lane_fold(acc_s)
    anom_ref[...] = (sum_gt + (_K - cnt_gt) * thr) * (1.0 / _K)


def _bce_body(anom_ref, label_ref, out_ref):
    a = anom_ref[...]
    lab = label_ref[...]
    logp = jnp.maximum(jnp.log(a), -100.0)
    log1mp = jnp.maximum(jnp.log(1.0 - a), -100.0)
    total = jnp.sum(lab * logp + (1.0 - lab) * log1mp)
    out_ref[...] = jnp.full((1, 1), total * (-1.0 / _ROWS), jnp.float32)


@jax.jit
def kernel(frame, _label):
    anom_sc2 = _sc_topk(frame)
    anom_tc = pl.pallas_call(
        _tc_topk_body,
        grid=(1,),
        in_specs=[pl.BlockSpec((_TC_ROWS, _T), lambda i: (0, 0))],
        out_specs=pl.BlockSpec((_TC_ROWS, 1), lambda i: (0, 0)),
        out_shape=jax.ShapeDtypeStruct((_TC_ROWS, 1), jnp.float32),
    )(frame)
    anom_sc = anom_sc2[:, :_SC_RPW].reshape(_SC_ROWS, 1)
    anom = jnp.concatenate([anom_tc, anom_sc], axis=0)
    label = _label.astype(jnp.float32).reshape(_ROWS, 1)
    out = pl.pallas_call(
        _bce_body,
        out_shape=jax.ShapeDtypeStruct((1, 1), jnp.float32),
    )(anom, label)
    return out[0, 0]

# --- scband reference (transcript-rebuilt; emitter-appended) ---
"""Pipeline reference for scband-loss-18270790877871 (READ-ONLY COPY).

The authoritative reference and input builder live on the scoring server;
editing this copy changes nothing except your own understanding.
"""

import jax, jax.numpy as jnp
import numpy as np


def setup_inputs(seed: int = 0) -> dict:
    key = jax.random.key(seed)
    k1, k2 = jax.random.split(key)
    # frame attention scores must be valid probabilities in (0,1) for BCE
    frame = jax.random.uniform(k1, (128, 32768), dtype=jnp.float32, minval=1e-4, maxval=1.0 - 1e-4)
    _label = jax.random.randint(k2, (128,), 0, 2, dtype=jnp.int64)
    return {"frame": frame, "_label": _label}


def reference(frame, _label):
    # original torch forward: att = result['frame']; here result = {'frame': frame}
    label = _label.astype(jnp.float32)
    t = frame.shape[1]
    k = t // 16 + 1
    topv, _ = jax.lax.top_k(frame, k)
    anomaly = jnp.mean(topv, axis=-1)
    # nn.BCELoss with mean reduction; torch clamps log terms at -100
    logp = jnp.clip(jnp.log(anomaly), -100.0, None)
    log1mp = jnp.clip(jnp.log(1.0 - anomaly), -100.0, None)
    cost = -jnp.mean(label * logp + (1.0 - label) * log1mp)
    return cost

if __name__ == "__main__":
    import jax
    _d = setup_inputs()
    print(jax.jit(kernel)(*tuple(_d.values())))

</pallas_src>

<mosaic_0001>
#map = affine_map<(d0, d1) -> (0, 0)>
module attributes {stable_mosaic.version = 14 : i64} {
  func.func @_sc_topk(%arg0: i32, %arg1: i32, %arg2: memref<128x32768xf32, #tpu.memory_space<hbm>>, %arg3: memref<32x16xf32, #tpu.memory_space<hbm>>, %arg4: memref<32768xf32, #tpu.memory_space<vmem>>, %arg5: memref<32768xf32, #tpu.memory_space<vmem>>, %arg6: memref<1024xi32, #tpu.memory_space<vmem>>, %arg7: memref<16xf32, #tpu.memory_space<vmem>>, %arg8: memref<!tpu.dma_semaphore, #tpu.memory_space<semaphore_mem>>) attributes {dimension_semantics = [#tpu.dimension_semantics<core_parallel>, #tpu.dimension_semantics<subcore_parallel>], iteration_bounds = array<i64: 2, 16>, scalar_prefetch = 0 : i64, scratch_operands = 5 : i64, tpu.core_type = #tpu.core_type<sc_vector_subcore>, window_params = [{transform_indices = #map}, {transform_indices = #map}]} {
    %mul3A = arith.constant 2 : i32
    %mul3A_0 = arith.muli %arg1, %mul3A : i32
    %add3A = arith.addi %mul3A_0, %arg0 : i32
    %broadcast_in_dim3A = arith.constant 1 : i32
    %broadcast_in_dim3A_1 = vector.broadcast %broadcast_in_dim3A : i32 to vector<16xi32>
    %iota3A = tpu.iota {dimensions = array<i32: 0>} : vector<16xi32>
    %broadcast_in_dim3A_2 = arith.constant 0.000000e+00 : f32
    %broadcast_in_dim3A_3 = vector.broadcast %broadcast_in_dim3A_2 : f32 to vector<16xf32>
    %mul3A_4 = arith.constant 2 : i32
    %mul3A_5 = arith.muli %add3A, %mul3A_4 : i32
    %add3A_6 = arith.constant 64 : i32
    %add3A_7 = arith.addi %add3A_6, %mul3A_5 : i32
    %dma_start3A = arith.constant 0 : i32
    %dma_start3A_8 = tpu.memref_slice %arg2[%add3A_7, %dma_start3A] : memref<128x32768xf32, #tpu.memory_space<hbm>> -> memref<1x32768xf32, #tpu.memory_space<hbm>>
    %dma_start3A_9 = tpu.memref_squeeze %dma_start3A_8 : memref<1x32768xf32, #tpu.memory_space<hbm>> -> memref<32768xf32, #tpu.memory_space<hbm>>
    %dma_start3A_10 = arith.constant 0 : i32
    %dma_start3A_11 = tpu.memref_slice %arg2[%add3A_7, %dma_start3A_10] : memref<128x32768xf32, #tpu.memory_space<hbm>> -> memref<1x32768xf32, #tpu.memory_space<hbm>>
    %dma_start3A_12 = tpu.memref_squeeze %dma_start3A_11 : memref<1x32768xf32, #tpu.memory_space<hbm>> -> memref<32768xf32, #tpu.memory_space<hbm>>
    tpu.enqueue_dma source(%dma_start3A_12 : memref<32768xf32, #tpu.memory_space<hbm>>) target(%arg4 : memref<32768xf32, #tpu.memory_space<vmem>>) target_semaphore(%arg8 : memref<!tpu.dma_semaphore, #tpu.memory_space<semaphore_mem>>)
    %dma_wait3A = arith.constant 0 : i32
    %dma_wait3A_13 = tpu.memref_slice %arg2[%add3A_7, %dma_wait3A] : memref<128x32768xf32, #tpu.memory_space<hbm>> -> memref<1x32768xf32, #tpu.memory_space<hbm>>
    %dma_wait3A_14 = tpu.memref_squeeze %dma_wait3A_13 : memref<1x32768xf32, #tpu.memory_space<hbm>> -> memref<32768xf32, #tpu.memory_space<hbm>>
    %dma_wait3A_15 = arith.constant 0 : i32
    %dma_wait3A_16 = tpu.memref_slice %arg2[%add3A_7, %dma_wait3A_15] : memref<128x32768xf32, #tpu.memory_space<hbm>> -> memref<1x32768xf32, #tpu.memory_space<hbm>>
    %dma_wait3A_17 = tpu.memref_squeeze %dma_wait3A_16 : memref<1x32768xf32, #tpu.memory_space<hbm>> -> memref<32768xf32, #tpu.memory_space<hbm>>
    tpu.wait_dma2 semaphore(%arg8 : memref<!tpu.dma_semaphore, #tpu.memory_space<semaphore_mem>>) src(%dma_wait3A_17 : memref<32768xf32, #tpu.memory_space<hbm>>) dst(%arg4 : memref<32768xf32, #tpu.memory_space<vmem>>)
    %add3A_18 = arith.constant 0 : i32
    %add3A_19 = arith.addi %add3A_7, %add3A_18 : i32
    %add3A_20 = arith.constant 1 : i32
    %add3A_21 = arith.addi %add3A_19, %add3A_20 : i32
    %dma_start3A_22 = arith.constant 0 : i32
    %dma_start3A_23 = tpu.memref_slice %arg2[%add3A_21, %dma_start3A_22] : memref<128x32768xf32, #tpu.memory_space<hbm>> -> memref<1x32768xf32, #tpu.memory_space<hbm>>
    %dma_start3A_24 = tpu.memref_squeeze %dma_start3A_23 : memref<1x32768xf32, #tpu.memory_space<hbm>> -> memref<32768xf32, #tpu.memory_space<hbm>>
    %dma_start3A_25 = arith.constant 0 : i32
    %dma_start3A_26 = tpu.memref_slice %arg2[%add3A_21, %dma_start3A_25] : memref<128x32768xf32, #tpu.memory_space<hbm>> -> memref<1x32768xf32, #tpu.memory_space<hbm>>
    %dma_start3A_27 = tpu.memref_squeeze %dma_start3A_26 : memref<1x32768xf32, #tpu.memory_space<hbm>> -> memref<32768xf32, #tpu.memory_space<hbm>>
    tpu.enqueue_dma source(%dma_start3A_27 : memref<32768xf32, #tpu.memory_space<hbm>>) target(%arg5 : memref<32768xf32, #tpu.memory_space<vmem>>) target_semaphore(%arg8 : memref<!tpu.dma_semaphore, #tpu.memory_space<semaphore_mem>>)
    %broadcast_in_dim3A_28 = arith.constant 0 : i32
    %broadcast_in_dim3A_29 = vector.broadcast %broadcast_in_dim3A_28 : i32 to vector<16xi32>
    %parallel_loop3A = arith.constant 0 : i32
    %parallel_loop3A_30 = arith.constant 64 : i32
    %parallel_loop3A_31 = arith.constant 1 : i32
    scf.for %parallel_loop3A_502 = %parallel_loop3A to %parallel_loop3A_30 step %parallel_loop3A_31  : i32 {
      %parallel_loop3A_503 = arith.constant 16 : i32
      %parallel_loop3A_504 = arith.muli %parallel_loop3A_502, %parallel_loop3A_503 : i32
      %parallel_loop3A_505 = arith.index_cast %parallel_loop3A_504 : i32 to index
      %parallel_loop3A_506 = tpu.vector_load %arg6[%parallel_loop3A_505] {strides = array<i32>} : memref<1024xi32, #tpu.memory_space<vmem>>, vector<16xi32>,
      tpu.vector_store %arg6[%parallel_loop3A_505], %broadcast_in_dim3A_29 {strides = array<i32>} : memref<1024xi32, #tpu.memory_space<vmem>>, vector<16xi32>,
    } {sc.loop_unroll_factor = 16 : i64, sc.parallel_access}
    %parallel_loop3A_32 = arith.constant 0 : i32
    %parallel_loop3A_33 = arith.constant 2048 : i32
    %parallel_loop3A_34 = arith.constant 1 : i32
    scf.for %parallel_loop3A_502 = %parallel_loop3A_32 to %parallel_loop3A_33 step %parallel_loop3A_34  : i32 {
      %parallel_loop3A_503 = arith.constant 16 : i32
      %parallel_loop3A_504 = arith.muli %parallel_loop3A_502, %parallel_loop3A_503 : i32
      %parallel_loop3A_505 = arith.index_cast %parallel_loop3A_504 : i32 to index
      %parallel_loop3A_506 = tpu.vector_load %arg4[%parallel_loop3A_505] {strides = array<i32>} : memref<32768xf32, #tpu.memory_space<vmem>>, vector<16xf32>,
      %parallel_loop3A_507 = tpu.bitcast %parallel_loop3A_506 : vector<16xf32> -> vector<16xi32>
      %parallel_loop3A_508 = arith.constant 20 : i32
      %parallel_loop3A_509 = vector.broadcast %parallel_loop3A_508 : i32 to vector<16xi32>
      %parallel_loop3A_510 = arith.shrui %parallel_loop3A_507, %parallel_loop3A_509 : vector<16xi32>
      %parallel_loop3A_511 = arith.constant 1023 : i32
      %parallel_loop3A_512 = vector.broadcast %parallel_loop3A_511 : i32 to vector<16xi32>
      %parallel_loop3A_513 = arith.andi %parallel_loop3A_510, %parallel_loop3A_512 : vector<16xi32>
      tpu.vector_store_idx %arg6[%parallel_loop3A_513], %broadcast_in_dim3A_1 {add = true} : memref<1024xi32, #tpu.memory_space<vmem>>[vector<16xi32>], vector<16xi32>,
    } {sc.loop_unroll_factor = 16 : i64, sc.parallel_access}
    %iota3A_35 = tpu.iota {dimensions = array<i32: 0>} : vector<16xi32>
    %scan3A = arith.constant 0 : i32
    %scan3A_36 = arith.constant 0 : i32
    %scan3A_37 = arith.constant 0 : i32
    %scan3A_38 = arith.constant 0 : i32
    %scan3A_39 = arith.constant 64 : i32
    %scan3A_40 = arith.addi %scan3A_38, %scan3A_39 : i32
    %scan3A_41 = arith.constant 1 : i32
    %scan3A_42:3 = scf.for %scan3A_502 = %scan3A_38 to %scan3A_40 step %scan3A_41 iter_args(%scan3A_503 = %scan3A, %scan3A_504 = %scan3A_36, %scan3A_505 = %scan3A_37) -> (i32, i32, i32)  : i32 {
      %sub3A_506 = arith.constant 63 : i32
      %sub3A_507 = arith.subi %sub3A_506, %scan3A_502 : i32
      %mul3A_508 = arith.constant 16 : i32
      %mul3A_509 = arith.muli %sub3A_507, %mul3A_508 : i32
      %get3A_510 = arith.index_cast %mul3A_509 : i32 to index
      %get3A_511 = tpu.vector_load %arg6[%get3A_510] {strides = array<i32>} : memref<1024xi32, #tpu.memory_space<vmem>>, vector<16xi32>,
      %reduce_sum3A_512 = arith.constant true
      %reduce_sum3A_513 = vector.broadcast %reduce_sum3A_512 : i1 to vector<16xi1>
      %reduce_sum3A_514 = tpu.scan <sum>, %get3A_511 masked %reduce_sum3A_513 : vector<16xi32>, vector<16xi1> -> vector<16xi32>
      %reduce_sum3A_515 = vector.extract %reduce_sum3A_514[15] : i32 from vector<16xi32>
      %add3A_516 = arith.addi %scan3A_503, %reduce_sum3A_515 : i32
      %lt3A_517 = arith.constant 2049 : i32
      %lt3A_518 = arith.cmpi slt, %scan3A_503, %lt3A_517 : i32
      %ge3A_519 = arith.constant 2049 : i32
      %ge3A_520 = arith.cmpi sge, %add3A_516, %ge3A_519 : i32
      %and3A_521 = arith.andi %lt3A_518, %ge3A_520 : i1
      %select_n3A_522 = arith.select %and3A_521, %sub3A_507, %scan3A_504 : i32
      %select_n3A_523 = arith.select %and3A_521, %scan3A_503, %scan3A_505 : i32
      scf.yield %add3A_516, %select_n3A_522, %select_n3A_523 : i32, i32, i32
    }
    %scan3A_43 = arith.constant 64 : i32
    %mul3A_44 = arith.constant 16 : i32
    %mul3A_45 = arith.muli %scan3A_42#1, %mul3A_44 : i32
    %get3A = arith.index_cast %mul3A_45 : i32 to index
    %get3A_46 = tpu.vector_load %arg6[%get3A] {strides = array<i32>} : memref<1024xi32, #tpu.memory_space<vmem>>, vector<16xi32>,
    %cumsum3A = arith.constant true
    %cumsum3A_47 = vector.broadcast %cumsum3A : i1 to vector<16xi1>
    %cumsum3A_48 = tpu.scan <sum>, %get3A_46 masked %cumsum3A_47 : vector<16xi32>, vector<16xi1> -> vector<16xi32>
    %reduce_max3A = arith.constant true
    %reduce_max3A_49 = vector.broadcast %reduce_max3A : i1 to vector<16xi1>
    %reduce_max3A_50 = arith.constant -2147483648 : i32
    %reduce_max3A_51 = vector.broadcast %reduce_max3A_50 : i32 to vector<16xi32>
    %reduce_max3A_52 = arith.xori %cumsum3A_48, %reduce_max3A_51 : vector<16xi32>
    %reduce_max3A_53 = tpu.scan <max>, %reduce_max3A_52 masked %reduce_max3A_49 : vector<16xi32>, vector<16xi1> -> vector<16xi32>
    %reduce_max3A_54 = arith.xori %reduce_max3A_53, %reduce_max3A_51 : vector<16xi32>
    %reduce_max3A_55 = vector.extract %reduce_max3A_54[15] : i32 from vector<16xi32>
    %add3A_56 = arith.addi %scan3A_42#2, %reduce_max3A_55 : i32
    %sub3A = vector.broadcast %add3A_56 : i32 to vector<16xi32>
    %sub3A_57 = arith.subi %sub3A, %cumsum3A_48 : vector<16xi32>
    %add3A_58 = arith.addi %sub3A_57, %get3A_46 : vector<16xi32>
    %ge3A = arith.constant 2049 : i32
    %ge3A_59 = vector.broadcast %ge3A : i32 to vector<16xi32>
    %ge3A_60 = arith.cmpi sge, %add3A_58, %ge3A_59 : vector<16xi32>
    %lt3A = arith.constant 2049 : i32
    %lt3A_61 = vector.broadcast %lt3A : i32 to vector<16xi32>
    %lt3A_62 = arith.cmpi slt, %sub3A_57, %lt3A_61 : vector<16xi32>
    %and3A = arith.andi %ge3A_60, %lt3A_62 : vector<16xi1>
    %mul3A_63 = arith.constant 16 : i32
    %mul3A_64 = arith.muli %scan3A_42#1, %mul3A_63 : i32
    %add3A_65 = vector.broadcast %mul3A_64 : i32 to vector<16xi32>
    %add3A_66 = arith.addi %add3A_65, %iota3A_35 : vector<16xi32>
    %jit3A = arith.constant -1 : i32
    %broadcast_in_dim3A_67 = vector.broadcast %jit3A : i32 to vector<16xi32>
    %select_n3A = arith.select %and3A, %add3A_66, %broadcast_in_dim3A_67 : vector<16xi1>, vector<16xi32>
    %reduce_max3A_68 = arith.constant true
    %reduce_max3A_69 = vector.broadcast %reduce_max3A_68 : i1 to vector<16xi1>
    %reduce_max3A_70 = arith.constant -2147483648 : i32
    %reduce_max3A_71 = vector.broadcast %reduce_max3A_70 : i32 to vector<16xi32>
    %reduce_max3A_72 = arith.xori %select_n3A, %reduce_max3A_71 : vector<16xi32>
    %reduce_max3A_73 = tpu.scan <max>, %reduce_max3A_72 masked %reduce_max3A_69 : vector<16xi32>, vector<16xi1> -> vector<16xi32>
    %reduce_max3A_74 = arith.xori %reduce_max3A_73, %reduce_max3A_71 : vector<16xi32>
    %reduce_max3A_75 = vector.extract %reduce_max3A_74[15] : i32 from vector<16xi32>
    %jit3A_76 = arith.constant -1 : i32
    %broadcast_in_dim3A_77 = vector.broadcast %jit3A_76 : i32 to vector<16xi32>
    %select_n3A_78 = arith.select %and3A, %sub3A_57, %broadcast_in_dim3A_77 : vector<16xi1>, vector<16xi32>
    %reduce_max3A_79 = arith.constant true
    %reduce_max3A_80 = vector.broadcast %reduce_max3A_79 : i1 to vector<16xi1>
    %reduce_max3A_81 = arith.constant -2147483648 : i32
    %reduce_max3A_82 = vector.broadcast %reduce_max3A_81 : i32 to vector<16xi32>
    %reduce_max3A_83 = arith.xori %select_n3A_78, %reduce_max3A_82 : vector<16xi32>
    %reduce_max3A_84 = tpu.scan <max>, %reduce_max3A_83 masked %reduce_max3A_80 : vector<16xi32>, vector<16xi1> -> vector<16xi32>
    %reduce_max3A_85 = arith.xori %reduce_max3A_84, %reduce_max3A_82 : vector<16xi32>
    %reduce_max3A_86 = vector.extract %reduce_max3A_85[15] : i32 from vector<16xi32>
    %sub3A_87 = arith.constant 2049 : i32
    %sub3A_88 = arith.subi %sub3A_87, %reduce_max3A_86 : i32
    %broadcast_in_dim3A_89 = arith.constant 0 : i32
    %broadcast_in_dim3A_90 = vector.broadcast %broadcast_in_dim3A_89 : i32 to vector<16xi32>
    %parallel_loop3A_91 = arith.constant 0 : i32
    %parallel_loop3A_92 = arith.constant 64 : i32
    %parallel_loop3A_93 = arith.constant 1 : i32
    scf.for %parallel_loop3A_502 = %parallel_loop3A_91 to %parallel_loop3A_92 step %parallel_loop3A_93  : i32 {
      %parallel_loop3A_503 = arith.constant 16 : i32
      %parallel_loop3A_504 = arith.muli %parallel_loop3A_502, %parallel_loop3A_503 : i32
      %parallel_loop3A_505 = arith.index_cast %parallel_loop3A_504 : i32 to index
      %parallel_loop3A_506 = tpu.vector_load %arg6[%parallel_loop3A_505] {strides = array<i32>} : memref<1024xi32, #tpu.memory_space<vmem>>, vector<16xi32>,
      tpu.vector_store %arg6[%parallel_loop3A_505], %broadcast_in_dim3A_90 {strides = array<i32>} : memref<1024xi32, #tpu.memory_space<vmem>>, vector<16xi32>,
    } {sc.loop_unroll_factor = 16 : i64, sc.parallel_access}
    %parallel_loop3A_94 = arith.constant 0 : i32
    %parallel_loop3A_95 = arith.constant 2048 : i32
    %parallel_loop3A_96 = arith.constant 1 : i32
    scf.for %parallel_loop3A_502 = %parallel_loop3A_94 to %parallel_loop3A_95 step %parallel_loop3A_96  : i32 {
      %parallel_loop3A_503 = arith.constant 16 : i32
      %parallel_loop3A_504 = arith.muli %parallel_loop3A_502, %parallel_loop3A_503 : i32
      %parallel_loop3A_505 = arith.index_cast %parallel_loop3A_504 : i32 to index
      %parallel_loop3A_506 = tpu.vector_load %arg4[%parallel_loop3A_505] {strides = array<i32>} : memref<32768xf32, #tpu.memory_space<vmem>>, vector<16xf32>,
      %parallel_loop3A_507 = tpu.bitcast %parallel_loop3A_506 : vector<16xf32> -> vector<16xi32>
      %parallel_loop3A_508 = arith.constant 10 : i32
      %parallel_loop3A_509 = vector.broadcast %parallel_loop3A_508 : i32 to vector<16xi32>
      %parallel_loop3A_510 = arith.shrui %parallel_loop3A_507, %parallel_loop3A_509 : vector<16xi32>
      %parallel_loop3A_511 = arith.constant 1023 : i32
      %parallel_loop3A_512 = vector.broadcast %parallel_loop3A_511 : i32 to vector<16xi32>
      %parallel_loop3A_513 = arith.andi %parallel_loop3A_510, %parallel_loop3A_512 : vector<16xi32>
      %parallel_loop3A_514 = arith.constant 20 : i32
      %parallel_loop3A_515 = vector.broadcast %parallel_loop3A_514 : i32 to vector<16xi32>
      %parallel_loop3A_516 = arith.shrui %parallel_loop3A_507, %parallel_loop3A_515 : vector<16xi32>
      %parallel_loop3A_517 = vector.broadcast %reduce_max3A_75 : i32 to vector<16xi32>
      %parallel_loop3A_518 = arith.cmpi eq, %parallel_loop3A_516, %parallel_loop3A_517 : vector<16xi32>
      tpu.vector_store_idx %arg6[%parallel_loop3A_513], %broadcast_in_dim3A_1 masked %parallel_loop3A_518 {add = true} : memref<1024xi32, #tpu.memory_space<vmem>>[vector<16xi32>], vector<16xi32>, vector<16xi1>
    } {sc.loop_unroll_factor = 16 : i64, sc.parallel_access}
    %iota3A_97 = tpu.iota {dimensions = array<i32: 0>} : vector<16xi32>
    %scan3A_98 = arith.constant 0 : i32
    %scan3A_99 = arith.constant 0 : i32
    %scan3A_100 = arith.constant 0 : i32
    %scan3A_101 = arith.constant 0 : i32
    %scan3A_102 = arith.constant 64 : i32
    %scan3A_103 = arith.addi %scan3A_101, %scan3A_102 : i32
    %scan3A_104 = arith.constant 1 : i32
    %scan3A_105:3 = scf.for %scan3A_502 = %scan3A_101 to %scan3A_103 step %scan3A_104 iter_args(%scan3A_503 = %scan3A_98, %scan3A_504 = %scan3A_99, %scan3A_505 = %scan3A_100) -> (i32, i32, i32)  : i32 {
      %sub3A_506 = arith.constant 63 : i32
      %sub3A_507 = arith.subi %sub3A_506, %scan3A_502 : i32
      %mul3A_508 = arith.constant 16 : i32
      %mul3A_509 = arith.muli %sub3A_507, %mul3A_508 : i32
      %get3A_510 = arith.index_cast %mul3A_509 : i32 to index
      %get3A_511 = tpu.vector_load %arg6[%get3A_510] {strides = array<i32>} : memref<1024xi32, #tpu.memory_space<vmem>>, vector<16xi32>,
      %reduce_sum3A_512 = arith.constant true
      %reduce_sum3A_513 = vector.broadcast %reduce_sum3A_512 : i1 to vector<16xi1>
      %reduce_sum3A_514 = tpu.scan <sum>, %get3A_511 masked %reduce_sum3A_513 : vector<16xi32>, vector<16xi1> -> vector<16xi32>
      %reduce_sum3A_515 = vector.extract %reduce_sum3A_514[15] : i32 from vector<16xi32>
      %add3A_516 = arith.addi %scan3A_503, %reduce_sum3A_515 : i32
      %lt3A_517 = arith.cmpi slt, %scan3A_503, %sub3A_88 : i32
      %ge3A_518 = arith.cmpi sge, %add3A_516, %sub3A_88 : i32
      %and3A_519 = arith.andi %lt3A_517, %ge3A_518 : i1
      %select_n3A_520 = arith.select %and3A_519, %sub3A_507, %scan3A_504 : i32
      %select_n3A_521 = arith.select %and3A_519, %scan3A_503, %scan3A_505 : i32
      scf.yield %add3A_516, %select_n3A_520, %select_n3A_521 : i32, i32, i32
    }
    %scan3A_106 = arith.constant 64 : i32
    %mul3A_107 = arith.constant 16 : i32
    %mul3A_108 = arith.muli %scan3A_105#1, %mul3A_107 : i32
    %get3A_109 = arith.index_cast %mul3A_108 : i32 to index
    %get3A_110 = tpu.vector_load %arg6[%get3A_109] {strides = array<i32>} : memref<1024xi32, #tpu.memory_space<vmem>>, vector<16xi32>,
    %cumsum3A_111 = arith.constant true
    %cumsum3A_112 = vector.broadcast %cumsum3A_111 : i1 to vector<16xi1>
    %cumsum3A_113 = tpu.scan <sum>, %get3A_110 masked %cumsum3A_112 : vector<16xi32>, vector<16xi1> -> vector<16xi32>
    %reduce_max3A_114 = arith.constant true
    %reduce_max3A_115 = vector.broadcast %reduce_max3A_114 : i1 to vector<16xi1>
    %reduce_max3A_116 = arith.constant -2147483648 : i32
    %reduce_max3A_117 = vector.broadcast %reduce_max3A_116 : i32 to vector<16xi32>
    %reduce_max3A_118 = arith.xori %cumsum3A_113, %reduce_max3A_117 : vector<16xi32>
    %reduce_max3A_119 = tpu.scan <max>, %reduce_max3A_118 masked %reduce_max3A_115 : vector<16xi32>, vector<16xi1> -> vector<16xi32>
    %reduce_max3A_120 = arith.xori %reduce_max3A_119, %reduce_max3A_117 : vector<16xi32>
    %reduce_max3A_121 = vector.extract %reduce_max3A_120[15] : i32 from vector<16xi32>
    %add3A_122 = arith.addi %scan3A_105#2, %reduce_max3A_121 : i32
    %sub3A_123 = vector.broadcast %add3A_122 : i32 to vector<16xi32>
    %sub3A_124 = arith.subi %sub3A_123, %cumsum3A_113 : vector<16xi32>
    %add3A_125 = arith.addi %sub3A_124, %get3A_110 : vector<16xi32>
    %ge3A_126 = vector.broadcast %sub3A_88 : i32 to vector<16xi32>
    %ge3A_127 = arith.cmpi sge, %add3A_125, %ge3A_126 : vector<16xi32>
    %lt3A_128 = vector.broadcast %sub3A_88 : i32 to vector<16xi32>
    %lt3A_129 = arith.cmpi slt, %sub3A_124, %lt3A_128 : vector<16xi32>
    %and3A_130 = arith.andi %ge3A_127, %lt3A_129 : vector<16xi1>
    %mul3A_131 = arith.constant 16 : i32
    %mul3A_132 = arith.muli %scan3A_105#1, %mul3A_131 : i32
    %add3A_133 = vector.broadcast %mul3A_132 : i32 to vector<16xi32>
    %add3A_134 = arith.addi %add3A_133, %iota3A_97 : vector<16xi32>
    %jit3A_135 = arith.constant -1 : i32
    %broadcast_in_dim3A_136 = vector.broadcast %jit3A_135 : i32 to vector<16xi32>
    %select_n3A_137 = arith.select %and3A_130, %add3A_134, %broadcast_in_dim3A_136 : vector<16xi1>, vector<16xi32>
    %reduce_max3A_138 = arith.constant true
    %reduce_max3A_139 = vector.broadcast %reduce_max3A_138 : i1 to vector<16xi1>
    %reduce_max3A_140 = arith.constant -2147483648 : i32
    %reduce_max3A_141 = vector.broadcast %reduce_max3A_140 : i32 to vector<16xi32>
    %reduce_max3A_142 = arith.xori %select_n3A_137, %reduce_max3A_141 : vector<16xi32>
    %reduce_max3A_143 = tpu.scan <max>, %reduce_max3A_142 masked %reduce_max3A_139 : vector<16xi32>, vector<16xi1> -> vector<16xi32>
    %reduce_max3A_144 = arith.xori %reduce_max3A_143, %reduce_max3A_141 : vector<16xi32>
    %reduce_max3A_145 = vector.extract %reduce_max3A_144[15] : i32 from vector<16xi32>
    %jit3A_146 = arith.constant -1 : i32
    %broadcast_in_dim3A_147 = vector.broadcast %jit3A_146 : i32 to vector<16xi32>
    %select_n3A_148 = arith.select %and3A_130, %sub3A_124, %broadcast_in_dim3A_147 : vector<16xi1>, vector<16xi32>
    %reduce_max3A_149 = arith.constant true
    %reduce_max3A_150 = vector.broadcast %reduce_max3A_149 : i1 to vector<16xi1>
    %reduce_max3A_151 = arith.constant -2147483648 : i32
    %reduce_max3A_152 = vector.broadcast %reduce_max3A_151 : i32 to vector<16xi32>
    %reduce_max3A_153 = arith.xori %select_n3A_148, %reduce_max3A_152 : vector<16xi32>
    %reduce_max3A_154 = tpu.scan <max>, %reduce_max3A_153 masked %reduce_max3A_150 : vector<16xi32>, vector<16xi1> -> vector<16xi32>
    %reduce_max3A_155 = arith.xori %reduce_max3A_154, %reduce_max3A_152 : vector<16xi32>
    %reduce_max3A_156 = vector.extract %reduce_max3A_155[15] : i32 from vector<16xi32>
    %sub3A_157 = arith.subi %sub3A_88, %reduce_max3A_156 : i32
    %shift_left3A = arith.constant 10 : i32
    %shift_left3A_158 = arith.shli %reduce_max3A_75, %shift_left3A : i32
    %or3A = arith.ori %shift_left3A_158, %reduce_max3A_145 : i32
    %broadcast_in_dim3A_159 = arith.constant 0 : i32
    %broadcast_in_dim3A_160 = vector.broadcast %broadcast_in_dim3A_159 : i32 to vector<16xi32>
    %parallel_loop3A_161 = arith.constant 0 : i32
    %parallel_loop3A_162 = arith.constant 64 : i32
    %parallel_loop3A_163 = arith.constant 1 : i32
    scf.for %parallel_loop3A_502 = %parallel_loop3A_161 to %parallel_loop3A_162 step %parallel_loop3A_163  : i32 {
      %parallel_loop3A_503 = arith.constant 16 : i32
      %parallel_loop3A_504 = arith.muli %parallel_loop3A_502, %parallel_loop3A_503 : i32
      %parallel_loop3A_505 = arith.index_cast %parallel_loop3A_504 : i32 to index
      %parallel_loop3A_506 = tpu.vector_load %arg6[%parallel_loop3A_505] {strides = array<i32>} : memref<1024xi32, #tpu.memory_space<vmem>>, vector<16xi32>,
      tpu.vector_store %arg6[%parallel_loop3A_505], %broadcast_in_dim3A_160 {strides = array<i32>} : memref<1024xi32, #tpu.memory_space<vmem>>, vector<16xi32>,
    } {sc.loop_unroll_factor = 16 : i64, sc.parallel_access}
    %parallel_loop3A_164 = arith.constant 0 : i32
    %parallel_loop3A_165 = arith.constant 2048 : i32
    %parallel_loop3A_166 = arith.constant 1 : i32
    scf.for %parallel_loop3A_502 = %parallel_loop3A_164 to %parallel_loop3A_165 step %parallel_loop3A_166  : i32 {
      %parallel_loop3A_503 = arith.constant 16 : i32
      %parallel_loop3A_504 = arith.muli %parallel_loop3A_502, %parallel_loop3A_503 : i32
      %parallel_loop3A_505 = arith.index_cast %parallel_loop3A_504 : i32 to index
      %parallel_loop3A_506 = tpu.vector_load %arg4[%parallel_loop3A_505] {strides = array<i32>} : memref<32768xf32, #tpu.memory_space<vmem>>, vector<16xf32>,
      %parallel_loop3A_507 = tpu.bitcast %parallel_loop3A_506 : vector<16xf32> -> vector<16xi32>
      %parallel_loop3A_508 = arith.constant 0 : i32
      %parallel_loop3A_509 = vector.broadcast %parallel_loop3A_508 : i32 to vector<16xi32>
      %parallel_loop3A_510 = arith.shrui %parallel_loop3A_507, %parallel_loop3A_509 : vector<16xi32>
      %parallel_loop3A_511 = arith.constant 1023 : i32
      %parallel_loop3A_512 = vector.broadcast %parallel_loop3A_511 : i32 to vector<16xi32>
      %parallel_loop3A_513 = arith.andi %parallel_loop3A_510, %parallel_loop3A_512 : vector<16xi32>
      %parallel_loop3A_514 = arith.constant 10 : i32
      %parallel_loop3A_515 = vector.broadcast %parallel_loop3A_514 : i32 to vector<16xi32>
      %parallel_loop3A_516 = arith.shrui %parallel_loop3A_507, %parallel_loop3A_515 : vector<16xi32>
      %parallel_loop3A_517 = vector.broadcast %or3A : i32 to vector<16xi32>
      %parallel_loop3A_518 = arith.cmpi eq, %parallel_loop3A_516, %parallel_loop3A_517 : vector<16xi32>
      tpu.vector_store_idx %arg6[%parallel_loop3A_513], %broadcast_in_dim3A_1 masked %parallel_loop3A_518 {add = true} : memref<1024xi32, #tpu.memory_space<vmem>>[vector<16xi32>], vector<16xi32>, vector<16xi1>
    } {sc.loop_unroll_factor = 16 : i64, sc.parallel_access}
    %iota3A_167 = tpu.iota {dimensions = array<i32: 0>} : vector<16xi32>
    %scan3A_168 = arith.constant 0 : i32
    %scan3A_169 = arith.constant 0 : i32
    %scan3A_170 = arith.constant 0 : i32
    %scan3A_171 = arith.constant 0 : i32
    %scan3A_172 = arith.constant 64 : i32
    %scan3A_173 = arith.addi %scan3A_171, %scan3A_172 : i32
    %scan3A_174 = arith.constant 1 : i32
    %scan3A_175:3 = scf.for %scan3A_502 = %scan3A_171 to %scan3A_173 step %scan3A_174 iter_args(%scan3A_503 = %scan3A_168, %scan3A_504 = %scan3A_169, %scan3A_505 = %scan3A_170) -> (i32, i32, i32)  : i32 {
      %sub3A_506 = arith.constant 63 : i32
      %sub3A_507 = arith.subi %sub3A_506, %scan3A_502 : i32
      %mul3A_508 = arith.constant 16 : i32
      %mul3A_509 = arith.muli %sub3A_507, %mul3A_508 : i32
      %get3A_510 = arith.index_cast %mul3A_509 : i32 to index
      %get3A_511 = tpu.vector_load %arg6[%get3A_510] {strides = array<i32>} : memref<1024xi32, #tpu.memory_space<vmem>>, vector<16xi32>,
      %reduce_sum3A_512 = arith.constant true
      %reduce_sum3A_513 = vector.broadcast %reduce_sum3A_512 : i1 to vector<16xi1>
      %reduce_sum3A_514 = tpu.scan <sum>, %get3A_511 masked %reduce_sum3A_513 : vector<16xi32>, vector<16xi1> -> vector<16xi32>
      %reduce_sum3A_515 = vector.extract %reduce_sum3A_514[15] : i32 from vector<16xi32>
      %add3A_516 = arith.addi %scan3A_503, %reduce_sum3A_515 : i32
      %lt3A_517 = arith.cmpi slt, %scan3A_503, %sub3A_157 : i32
      %ge3A_518 = arith.cmpi sge, %add3A_516, %sub3A_157 : i32
      %and3A_519 = arith.andi %lt3A_517, %ge3A_518 : i1
      %select_n3A_520 = arith.select %and3A_519, %sub3A_507, %scan3A_504 : i32
      %select_n3A_521 = arith.select %and3A_519, %scan3A_503, %scan3A_505 : i32
      scf.yield %add3A_516, %select_n3A_520, %select_n3A_521 : i32, i32, i32
    }
    %scan3A_176 = arith.constant 64 : i32
    %mul3A_177 = arith.constant 16 : i32
    %mul3A_178 = arith.muli %scan3A_175#1, %mul3A_177 : i32
    %get3A_179 = arith.index_cast %mul3A_178 : i32 to index
    %get3A_180 = tpu.vector_load %arg6[%get3A_179] {strides = array<i32>} : memref<1024xi32, #tpu.memory_space<vmem>>, vector<16xi32>,
    %cumsum3A_181 = arith.constant true
    %cumsum3A_182 = vector.broadcast %cumsum3A_181 : i1 to vector<16xi1>
    %cumsum3A_183 = tpu.scan <sum>, %get3A_180 masked %cumsum3A_182 : vector<16xi32>, vector<16xi1> -> vector<16xi32>
    %reduce_max3A_184 = arith.constant true
    %reduce_max3A_185 = vector.broadcast %reduce_max3A_184 : i1 to vector<16xi1>
    %reduce_max3A_186 = arith.constant -2147483648 : i32
    %reduce_max3A_187 = vector.broadcast %reduce_max3A_186 : i32 to vector<16xi32>
    %reduce_max3A_188 = arith.xori %cumsum3A_183, %reduce_max3A_187 : vector<16xi32>
    %reduce_max3A_189 = tpu.scan <max>, %reduce_max3A_188 masked %reduce_max3A_185 : vector<16xi32>, vector<16xi1> -> vector<16xi32>
    %reduce_max3A_190 = arith.xori %reduce_max3A_189, %reduce_max3A_187 : vector<16xi32>
    %reduce_max3A_191 = vector.extract %reduce_max3A_190[15] : i32 from vector<16xi32>
    %add3A_192 = arith.addi %scan3A_175#2, %reduce_max3A_191 : i32
    %sub3A_193 = vector.broadcast %add3A_192 : i32 to vector<16xi32>
    %sub3A_194 = arith.subi %sub3A_193, %cumsum3A_183 : vector<16xi32>
    %add3A_195 = arith.addi %sub3A_194, %get3A_180 : vector<16xi32>
    %ge3A_196 = vector.broadcast %sub3A_157 : i32 to vector<16xi32>
    %ge3A_197 = arith.cmpi sge, %add3A_195, %ge3A_196 : vector<16xi32>
    %lt3A_198 = vector.broadcast %sub3A_157 : i32 to vector<16xi32>
    %lt3A_199 = arith.cmpi slt, %sub3A_194, %lt3A_198 : vector<16xi32>
    %and3A_200 = arith.andi %ge3A_197, %lt3A_199 : vector<16xi1>
    %mul3A_201 = arith.constant 16 : i32
    %mul3A_202 = arith.muli %scan3A_175#1, %mul3A_201 : i32
    %add3A_203 = vector.broadcast %mul3A_202 : i32 to vector<16xi32>
    %add3A_204 = arith.addi %add3A_203, %iota3A_167 : vector<16xi32>
    %jit3A_205 = arith.constant -1 : i32
    %broadcast_in_dim3A_206 = vector.broadcast %jit3A_205 : i32 to vector<16xi32>
    %select_n3A_207 = arith.select %and3A_200, %add3A_204, %broadcast_in_dim3A_206 : vector<16xi1>, vector<16xi32>
    %reduce_max3A_208 = arith.constant true
    %reduce_max3A_209 = vector.broadcast %reduce_max3A_208 : i1 to vector<16xi1>
    %reduce_max3A_210 = arith.constant -2147483648 : i32
    %reduce_max3A_211 = vector.broadcast %reduce_max3A_210 : i32 to vector<16xi32>
    %reduce_max3A_212 = arith.xori %select_n3A_207, %reduce_max3A_211 : vector<16xi32>
    %reduce_max3A_213 = tpu.scan <max>, %reduce_max3A_212 masked %reduce_max3A_209 : vector<16xi32>, vector<16xi1> -> vector<16xi32>
    %reduce_max3A_214 = arith.xori %reduce_max3A_213, %reduce_max3A_211 : vector<16xi32>
    %reduce_max3A_215 = vector.extract %reduce_max3A_214[15] : i32 from vector<16xi32>
    %jit3A_216 = arith.constant -1 : i32
    %broadcast_in_dim3A_217 = vector.broadcast %jit3A_216 : i32 to vector<16xi32>
    %select_n3A_218 = arith.select %and3A_200, %sub3A_194, %broadcast_in_dim3A_217 : vector<16xi1>, vector<16xi32>
    %reduce_max3A_219 = arith.constant true
    %reduce_max3A_220 = vector.broadcast %reduce_max3A_219 : i1 to vector<16xi1>
    %reduce_max3A_221 = arith.constant -2147483648 : i32
    %reduce_max3A_222 = vector.broadcast %reduce_max3A_221 : i32 to vector<16xi32>
    %reduce_max3A_223 = arith.xori %select_n3A_218, %reduce_max3A_222 : vector<16xi32>
    %reduce_max3A_224 = tpu.scan <max>, %reduce_max3A_223 masked %reduce_max3A_220 : vector<16xi32>, vector<16xi1> -> vector<16xi32>
    %reduce_max3A_225 = arith.xori %reduce_max3A_224, %reduce_max3A_222 : vector<16xi32>
    %reduce_max3A_226 = vector.extract %reduce_max3A_225[15] : i32 from vector<16xi32>
    %sub3A_227 = arith.subi %sub3A_157, %reduce_max3A_226 : i32
    %shift_left3A_228 = arith.constant 10 : i32
    %shift_left3A_229 = arith.shli %or3A, %shift_left3A_228 : i32
    %or3A_230 = arith.ori %shift_left3A_229, %reduce_max3A_215 : i32
    %broadcast_in_dim3A_231 = arith.constant 0.000000e+00 : f32
    %broadcast_in_dim3A_232 = vector.broadcast %broadcast_in_dim3A_231 : f32 to vector<16xf32>
    %parallel_loop3A_233 = arith.constant 0 : i32
    %parallel_loop3A_234 = arith.constant 2048 : i32
    %parallel_loop3A_235 = arith.constant 1 : i32
    %parallel_loop3A_236 = scf.for %parallel_loop3A_502 = %parallel_loop3A_233 to %parallel_loop3A_234 step %parallel_loop3A_235 iter_args(%parallel_loop3A_503 = %broadcast_in_dim3A_232) -> (vector<16xf32>)  : i32 {
      %parallel_loop3A_504 = arith.constant 16 : i32
      %parallel_loop3A_505 = arith.muli %parallel_loop3A_502, %parallel_loop3A_504 : i32
      %parallel_loop3A_506 = arith.index_cast %parallel_loop3A_505 : i32 to index
      %parallel_loop3A_507 = tpu.vector_load %arg4[%parallel_loop3A_506] {strides = array<i32>} : memref<32768xf32, #tpu.memory_space<vmem>>, vector<16xf32>,
      %parallel_loop3A_508 = tpu.bitcast %parallel_loop3A_507 : vector<16xf32> -> vector<16xi32>
      %parallel_loop3A_509 = vector.broadcast %or3A_230 : i32 to vector<16xi32>
      %parallel_loop3A_510 = arith.cmpi sgt, %parallel_loop3A_508, %parallel_loop3A_509 : vector<16xi32>
      %parallel_loop3A_511 = arith.constant 0.000000e+00 : f32
      %parallel_loop3A_512 = vector.broadcast %parallel_loop3A_511 : f32 to vector<16xf32>
      %parallel_loop3A_513 = arith.select %parallel_loop3A_510, %parallel_loop3A_507, %parallel_loop3A_512 : vector<16xi1>, vector<16xf32>
      %parallel_loop3A_514 = arith.addf %parallel_loop3A_503, %parallel_loop3A_513 : vector<16xf32>
      scf.yield %parallel_loop3A_514 : vector<16xf32>
    } {sc.loop_unroll_factor = 16 : i64, sc.parallel_access}
    %reduce_sum3A = arith.constant true
    %reduce_sum3A_237 = vector.broadcast %reduce_sum3A : i1 to vector<16xi1>
    %reduce_sum3A_238 = tpu.scan <sum>, %parallel_loop3A_236 masked %reduce_sum3A_237 : vector<16xf32>, vector<16xi1> -> vector<16xf32>
    %reduce_sum3A_239 = vector.extract %reduce_sum3A_238[15] : f32 from vector<16xf32>
    %broadcast_in_dim3A_240 = vector.broadcast %or3A_230 : i32 to vector<16xi32>
    %bitcast_convert_type3A = tpu.bitcast %broadcast_in_dim3A_240 : vector<16xi32> -> vector<16xf32>
    %reduce_max3A_241 = arith.constant true
    %reduce_max3A_242 = vector.broadcast %reduce_max3A_241 : i1 to vector<16xi1>
    %reduce_max3A_243 = tpu.scan <max>, %bitcast_convert_type3A masked %reduce_max3A_242 : vector<16xf32>, vector<16xi1> -> vector<16xf32>
    %reduce_max3A_244 = vector.extract %reduce_max3A_243[15] : f32 from vector<16xf32>
    %convert_element_type3A = arith.sitofp %sub3A_227 : i32 to f32
    %mul3A_245 = arith.mulf %convert_element_type3A, %reduce_max3A_244 : f32
    %add3A_246 = arith.addf %reduce_sum3A_239, %mul3A_245 : f32
    %mul3A_247 = arith.constant 4.88042948E-4 : f32
    %mul3A_248 = arith.mulf %add3A_246, %mul3A_247 : f32
    %eq3A = arith.constant 0 : i32
    %eq3A_249 = vector.broadcast %eq3A : i32 to vector<16xi32>
    %eq3A_250 = arith.cmpi eq, %iota3A, %eq3A_249 : vector<16xi32>
    %broadcast_in_dim3A_251 = vector.broadcast %mul3A_248 : f32 to vector<16xf32>
    %select_n3A_252 = arith.select %eq3A_250, %broadcast_in_dim3A_251, %broadcast_in_dim3A_3 : vector<16xi1>, vector<16xf32>
    %dma_wait3A_253 = arith.constant 0 : i32
    %dma_wait3A_254 = tpu.memref_slice %arg2[%add3A_21, %dma_wait3A_253] : memref<128x32768xf32, #tpu.memory_space<hbm>> -> memref<1x32768xf32, #tpu.memory_space<hbm>>
    %dma_wait3A_255 = tpu.memref_squeeze %dma_wait3A_254 : memref<1x32768xf32, #tpu.memory_space<hbm>> -> memref<32768xf32, #tpu.memory_space<hbm>>
    %dma_wait3A_256 = arith.constant 0 : i32
    %dma_wait3A_257 = tpu.memref_slice %arg2[%add3A_21, %dma_wait3A_256] : memref<128x32768xf32, #tpu.memory_space<hbm>> -> memref<1x32768xf32, #tpu.memory_space<hbm>>
    %dma_wait3A_258 = tpu.memref_squeeze %dma_wait3A_257 : memref<1x32768xf32, #tpu.memory_space<hbm>> -> memref<32768xf32, #tpu.memory_space<hbm>>
    tpu.wait_dma2 semaphore(%arg8 : memref<!tpu.dma_semaphore, #tpu.memory_space<semaphore_mem>>) src(%dma_wait3A_258 : memref<32768xf32, #tpu.memory_space<hbm>>) dst(%arg5 : memref<32768xf32, #tpu.memory_space<vmem>>)
    %broadcast_in_dim3A_259 = arith.constant 0 : i32
    %broadcast_in_dim3A_260 = vector.broadcast %broadcast_in_dim3A_259 : i32 to vector<16xi32>
    %parallel_loop3A_261 = arith.constant 0 : i32
    %parallel_loop3A_262 = arith.constant 64 : i32
    %parallel_loop3A_263 = arith.constant 1 : i32
    scf.for %parallel_loop3A_502 = %parallel_loop3A_261 to %parallel_loop3A_262 step %parallel_loop3A_263  : i32 {
      %parallel_loop3A_503 = arith.constant 16 : i32
      %parallel_loop3A_504 = arith.muli %parallel_loop3A_502, %parallel_loop3A_503 : i32
      %parallel_loop3A_505 = arith.index_cast %parallel_loop3A_504 : i32 to index
      %parallel_loop3A_506 = tpu.vector_load %arg6[%parallel_loop3A_505] {strides = array<i32>} : memref<1024xi32, #tpu.memory_space<vmem>>, vector<16xi32>,
      tpu.vector_store %arg6[%parallel_loop3A_505], %broadcast_in_dim3A_260 {strides = array<i32>} : memref<1024xi32, #tpu.memory_space<vmem>>, vector<16xi32>,
    } {sc.loop_unroll_factor = 16 : i64, sc.parallel_access}
    %parallel_loop3A_264 = arith.constant 0 : i32
    %parallel_loop3A_265 = arith.constant 2048 : i32
    %parallel_loop3A_266 = arith.constant 1 : i32
    scf.for %parallel_loop3A_502 = %parallel_loop3A_264 to %parallel_loop3A_265 step %parallel_loop3A_266  : i32 {
      %parallel_loop3A_503 = arith.constant 16 : i32
      %parallel_loop3A_504 = arith.muli %parallel_loop3A_502, %parallel_loop3A_503 : i32
      %parallel_loop3A_505 = arith.index_cast %parallel_loop3A_504 : i32 to index
      %parallel_loop3A_506 = tpu.vector_load %arg5[%parallel_loop3A_505] {strides = array<i32>} : memref<32768xf32, #tpu.memory_space<vmem>>, vector<16xf32>,
      %parallel_loop3A_507 = tpu.bitcast %parallel_loop3A_506 : vector<16xf32> -> vector<16xi32>
      %parallel_loop3A_508 = arith.constant 20 : i32
      %parallel_loop3A_509 = vector.broadcast %parallel_loop3A_508 : i32 to vector<16xi32>
      %parallel_loop3A_510 = arith.shrui %parallel_loop3A_507, %parallel_loop3A_509 : vector<16xi32>
      %parallel_loop3A_511 = arith.constant 1023 : i32
      %parallel_loop3A_512 = vector.broadcast %parallel_loop3A_511 : i32 to vector<16xi32>
      %parallel_loop3A_513 = arith.andi %parallel_loop3A_510, %parallel_loop3A_512 : vector<16xi32>
      tpu.vector_store_idx %arg6[%parallel_loop3A_513], %broadcast_in_dim3A_1 {add = true} : memref<1024xi32, #tpu.memory_space<vmem>>[vector<16xi32>], vector<16xi32>,
    } {sc.loop_unroll_factor = 16 : i64, sc.parallel_access}
    %iota3A_267 = tpu.iota {dimensions = array<i32: 0>} : vector<16xi32>
    %scan3A_268 = arith.constant 0 : i32
    %scan3A_269 = arith.constant 0 : i32
    %scan3A_270 = arith.constant 0 : i32
    %scan3A_271 = arith.constant 0 : i32
    %scan3A_272 = arith.constant 64 : i32
    %scan3A_273 = arith.addi %scan3A_271, %scan3A_272 : i32
    %scan3A_274 = arith.constant 1 : i32
    %scan3A_275:3 = scf.for %scan3A_502 = %scan3A_271 to %scan3A_273 step %scan3A_274 iter_args(%scan3A_503 = %scan3A_268, %scan3A_504 = %scan3A_269, %scan3A_505 = %scan3A_270) -> (i32, i32, i32)  : i32 {
      %sub3A_506 = arith.constant 63 : i32
      %sub3A_507 = arith.subi %sub3A_506, %scan3A_502 : i32
      %mul3A_508 = arith.constant 16 : i32
      %mul3A_509 = arith.muli %sub3A_507, %mul3A_508 : i32
      %get3A_510 = arith.index_cast %mul3A_509 : i32 to index
      %get3A_511 = tpu.vector_load %arg6[%get3A_510] {strides = array<i32>} : memref<1024xi32, #tpu.memory_space<vmem>>, vector<16xi32>,
      %reduce_sum3A_512 = arith.constant true
      %reduce_sum3A_513 = vector.broadcast %reduce_sum3A_512 : i1 to vector<16xi1>
      %reduce_sum3A_514 = tpu.scan <sum>, %get3A_511 masked %reduce_sum3A_513 : vector<16xi32>, vector<16xi1> -> vector<16xi32>
      %reduce_sum3A_515 = vector.extract %reduce_sum3A_514[15] : i32 from vector<16xi32>
      %add3A_516 = arith.addi %scan3A_503, %reduce_sum3A_515 : i32
      %lt3A_517 = arith.constant 2049 : i32
      %lt3A_518 = arith.cmpi slt, %scan3A_503, %lt3A_517 : i32
      %ge3A_519 = arith.constant 2049 : i32
      %ge3A_520 = arith.cmpi sge, %add3A_516, %ge3A_519 : i32
      %and3A_521 = arith.andi %lt3A_518, %ge3A_520 : i1
      %select_n3A_522 = arith.select %and3A_521, %sub3A_507, %scan3A_504 : i32
      %select_n3A_523 = arith.select %and3A_521, %scan3A_503, %scan3A_505 : i32
      scf.yield %add3A_516, %select_n3A_522, %select_n3A_523 : i32, i32, i32
    }
    %scan3A_276 = arith.constant 64 : i32
    %mul3A_277 = arith.constant 16 : i32
    %mul3A_278 = arith.muli %scan3A_275#1, %mul3A_277 : i32
    %get3A_279 = arith.index_cast %mul3A_278 : i32 to index
    %get3A_280 = tpu.vector_load %arg6[%get3A_279] {strides = array<i32>} : memref<1024xi32, #tpu.memory_space<vmem>>, vector<16xi32>,
    %cumsum3A_281 = arith.constant true
    %cumsum3A_282 = vector.broadcast %cumsum3A_281 : i1 to vector<16xi1>
    %cumsum3A_283 = tpu.scan <sum>, %get3A_280 masked %cumsum3A_282 : vector<16xi32>, vector<16xi1> -> vector<16xi32>
    %reduce_max3A_284 = arith.constant true
    %reduce_max3A_285 = vector.broadcast %reduce_max3A_284 : i1 to vector<16xi1>
    %reduce_max3A_286 = arith.constant -2147483648 : i32
    %reduce_max3A_287 = vector.broadcast %reduce_max3A_286 : i32 to vector<16xi32>
    %reduce_max3A_288 = arith.xori %cumsum3A_283, %reduce_max3A_287 : vector<16xi32>
    %reduce_max3A_289 = tpu.scan <max>, %reduce_max3A_288 masked %reduce_max3A_285 : vector<16xi32>, vector<16xi1> -> vector<16xi32>
    %reduce_max3A_290 = arith.xori %reduce_max3A_289, %reduce_max3A_287 : vector<16xi32>
    %reduce_max3A_291 = vector.extract %reduce_max3A_290[15] : i32 from vector<16xi32>
    %add3A_292 = arith.addi %scan3A_275#2, %reduce_max3A_291 : i32
    %sub3A_293 = vector.broadcast %add3A_292 : i32 to vector<16xi32>
    %sub3A_294 = arith.subi %sub3A_293, %cumsum3A_283 : vector<16xi32>
    %add3A_295 = arith.addi %sub3A_294, %get3A_280 : vector<16xi32>
    %ge3A_296 = arith.constant 2049 : i32
    %ge3A_297 = vector.broadcast %ge3A_296 : i32 to vector<16xi32>
    %ge3A_298 = arith.cmpi sge, %add3A_295, %ge3A_297 : vector<16xi32>
    %lt3A_299 = arith.constant 2049 : i32
    %lt3A_300 = vector.broadcast %lt3A_299 : i32 to vector<16xi32>
    %lt3A_301 = arith.cmpi slt, %sub3A_294, %lt3A_300 : vector<16xi32>
    %and3A_302 = arith.andi %ge3A_298, %lt3A_301 : vector<16xi1>
    %mul3A_303 = arith.constant 16 : i32
    %mul3A_304 = arith.muli %scan3A_275#1, %mul3A_303 : i32
    %add3A_305 = vector.broadcast %mul3A_304 : i32 to vector<16xi32>
    %add3A_306 = arith.addi %add3A_305, %iota3A_267 : vector<16xi32>
    %jit3A_307 = arith.constant -1 : i32
    %broadcast_in_dim3A_308 = vector.broadcast %jit3A_307 : i32 to vector<16xi32>
    %select_n3A_309 = arith.select %and3A_302, %add3A_306, %broadcast_in_dim3A_308 : vector<16xi1>, vector<16xi32>
    %reduce_max3A_310 = arith.constant true
    %reduce_max3A_311 = vector.broadcast %reduce_max3A_310 : i1 to vector<16xi1>
    %reduce_max3A_312 = arith.constant -2147483648 : i32
    %reduce_max3A_313 = vector.broadcast %reduce_max3A_312 : i32 to vector<16xi32>
    %reduce_max3A_314 = arith.xori %select_n3A_309, %reduce_max3A_313 : vector<16xi32>
    %reduce_max3A_315 = tpu.scan <max>, %reduce_max3A_314 masked %reduce_max3A_311 : vector<16xi32>, vector<16xi1> -> vector<16xi32>
    %reduce_max3A_316 = arith.xori %reduce_max3A_315, %reduce_max3A_313 : vector<16xi32>
    %reduce_max3A_317 = vector.extract %reduce_max3A_316[15] : i32 from vector<16xi32>
    %jit3A_318 = arith.constant -1 : i32
    %broadcast_in_dim3A_319 = vector.broadcast %jit3A_318 : i32 to vector<16xi32>
    %select_n3A_320 = arith.select %and3A_302, %sub3A_294, %broadcast_in_dim3A_319 : vector<16xi1>, vector<16xi32>
    %reduce_max3A_321 = arith.constant true
    %reduce_max3A_322 = vector.broadcast %reduce_max3A_321 : i1 to vector<16xi1>
    %reduce_max3A_323 = arith.constant -2147483648 : i32
    %reduce_max3A_324 = vector.broadcast %reduce_max3A_323 : i32 to vector<16xi32>
    %reduce_max3A_325 = arith.xori %select_n3A_320, %reduce_max3A_324 : vector<16xi32>
    %reduce_max3A_326 = tpu.scan <max>, %reduce_max3A_325 masked %reduce_max3A_322 : vector<16xi32>, vector<16xi1> -> vector<16xi32>
    %reduce_max3A_327 = arith.xori %reduce_max3A_326, %reduce_max3A_324 : vector<16xi32>
    %reduce_max3A_328 = vector.extract %reduce_max3A_327[15] : i32 from vector<16xi32>
    %sub3A_329 = arith.constant 2049 : i32
    %sub3A_330 = arith.subi %sub3A_329, %reduce_max3A_328 : i32
    %broadcast_in_dim3A_331 = arith.constant 0 : i32
    %broadcast_in_dim3A_332 = vector.broadcast %broadcast_in_dim3A_331 : i32 to vector<16xi32>
    %parallel_loop3A_333 = arith.constant 0 : i32
    %parallel_loop3A_334 = arith.constant 64 : i32
    %parallel_loop3A_335 = arith.constant 1 : i32
    scf.for %parallel_loop3A_502 = %parallel_loop3A_333 to %parallel_loop3A_334 step %parallel_loop3A_335  : i32 {
      %parallel_loop3A_503 = arith.constant 16 : i32
      %parallel_loop3A_504 = arith.muli %parallel_loop3A_502, %parallel_loop3A_503 : i32
      %parallel_loop3A_505 = arith.index_cast %parallel_loop3A_504 : i32 to index
      %parallel_loop3A_506 = tpu.vector_load %arg6[%parallel_loop3A_505] {strides = array<i32>} : memref<1024xi32, #tpu.memory_space<vmem>>, vector<16xi32>,
      tpu.vector_store %arg6[%parallel_loop3A_505], %broadcast_in_dim3A_332 {strides = array<i32>} : memref<1024xi32, #tpu.memory_space<vmem>>, vector<16xi32>,
    } {sc.loop_unroll_factor = 16 : i64, sc.parallel_access}
    %parallel_loop3A_336 = arith.constant 0 : i32
    %parallel_loop3A_337 = arith.constant 2048 : i32
    %parallel_loop3A_338 = arith.constant 1 : i32
    scf.for %parallel_loop3A_502 = %parallel_loop3A_336 to %parallel_loop3A_337 step %parallel_loop3A_338  : i32 {
      %parallel_loop3A_503 = arith.constant 16 : i32
      %parallel_loop3A_504 = arith.muli %parallel_loop3A_502, %parallel_loop3A_503 : i32
      %parallel_loop3A_505 = arith.index_cast %parallel_loop3A_504 : i32 to index
      %parallel_loop3A_506 = tpu.vector_load %arg5[%parallel_loop3A_505] {strides = array<i32>} : memref<32768xf32, #tpu.memory_space<vmem>>, vector<16xf32>,
      %parallel_loop3A_507 = tpu.bitcast %parallel_loop3A_506 : vector<16xf32> -> vector<16xi32>
      %parallel_loop3A_508 = arith.constant 10 : i32
      %parallel_loop3A_509 = vector.broadcast %parallel_loop3A_508 : i32 to vector<16xi32>
      %parallel_loop3A_510 = arith.shrui %parallel_loop3A_507, %parallel_loop3A_509 : vector<16xi32>
      %parallel_loop3A_511 = arith.constant 1023 : i32
      %parallel_loop3A_512 = vector.broadcast %parallel_loop3A_511 : i32 to vector<16xi32>
      %parallel_loop3A_513 = arith.andi %parallel_loop3A_510, %parallel_loop3A_512 : vector<16xi32>
      %parallel_loop3A_514 = arith.constant 20 : i32
      %parallel_loop3A_515 = vector.broadcast %parallel_loop3A_514 : i32 to vector<16xi32>
      %parallel_loop3A_516 = arith.shrui %parallel_loop3A_507, %parallel_loop3A_515 : vector<16xi32>
      %parallel_loop3A_517 = vector.broadcast %reduce_max3A_317 : i32 to vector<16xi32>
      %parallel_loop3A_518 = arith.cmpi eq, %parallel_loop3A_516, %parallel_loop3A_517 : vector<16xi32>
      tpu.vector_store_idx %arg6[%parallel_loop3A_513], %broadcast_in_dim3A_1 masked %parallel_loop3A_518 {add = true} : memref<1024xi32, #tpu.memory_space<vmem>>[vector<16xi32>], vector<16xi32>, vector<16xi1>
    } {sc.loop_unroll_factor = 16 : i64, sc.parallel_access}
    %iota3A_339 = tpu.iota {dimensions = array<i32: 0>} : vector<16xi32>
    %scan3A_340 = arith.constant 0 : i32
    %scan3A_341 = arith.constant 0 : i32
    %scan3A_342 = arith.constant 0 : i32
    %scan3A_343 = arith.constant 0 : i32
    %scan3A_344 = arith.constant 64 : i32
    %scan3A_345 = arith.addi %scan3A_343, %scan3A_344 : i32
    %scan3A_346 = arith.constant 1 : i32
    %scan3A_347:3 = scf.for %scan3A_502 = %scan3A_343 to %scan3A_345 step %scan3A_346 iter_args(%scan3A_503 = %scan3A_340, %scan3A_504 = %scan3A_341, %scan3A_505 = %scan3A_342) -> (i32, i32, i32)  : i32 {
      %sub3A_506 = arith.constant 63 : i32
      %sub3A_507 = arith.subi %sub3A_506, %scan3A_502 : i32
      %mul3A_508 = arith.constant 16 : i32
      %mul3A_509 = arith.muli %sub3A_507, %mul3A_508 : i32
      %get3A_510 = arith.index_cast %mul3A_509 : i32 to index
      %get3A_511 = tpu.vector_load %arg6[%get3A_510] {strides = array<i32>} : memref<1024xi32, #tpu.memory_space<vmem>>, vector<16xi32>,
      %reduce_sum3A_512 = arith.constant true
      %reduce_sum3A_513 = vector.broadcast %reduce_sum3A_512 : i1 to vector<16xi1>
      %reduce_sum3A_514 = tpu.scan <sum>, %get3A_511 masked %reduce_sum3A_513 : vector<16xi32>, vector<16xi1> -> vector<16xi32>
      %reduce_sum3A_515 = vector.extract %reduce_sum3A_514[15] : i32 from vector<16xi32>
      %add3A_516 = arith.addi %scan3A_503, %reduce_sum3A_515 : i32
      %lt3A_517 = arith.cmpi slt, %scan3A_503, %sub3A_330 : i32
      %ge3A_518 = arith.cmpi sge, %add3A_516, %sub3A_330 : i32
      %and3A_519 = arith.andi %lt3A_517, %ge3A_518 : i1
      %select_n3A_520 = arith.select %and3A_519, %sub3A_507, %scan3A_504 : i32
      %select_n3A_521 = arith.select %and3A_519, %scan3A_503, %scan3A_505 : i32
      scf.yield %add3A_516, %select_n3A_520, %select_n3A_521 : i32, i32, i32
    }
    %scan3A_348 = arith.constant 64 : i32
    %mul3A_349 = arith.constant 16 : i32
    %mul3A_350 = arith.muli %scan3A_347#1, %mul3A_349 : i32
    %get3A_351 = arith.index_cast %mul3A_350 : i32 to index
    %get3A_352 = tpu.vector_load %arg6[%get3A_351] {strides = array<i32>} : memref<1024xi32, #tpu.memory_space<vmem>>, vector<16xi32>,
    %cumsum3A_353 = arith.constant true
    %cumsum3A_354 = vector.broadcast %cumsum3A_353 : i1 to vector<16xi1>
    %cumsum3A_355 = tpu.scan <sum>, %get3A_352 masked %cumsum3A_354 : vector<16xi32>, vector<16xi1> -> vector<16xi32>
    %reduce_max3A_356 = arith.constant true
    %reduce_max3A_357 = vector.broadcast %reduce_max3A_356 : i1 to vector<16xi1>
    %reduce_max3A_358 = arith.constant -2147483648 : i32
    %reduce_max3A_359 = vector.broadcast %reduce_max3A_358 : i32 to vector<16xi32>
    %reduce_max3A_360 = arith.xori %cumsum3A_355, %reduce_max3A_359 : vector<16xi32>
    %reduce_max3A_361 = tpu.scan <max>, %reduce_max3A_360 masked %reduce_max3A_357 : vector<16xi32>, vector<16xi1> -> vector<16xi32>
    %reduce_max3A_362 = arith.xori %reduce_max3A_361, %reduce_max3A_359 : vector<16xi32>
    %reduce_max3A_363 = vector.extract %reduce_max3A_362[15] : i32 from vector<16xi32>
    %add3A_364 = arith.addi %scan3A_347#2, %reduce_max3A_363 : i32
    %sub3A_365 = vector.broadcast %add3A_364 : i32 to vector<16xi32>
    %sub3A_366 = arith.subi %sub3A_365, %cumsum3A_355 : vector<16xi32>
    %add3A_367 = arith.addi %sub3A_366, %get3A_352 : vector<16xi32>
    %ge3A_368 = vector.broadcast %sub3A_330 : i32 to vector<16xi32>
    %ge3A_369 = arith.cmpi sge, %add3A_367, %ge3A_368 : vector<16xi32>
    %lt3A_370 = vector.broadcast %sub3A_330 : i32 to vector<16xi32>
    %lt3A_371 = arith.cmpi slt, %sub3A_366, %lt3A_370 : vector<16xi32>
    %and3A_372 = arith.andi %ge3A_369, %lt3A_371 : vector<16xi1>
    %mul3A_373 = arith.constant 16 : i32
    %mul3A_374 = arith.muli %scan3A_347#1, %mul3A_373 : i32
    %add3A_375 = vector.broadcast %mul3A_374 : i32 to vector<16xi32>
    %add3A_376 = arith.addi %add3A_375, %iota3A_339 : vector<16xi32>
    %jit3A_377 = arith.constant -1 : i32
    %broadcast_in_dim3A_378 = vector.broadcast %jit3A_377 : i32 to vector<16xi32>
    %select_n3A_379 = arith.select %and3A_372, %add3A_376, %broadcast_in_dim3A_378 : vector<16xi1>, vector<16xi32>
    %reduce_max3A_380 = arith.constant true
    %reduce_max3A_381 = vector.broadcast %reduce_max3A_380 : i1 to vector<16xi1>
    %reduce_max3A_382 = arith.constant -2147483648 : i32
    %reduce_max3A_383 = vector.broadcast %reduce_max3A_382 : i32 to vector<16xi32>
    %reduce_max3A_384 = arith.xori %select_n3A_379, %reduce_max3A_383 : vector<16xi32>
    %reduce_max3A_385 = tpu.scan <max>, %reduce_max3A_384 masked %reduce_max3A_381 : vector<16xi32>, vector<16xi1> -> vector<16xi32>
    %reduce_max3A_386 = arith.xori %reduce_max3A_385, %reduce_max3A_383 : vector<16xi32>
    %reduce_max3A_387 = vector.extract %reduce_max3A_386[15] : i32 from vector<16xi32>
    %jit3A_388 = arith.constant -1 : i32
    %broadcast_in_dim3A_389 = vector.broadcast %jit3A_388 : i32 to vector<16xi32>
    %select_n3A_390 = arith.select %and3A_372, %sub3A_366, %broadcast_in_dim3A_389 : vector<16xi1>, vector<16xi32>
    %reduce_max3A_391 = arith.constant true
    %reduce_max3A_392 = vector.broadcast %reduce_max3A_391 : i1 to vector<16xi1>
    %reduce_max3A_393 = arith.constant -2147483648 : i32
    %reduce_max3A_394 = vector.broadcast %reduce_max3A_393 : i32 to vector<16xi32>
    %reduce_max3A_395 = arith.xori %select_n3A_390, %reduce_max3A_394 : vector<16xi32>
    %reduce_max3A_396 = tpu.scan <max>, %reduce_max3A_395 masked %reduce_max3A_392 : vector<16xi32>, vector<16xi1> -> vector<16xi32>
    %reduce_max3A_397 = arith.xori %reduce_max3A_396, %reduce_max3A_394 : vector<16xi32>
    %reduce_max3A_398 = vector.extract %reduce_max3A_397[15] : i32 from vector<16xi32>
    %sub3A_399 = arith.subi %sub3A_330, %reduce_max3A_398 : i32
    %shift_left3A_400 = arith.constant 10 : i32
    %shift_left3A_401 = arith.shli %reduce_max3A_317, %shift_left3A_400 : i32
    %or3A_402 = arith.ori %shift_left3A_401, %reduce_max3A_387 : i32
    %broadcast_in_dim3A_403 = arith.constant 0 : i32
    %broadcast_in_dim3A_404 = vector.broadcast %broadcast_in_dim3A_403 : i32 to vector<16xi32>
    %parallel_loop3A_405 = arith.constant 0 : i32
    %parallel_loop3A_406 = arith.constant 64 : i32
    %parallel_loop3A_407 = arith.constant 1 : i32
    scf.for %parallel_loop3A_502 = %parallel_loop3A_405 to %parallel_loop3A_406 step %parallel_loop3A_407  : i32 {
      %parallel_loop3A_503 = arith.constant 16 : i32
      %parallel_loop3A_504 = arith.muli %parallel_loop3A_502, %parallel_loop3A_503 : i32
      %parallel_loop3A_505 = arith.index_cast %parallel_loop3A_504 : i32 to index
      %parallel_loop3A_506 = tpu.vector_load %arg6[%parallel_loop3A_505] {strides = array<i32>} : memref<1024xi32, #tpu.memory_space<vmem>>, vector<16xi32>,
      tpu.vector_store %arg6[%parallel_loop3A_505], %broadcast_in_dim3A_404 {strides = array<i32>} : memref<1024xi32, #tpu.memory_space<vmem>>, vector<16xi32>,
    } {sc.loop_unroll_factor = 16 : i64, sc.parallel_access}
    %parallel_loop3A_408 = arith.constant 0 : i32
    %parallel_loop3A_409 = arith.constant 2048 : i32
    %parallel_loop3A_410 = arith.constant 1 : i32
    scf.for %parallel_loop3A_502 = %parallel_loop3A_408 to %parallel_loop3A_409 step %parallel_loop3A_410  : i32 {
      %parallel_loop3A_503 = arith.constant 16 : i32
      %parallel_loop3A_504 = arith.muli %parallel_loop3A_502, %parallel_loop3A_503 : i32
      %parallel_loop3A_505 = arith.index_cast %parallel_loop3A_504 : i32 to index
      %parallel_loop3A_506 = tpu.vector_load %arg5[%parallel_loop3A_505] {strides = array<i32>} : memref<32768xf32, #tpu.memory_space<vmem>>, vector<16xf32>,
      %parallel_loop3A_507 = tpu.bitcast %parallel_loop3A_506 : vector<16xf32> -> vector<16xi32>
      %parallel_loop3A_508 = arith.constant 0 : i32
      %parallel_loop3A_509 = vector.broadcast %parallel_loop3A_508 : i32 to vector<16xi32>
      %parallel_loop3A_510 = arith.shrui %parallel_loop3A_507, %parallel_loop3A_509 : vector<16xi32>
      %parallel_loop3A_511 = arith.constant 1023 : i32
      %parallel_loop3A_512 = vector.broadcast %parallel_loop3A_511 : i32 to vector<16xi32>
      %parallel_loop3A_513 = arith.andi %parallel_loop3A_510, %parallel_loop3A_512 : vector<16xi32>
      %parallel_loop3A_514 = arith.constant 10 : i32
      %parallel_loop3A_515 = vector.broadcast %parallel_loop3A_514 : i32 to vector<16xi32>
      %parallel_loop3A_516 = arith.shrui %parallel_loop3A_507, %parallel_loop3A_515 : vector<16xi32>
      %parallel_loop3A_517 = vector.broadcast %or3A_402 : i32 to vector<16xi32>
      %parallel_loop3A_518 = arith.cmpi eq, %parallel_loop3A_516, %parallel_loop3A_517 : vector<16xi32>
      tpu.vector_store_idx %arg6[%parallel_loop3A_513], %broadcast_in_dim3A_1 masked %parallel_loop3A_518 {add = true} : memref<1024xi32, #tpu.memory_space<vmem>>[vector<16xi32>], vector<16xi32>, vector<16xi1>
    } {sc.loop_unroll_factor = 16 : i64, sc.parallel_access}
    %iota3A_411 = tpu.iota {dimensions = array<i32: 0>} : vector<16xi32>
    %scan3A_412 = arith.constant 0 : i32
    %scan3A_413 = arith.constant 0 : i32
    %scan3A_414 = arith.constant 0 : i32
    %scan3A_415 = arith.constant 0 : i32
    %scan3A_416 = arith.constant 64 : i32
    %scan3A_417 = arith.addi %scan3A_415, %scan3A_416 : i32
    %scan3A_418 = arith.constant 1 : i32
    %scan3A_419:3 = scf.for %scan3A_502 = %scan3A_415 to %scan3A_417 step %scan3A_418 iter_args(%scan3A_503 = %scan3A_412, %scan3A_504 = %scan3A_413, %scan3A_505 = %scan3A_414) -> (i32, i32, i32)  : i32 {
      %sub3A_506 = arith.constant 63 : i32
      %sub3A_507 = arith.subi %sub3A_506, %scan3A_502 : i32
      %mul3A_508 = arith.constant 16 : i32
      %mul3A_509 = arith.muli %sub3A_507, %mul3A_508 : i32
      %get3A_510 = arith.index_cast %mul3A_509 : i32 to index
      %get3A_511 = tpu.vector_load %arg6[%get3A_510] {strides = array<i32>} : memref<1024xi32, #tpu.memory_space<vmem>>, vector<16xi32>,
      %reduce_sum3A_512 = arith.constant true
      %reduce_sum3A_513 = vector.broadcast %reduce_sum3A_512 : i1 to vector<16xi1>
      %reduce_sum3A_514 = tpu.scan <sum>, %get3A_511 masked %reduce_sum3A_513 : vector<16xi32>, vector<16xi1> -> vector<16xi32>
      %reduce_sum3A_515 = vector.extract %reduce_sum3A_514[15] : i32 from vector<16xi32>
      %add3A_516 = arith.addi %scan3A_503, %reduce_sum3A_515 : i32
      %lt3A_517 = arith.cmpi slt, %scan3A_503, %sub3A_399 : i32
      %ge3A_518 = arith.cmpi sge, %add3A_516, %sub3A_399 : i32
      %and3A_519 = arith.andi %lt3A_517, %ge3A_518 : i1
      %select_n3A_520 = arith.select %and3A_519, %sub3A_507, %scan3A_504 : i32
      %select_n3A_521 = arith.select %and3A_519, %scan3A_503, %scan3A_505 : i32
      scf.yield %add3A_516, %select_n3A_520, %select_n3A_521 : i32, i32, i32
    }
    %scan3A_420 = arith.constant 64 : i32
    %mul3A_421 = arith.constant 16 : i32
    %mul3A_422 = arith.muli %scan3A_419#1, %mul3A_421 : i32
    %get3A_423 = arith.index_cast %mul3A_422 : i32 to index
    %get3A_424 = tpu.vector_load %arg6[%get3A_423] {strides = array<i32>} : memref<1024xi32, #tpu.memory_space<vmem>>, vector<16xi32>,
    %cumsum3A_425 = arith.constant true
    %cumsum3A_426 = vector.broadcast %cumsum3A_425 : i1 to vector<16xi1>
    %cumsum3A_427 = tpu.scan <sum>, %get3A_424 masked %cumsum3A_426 : vector<16xi32>, vector<16xi1> -> vector<16xi32>
    %reduce_max3A_428 = arith.constant true
    %reduce_max3A_429 = vector.broadcast %reduce_max3A_428 : i1 to vector<16xi1>
    %reduce_max3A_430 = arith.constant -2147483648 : i32
    %reduce_max3A_431 = vector.broadcast %reduce_max3A_430 : i32 to vector<16xi32>
    %reduce_max3A_432 = arith.xori %cumsum3A_427, %reduce_max3A_431 : vector<16xi32>
    %reduce_max3A_433 = tpu.scan <max>, %reduce_max3A_432 masked %reduce_max3A_429 : vector<16xi32>, vector<16xi1> -> vector<16xi32>
    %reduce_max3A_434 = arith.xori %reduce_max3A_433, %reduce_max3A_431 : vector<16xi32>
    %reduce_max3A_435 = vector.extract %reduce_max3A_434[15] : i32 from vector<16xi32>
    %add3A_436 = arith.addi %scan3A_419#2, %reduce_max3A_435 : i32
    %sub3A_437 = vector.broadcast %add3A_436 : i32 to vector<16xi32>
    %sub3A_438 = arith.subi %sub3A_437, %cumsum3A_427 : vector<16xi32>
    %add3A_439 = arith.addi %sub3A_438, %get3A_424 : vector<16xi32>
    %ge3A_440 = vector.broadcast %sub3A_399 : i32 to vector<16xi32>
    %ge3A_441 = arith.cmpi sge, %add3A_439, %ge3A_440 : vector<16xi32>
    %lt3A_442 = vector.broadcast %sub3A_399 : i32 to vector<16xi32>
    %lt3A_443 = arith.cmpi slt, %sub3A_438, %lt3A_442 : vector<16xi32>
    %and3A_444 = arith.andi %ge3A_441, %lt3A_443 : vector<16xi1>
    %mul3A_445 = arith.constant 16 : i32
    %mul3A_446 = arith.muli %scan3A_419#1, %mul3A_445 : i32
    %add3A_447 = vector.broadcast %mul3A_446 : i32 to vector<16xi32>
    %add3A_448 = arith.addi %add3A_447, %iota3A_411 : vector<16xi32>
    %jit3A_449 = arith.constant -1 : i32
    %broadcast_in_dim3A_450 = vector.broadcast %jit3A_449 : i32 to vector<16xi32>
    %select_n3A_451 = arith.select %and3A_444, %add3A_448, %broadcast_in_dim3A_450 : vector<16xi1>, vector<16xi32>
    %reduce_max3A_452 = arith.constant true
    %reduce_max3A_453 = vector.broadcast %reduce_max3A_452 : i1 to vector<16xi1>
    %reduce_max3A_454 = arith.constant -2147483648 : i32
    %reduce_max3A_455 = vector.broadcast %reduce_max3A_454 : i32 to vector<16xi32>
    %reduce_max3A_456 = arith.xori %select_n3A_451, %reduce_max3A_455 : vector<16xi32>
    %reduce_max3A_457 = tpu.scan <max>, %reduce_max3A_456 masked %reduce_max3A_453 : vector<16xi32>, vector<16xi1> -> vector<16xi32>
    %reduce_max3A_458 = arith.xori %reduce_max3A_457, %reduce_max3A_455 : vector<16xi32>
    %reduce_max3A_459 = vector.extract %reduce_max3A_458[15] : i32 from vector<16xi32>
    %jit3A_460 = arith.constant -1 : i32
    %broadcast_in_dim3A_461 = vector.broadcast %jit3A_460 : i32 to vector<16xi32>
    %select_n3A_462 = arith.select %and3A_444, %sub3A_438, %broadcast_in_dim3A_461 : vector<16xi1>, vector<16xi32>
    %reduce_max3A_463 = arith.constant true
    %reduce_max3A_464 = vector.broadcast %reduce_max3A_463 : i1 to vector<16xi1>
    %reduce_max3A_465 = arith.constant -2147483648 : i32
    %reduce_max3A_466 = vector.broadcast %reduce_max3A_465 : i32 to vector<16xi32>
    %reduce_max3A_467 = arith.xori %select_n3A_462, %reduce_max3A_466 : vector<16xi32>
    %reduce_max3A_468 = tpu.scan <max>, %reduce_max3A_467 masked %reduce_max3A_464 : vector<16xi32>, vector<16xi1> -> vector<16xi32>
    %reduce_max3A_469 = arith.xori %reduce_max3A_468, %reduce_max3A_466 : vector<16xi32>
    %reduce_max3A_470 = vector.extract %reduce_max3A_469[15] : i32 from vector<16xi32>
    %sub3A_471 = arith.subi %sub3A_399, %reduce_max3A_470 : i32
    %shift_left3A_472 = arith.constant 10 : i32
    %shift_left3A_473 = arith.shli %or3A_402, %shift_left3A_472 : i32
    %or3A_474 = arith.ori %shift_left3A_473, %reduce_max3A_459 : i32
    %broadcast_in_dim3A_475 = arith.constant 0.000000e+00 : f32
    %broadcast_in_dim3A_476 = vector.broadcast %broadcast_in_dim3A_475 : f32 to vector<16xf32>
    %parallel_loop3A_477 = arith.constant 0 : i32
    %parallel_loop3A_478 = arith.constant 2048 : i32
    %parallel_loop3A_479 = arith.constant 1 : i32
    %parallel_loop3A_480 = scf.for %parallel_loop3A_502 = %parallel_loop3A_477 to %parallel_loop3A_478 step %parallel_loop3A_479 iter_args(%parallel_loop3A_503 = %broadcast_in_dim3A_476) -> (vector<16xf32>)  : i32 {
      %parallel_loop3A_504 = arith.constant 16 : i32
      %parallel_loop3A_505 = arith.muli %parallel_loop3A_502, %parallel_loop3A_504 : i32
      %parallel_loop3A_506 = arith.index_cast %parallel_loop3A_505 : i32 to index
      %parallel_loop3A_507 = tpu.vector_load %arg5[%parallel_loop3A_506] {strides = array<i32>} : memref<32768xf32, #tpu.memory_space<vmem>>, vector<16xf32>,
      %parallel_loop3A_508 = tpu.bitcast %parallel_loop3A_507 : vector<16xf32> -> vector<16xi32>
      %parallel_loop3A_509 = vector.broadcast %or3A_474 : i32 to vector<16xi32>
      %parallel_loop3A_510 = arith.cmpi sgt, %parallel_loop3A_508, %parallel_loop3A_509 : vector<16xi32>
      %parallel_loop3A_511 = arith.constant 0.000000e+00 : f32
      %parallel_loop3A_512 = vector.broadcast %parallel_loop3A_511 : f32 to vector<16xf32>
      %parallel_loop3A_513 = arith.select %parallel_loop3A_510, %parallel_loop3A_507, %parallel_loop3A_512 : vector<16xi1>, vector<16xf32>
      %parallel_loop3A_514 = arith.addf %parallel_loop3A_503, %parallel_loop3A_513 : vector<16xf32>
      scf.yield %parallel_loop3A_514 : vector<16xf32>
    } {sc.loop_unroll_factor = 16 : i64, sc.parallel_access}
    %reduce_sum3A_481 = arith.constant true
    %reduce_sum3A_482 = vector.broadcast %reduce_sum3A_481 : i1 to vector<16xi1>
    %reduce_sum3A_483 = tpu.scan <sum>, %parallel_loop3A_480 masked %reduce_sum3A_482 : vector<16xf32>, vector<16xi1> -> vector<16xf32>
    %reduce_sum3A_484 = vector.extract %reduce_sum3A_483[15] : f32 from vector<16xf32>
    %broadcast_in_dim3A_485 = vector.broadcast %or3A_474 : i32 to vector<16xi32>
    %bitcast_convert_type3A_486 = tpu.bitcast %broadcast_in_dim3A_485 : vector<16xi32> -> vector<16xf32>
    %reduce_max3A_487 = arith.constant true
    %reduce_max3A_488 = vector.broadcast %reduce_max3A_487 : i1 to vector<16xi1>
    %reduce_max3A_489 = tpu.scan <max>, %bitcast_convert_type3A_486 masked %reduce_max3A_488 : vector<16xf32>, vector<16xi1> -> vector<16xf32>
    %reduce_max3A_490 = vector.extract %reduce_max3A_489[15] : f32 from vector<16xf32>
    %convert_element_type3A_491 = arith.sitofp %sub3A_471 : i32 to f32
    %mul3A_492 = arith.mulf %convert_element_type3A_491, %reduce_max3A_490 : f32
    %add3A_493 = arith.addf %reduce_sum3A_484, %mul3A_492 : f32
    %mul3A_494 = arith.constant 4.88042948E-4 : f32
    %mul3A_495 = arith.mulf %add3A_493, %mul3A_494 : f32
    %eq3A_496 = arith.constant 1 : i32
    %eq3A_497 = vector.broadcast %eq3A_496 : i32 to vector<16xi32>
    %eq3A_498 = arith.cmpi eq, %iota3A, %eq3A_497 : vector<16xi32>
    %broadcast_in_dim3A_499 = vector.broadcast %mul3A_495 : f32 to vector<16xf32>
    %select_n3A_500 = arith.select %eq3A_498, %broadcast_in_dim3A_499, %select_n3A_252 : vector<16xi1>, vector<16xf32>
    %swap3A = arith.constant 0 : index
    %swap3A_501 = tpu.vector_load %arg7[%swap3A] {strides = array<i32>} : memref<16xf32, #tpu.memory_space<vmem>>, vector<16xf32>,
    tpu.vector_store %arg7[%swap3A], %select_n3A_500 {strides = array<i32>} : memref<16xf32, #tpu.memory_space<vmem>>, vector<16xf32>,
    "tpu.region"() ({
      %run_scoped3A = tpu.sem_alloc : memref<!tpu.dma_semaphore, #tpu.memory_space<semaphore_mem>>
      %dma_start3A_502 = arith.constant 0 : i32
      %dma_start3A_503 = tpu.memref_slice %arg3[%add3A, %dma_start3A_502] : memref<32x16xf32, #tpu.memory_space<hbm>> -> memref<1x16xf32, #tpu.memory_space<hbm>>
      %dma_start3A_504 = tpu.memref_squeeze %dma_start3A_503 : memref<1x16xf32, #tpu.memory_space<hbm>> -> memref<16xf32, #tpu.memory_space<hbm>>
      %dma_start3A_505 = arith.constant 0 : i32
      %dma_start3A_506 = tpu.memref_slice %arg3[%add3A, %dma_start3A_505] : memref<32x16xf32, #tpu.memory_space<hbm>> -> memref<1x16xf32, #tpu.memory_space<hbm>>
      %dma_start3A_507 = tpu.memref_squeeze %dma_start3A_506 : memref<1x16xf32, #tpu.memory_space<hbm>> -> memref<16xf32, #tpu.memory_space<hbm>>
      tpu.enqueue_dma source(%arg7 : memref<16xf32, #tpu.memory_space<vmem>>) target(%dma_start3A_507 : memref<16xf32, #tpu.memory_space<hbm>>) target_semaphore(%run_scoped3A : memref<!tpu.dma_semaphore, #tpu.memory_space<semaphore_mem>>)
      %dma_wait3A_508 = arith.constant 0 : i32
      %dma_wait3A_509 = tpu.memref_slice %arg3[%add3A, %dma_wait3A_508] : memref<32x16xf32, #tpu.memory_space<hbm>> -> memref<1x16xf32, #tpu.memory_space<hbm>>
      %dma_wait3A_510 = tpu.memref_squeeze %dma_wait3A_509 : memref<1x16xf32, #tpu.memory_space<hbm>> -> memref<16xf32, #tpu.memory_space<hbm>>
      %dma_wait3A_511 = arith.constant 0 : i32
      %dma_wait3A_512 = tpu.memref_slice %arg3[%add3A, %dma_wait3A_511] : memref<32x16xf32, #tpu.memory_space<hbm>> -> memref<1x16xf32, #tpu.memory_space<hbm>>
      %dma_wait3A_513 = tpu.memref_squeeze %dma_wait3A_512 : memref<1x16xf32, #tpu.memory_space<hbm>> -> memref<16xf32, #tpu.memory_space<hbm>>
      tpu.wait_dma2 semaphore(%run_scoped3A : memref<!tpu.dma_semaphore, #tpu.memory_space<semaphore_mem>>) src(%arg7 : memref<16xf32, #tpu.memory_space<vmem>>) dst(%dma_wait3A_513 : memref<16xf32, #tpu.memory_space<hbm>>)
      tpu.yield
    }) : () -> ()
    return
  }
}

module attributes {stable_mosaic.version = 14 : i64} {
  func.func @_tc_topk_body(%arg0: i32, %arg1: memref<64x32768xf32, #tpu.memory_space<vmem>>, %arg2: memref<64x1xf32, #tpu.memory_space<vmem>>) attributes {dimension_semantics = [#tpu.dimension_semantics<arbitrary>], iteration_bounds = array<i64: 1>, scalar_prefetch = 0 : i64, scratch_operands = 0 : i64, tpu.core_type = #tpu.core_type<tc>, window_params = [{transform_indices = @transform_0, window_bounds = array<i64: 64, 32768>}, {pipeline_mode = #tpu.pipeline_mode<synchronous>, transform_indices = @transform_1, window_bounds = array<i64: 64, 1>}]} {
    %get3A = arith.constant 0 : index
    %get3A_0 = arith.constant 0 : index
    %get3A_1 = vector.load %arg1[%get3A, %get3A_0] : memref<64x32768xf32, #tpu.memory_space<vmem>>, vector<64x32768xf32>
    %bitcast_convert_type3A = tpu.bitcast %get3A_1 : vector<64x32768xf32> -> vector<64x32768xi32>
    %broadcast_in_dim3A = arith.constant 0 : i32
    %broadcast_in_dim3A_2 = vector.broadcast %broadcast_in_dim3A : i32 to vector<64x1xi32>
    %broadcast_in_dim3A_3 = arith.constant 1065353216 : i32
    %broadcast_in_dim3A_4 = vector.broadcast %broadcast_in_dim3A_3 : i32 to vector<64x1xi32>
    %scan3A = arith.constant 0 : i32
    %scan3A_5 = arith.constant 30 : i32
    %scan3A_6 = arith.addi %scan3A, %scan3A_5 : i32
    %scan3A_7 = arith.constant 1 : i32
    %scan3A_8:2 = scf.for %scan3A_221 = %scan3A to %scan3A_6 step %scan3A_7 iter_args(%scan3A_222 = %broadcast_in_dim3A_2, %scan3A_223 = %broadcast_in_dim3A_4) -> (vector<64x1xi32>, vector<64x1xi32>)  : i32 {
      %add3A_224 = arith.addi %scan3A_222, %scan3A_223 : vector<64x1xi32>
      %shift_right_arithmetic3A = arith.constant 1 : i32
      %shift_right_arithmetic3A_225 = vector.broadcast %shift_right_arithmetic3A : i32 to vector<64x1xi32>
      %shift_right_arithmetic3A_226 = arith.shrsi %add3A_224, %shift_right_arithmetic3A_225 : vector<64x1xi32>
      %broadcast_in_dim3A_227 = arith.constant 0 : i32
      %broadcast_in_dim3A_228 = vector.broadcast %broadcast_in_dim3A_227 : i32 to vector<64x2048xi32>
      %slice3A_229 = vector.extract_strided_slice %bitcast_convert_type3A {offsets = [0, 0], sizes = [64, 2048], strides = [1, 1]} : vector<64x32768xi32> to vector<64x2048xi32>
      %ge3A = vector.broadcast %shift_right_arithmetic3A_226 : vector<64x1xi32> to vector<64x2048xi32>
      %ge3A_230 = arith.cmpi sge, %slice3A_229, %ge3A : vector<64x2048xi32>
      %convert_element_type3A_231 = arith.extui %ge3A_230 : vector<64x2048xi1> to vector<64x2048xi32>
      %add3A_232 = arith.addi %broadcast_in_dim3A_228, %convert_element_type3A_231 : vector<64x2048xi32>
      %slice3A_233 = vector.extract_strided_slice %bitcast_convert_type3A {offsets = [0, 2048], sizes = [64, 2048], strides = [1, 1]} : vector<64x32768xi32> to vector<64x2048xi32>
      %ge3A_234 = vector.broadcast %shift_right_arithmetic3A_226 : vector<64x1xi32> to vector<64x2048xi32>
      %ge3A_235 = arith.cmpi sge, %slice3A_233, %ge3A_234 : vector<64x2048xi32>
      %convert_element_type3A_236 = arith.extui %ge3A_235 : vector<64x2048xi1> to vector<64x2048xi32>
      %add3A_237 = arith.addi %add3A_232, %convert_element_type3A_236 : vector<64x2048xi32>
      %slice3A_238 = vector.extract_strided_slice %bitcast_convert_type3A {offsets = [0, 4096], sizes = [64, 2048], strides = [1, 1]} : vector<64x32768xi32> to vector<64x2048xi32>
      %ge3A_239 = vector.broadcast %shift_right_arithmetic3A_226 : vector<64x1xi32> to vector<64x2048xi32>
      %ge3A_240 = arith.cmpi sge, %slice3A_238, %ge3A_239 : vector<64x2048xi32>
      %convert_element_type3A_241 = arith.extui %ge3A_240 : vector<64x2048xi1> to vector<64x2048xi32>
      %add3A_242 = arith.addi %add3A_237, %convert_element_type3A_241 : vector<64x2048xi32>
      %slice3A_243 = vector.extract_strided_slice %bitcast_convert_type3A {offsets = [0, 6144], sizes = [64, 2048], strides = [1, 1]} : vector<64x32768xi32> to vector<64x2048xi32>
      %ge3A_244 = vector.broadcast %shift_right_arithmetic3A_226 : vector<64x1xi32> to vector<64x2048xi32>
      %ge3A_245 = arith.cmpi sge, %slice3A_243, %ge3A_244 : vector<64x2048xi32>
      %convert_element_type3A_246 = arith.extui %ge3A_245 : vector<64x2048xi1> to vector<64x2048xi32>
      %add3A_247 = arith.addi %add3A_242, %convert_element_type3A_246 : vector<64x2048xi32>
      %slice3A_248 = vector.extract_strided_slice %bitcast_convert_type3A {offsets = [0, 8192], sizes = [64, 2048], strides = [1, 1]} : vector<64x32768xi32> to vector<64x2048xi32>
      %ge3A_249 = vector.broadcast %shift_right_arithmetic3A_226 : vector<64x1xi32> to vector<64x2048xi32>
      %ge3A_250 = arith.cmpi sge, %slice3A_248, %ge3A_249 : vector<64x2048xi32>
      %convert_element_type3A_251 = arith.extui %ge3A_250 : vector<64x2048xi1> to vector<64x2048xi32>
      %add3A_252 = arith.addi %add3A_247, %convert_element_type3A_251 : vector<64x2048xi32>
      %slice3A_253 = vector.extract_strided_slice %bitcast_convert_type3A {offsets = [0, 10240], sizes = [64, 2048], strides = [1, 1]} : vector<64x32768xi32> to vector<64x2048xi32>
      %ge3A_254 = vector.broadcast %shift_right_arithmetic3A_226 : vector<64x1xi32> to vector<64x2048xi32>
      %ge3A_255 = arith.cmpi sge, %slice3A_253, %ge3A_254 : vector<64x2048xi32>
      %convert_element_type3A_256 = arith.extui %ge3A_255 : vector<64x2048xi1> to vector<64x2048xi32>
      %add3A_257 = arith.addi %add3A_252, %convert_element_type3A_256 : vector<64x2048xi32>
      %slice3A_258 = vector.extract_strided_slice %bitcast_convert_type3A {offsets = [0, 12288], sizes = [64, 2048], strides = [1, 1]} : vector<64x32768xi32> to vector<64x2048xi32>
      %ge3A_259 = vector.broadcast %shift_right_arithmetic3A_226 : vector<64x1xi32> to vector<64x2048xi32>
      %ge3A_260 = arith.cmpi sge, %slice3A_258, %ge3A_259 : vector<64x2048xi32>
      %convert_element_type3A_261 = arith.extui %ge3A_260 : vector<64x2048xi1> to vector<64x2048xi32>
      %add3A_262 = arith.addi %add3A_257, %convert_element_type3A_261 : vector<64x2048xi32>
      %slice3A_263 = vector.extract_strided_slice %bitcast_convert_type3A {offsets = [0, 14336], sizes = [64, 2048], strides = [1, 1]} : vector<64x32768xi32> to vector<64x2048xi32>
      %ge3A_264 = vector.broadcast %shift_right_arithmetic3A_226 : vector<64x1xi32> to vector<64x2048xi32>
      %ge3A_265 = arith.cmpi sge, %slice3A_263, %ge3A_264 : vector<64x2048xi32>
      %convert_element_type3A_266 = arith.extui %ge3A_265 : vector<64x2048xi1> to vector<64x2048xi32>
      %add3A_267 = arith.addi %add3A_262, %convert_element_type3A_266 : vector<64x2048xi32>
      %slice3A_268 = vector.extract_strided_slice %bitcast_convert_type3A {offsets = [0, 16384], sizes = [64, 2048], strides = [1, 1]} : vector<64x32768xi32> to vector<64x2048xi32>
      %ge3A_269 = vector.broadcast %shift_right_arithmetic3A_226 : vector<64x1xi32> to vector<64x2048xi32>
      %ge3A_270 = arith.cmpi sge, %slice3A_268, %ge3A_269 : vector<64x2048xi32>
      %convert_element_type3A_271 = arith.extui %ge3A_270 : vector<64x2048xi1> to vector<64x2048xi32>
      %add3A_272 = arith.addi %add3A_267, %convert_element_type3A_271 : vector<64x2048xi32>
      %slice3A_273 = vector.extract_strided_slice %bitcast_convert_type3A {offsets = [0, 18432], sizes = [64, 2048], strides = [1, 1]} : vector<64x32768xi32> to vector<64x2048xi32>
      %ge3A_274 = vector.broadcast %shift_right_arithmetic3A_226 : vector<64x1xi32> to vector<64x2048xi32>
      %ge3A_275 = arith.cmpi sge, %slice3A_273, %ge3A_274 : vector<64x2048xi32>
      %convert_element_type3A_276 = arith.extui %ge3A_275 : vector<64x2048xi1> to vector<64x2048xi32>
      %add3A_277 = arith.addi %add3A_272, %convert_element_type3A_276 : vector<64x2048xi32>
      %slice3A_278 = vector.extract_strided_slice %bitcast_convert_type3A {offsets = [0, 20480], sizes = [64, 2048], strides = [1, 1]} : vector<64x32768xi32> to vector<64x2048xi32>
      %ge3A_279 = vector.broadcast %shift_right_arithmetic3A_226 : vector<64x1xi32> to vector<64x2048xi32>
      %ge3A_280 = arith.cmpi sge, %slice3A_278, %ge3A_279 : vector<64x2048xi32>
      %convert_element_type3A_281 = arith.extui %ge3A_280 : vector<64x2048xi1> to vector<64x2048xi32>
      %add3A_282 = arith.addi %add3A_277, %convert_element_type3A_281 : vector<64x2048xi32>
      %slice3A_283 = vector.extract_strided_slice %bitcast_convert_type3A {offsets = [0, 22528], sizes = [64, 2048], strides = [1, 1]} : vector<64x32768xi32> to vector<64x2048xi32>
      %ge3A_284 = vector.broadcast %shift_right_arithmetic3A_226 : vector<64x1xi32> to vector<64x2048xi32>
      %ge3A_285 = arith.cmpi sge, %slice3A_283, %ge3A_284 : vector<64x2048xi32>
      %convert_element_type3A_286 = arith.extui %ge3A_285 : vector<64x2048xi1> to vector<64x2048xi32>
      %add3A_287 = arith.addi %add3A_282, %convert_element_type3A_286 : vector<64x2048xi32>
      %slice3A_288 = vector.extract_strided_slice %bitcast_convert_type3A {offsets = [0, 24576], sizes = [64, 2048], strides = [1, 1]} : vector<64x32768xi32> to vector<64x2048xi32>
      %ge3A_289 = vector.broadcast %shift_right_arithmetic3A_226 : vector<64x1xi32> to vector<64x2048xi32>
      %ge3A_290 = arith.cmpi sge, %slice3A_288, %ge3A_289 : vector<64x2048xi32>
      %convert_element_type3A_291 = arith.extui %ge3A_290 : vector<64x2048xi1> to vector<64x2048xi32>
      %add3A_292 = arith.addi %add3A_287, %convert_element_type3A_291 : vector<64x2048xi32>
      %slice3A_293 = vector.extract_strided_slice %bitcast_convert_type3A {offsets = [0, 26624], sizes = [64, 2048], strides = [1, 1]} : vector<64x32768xi32> to vector<64x2048xi32>
      %ge3A_294 = vector.broadcast %shift_right_arithmetic3A_226 : vector<64x1xi32> to vector<64x2048xi32>
      %ge3A_295 = arith.cmpi sge, %slice3A_293, %ge3A_294 : vector<64x2048xi32>
      %convert_element_type3A_296 = arith.extui %ge3A_295 : vector<64x2048xi1> to vector<64x2048xi32>
      %add3A_297 = arith.addi %add3A_292, %convert_element_type3A_296 : vector<64x2048xi32>
      %slice3A_298 = vector.extract_strided_slice %bitcast_convert_type3A {offsets = [0, 28672], sizes = [64, 2048], strides = [1, 1]} : vector<64x32768xi32> to vector<64x2048xi32>
      %ge3A_299 = vector.broadcast %shift_right_arithmetic3A_226 : vector<64x1xi32> to vector<64x2048xi32>
      %ge3A_300 = arith.cmpi sge, %slice3A_298, %ge3A_299 : vector<64x2048xi32>
      %convert_element_type3A_301 = arith.extui %ge3A_300 : vector<64x2048xi1> to vector<64x2048xi32>
      %add3A_302 = arith.addi %add3A_297, %convert_element_type3A_301 : vector<64x2048xi32>
      %slice3A_303 = vector.extract_strided_slice %bitcast_convert_type3A {offsets = [0, 30720], sizes = [64, 2048], strides = [1, 1]} : vector<64x32768xi32> to vector<64x2048xi32>
      %ge3A_304 = vector.broadcast %shift_right_arithmetic3A_226 : vector<64x1xi32> to vector<64x2048xi32>
      %ge3A_305 = arith.cmpi sge, %slice3A_303, %ge3A_304 : vector<64x2048xi32>
      %convert_element_type3A_306 = arith.extui %ge3A_305 : vector<64x2048xi1> to vector<64x2048xi32>
      %add3A_307 = arith.addi %add3A_302, %convert_element_type3A_306 : vector<64x2048xi32>
      %slice3A_308 = vector.extract_strided_slice %add3A_307 {offsets = [0, 0], sizes = [64, 1024], strides = [1, 1]} : vector<64x2048xi32> to vector<64x1024xi32>
      %slice3A_309 = vector.extract_strided_slice %add3A_307 {offsets = [0, 1024], sizes = [64, 1024], strides = [1, 1]} : vector<64x2048xi32> to vector<64x1024xi32>
      %add3A_310 = arith.addi %slice3A_308, %slice3A_309 : vector<64x1024xi32>
      %slice3A_311 = vector.extract_strided_slice %add3A_310 {offsets = [0, 0], sizes = [64, 512], strides = [1, 1]} : vector<64x1024xi32> to vector<64x512xi32>
      %slice3A_312 = vector.extract_strided_slice %add3A_310 {offsets = [0, 512], sizes = [64, 512], strides = [1, 1]} : vector<64x1024xi32> to vector<64x512xi32>
      %add3A_313 = arith.addi %slice3A_311, %slice3A_312 : vector<64x512xi32>
      %slice3A_314 = vector.extract_strided_slice %add3A_313 {offsets = [0, 0], sizes = [64, 256], strides = [1, 1]} : vector<64x512xi32> to vector<64x256xi32>
      %slice3A_315 = vector.extract_strided_slice %add3A_313 {offsets = [0, 256], sizes = [64, 256], strides = [1, 1]} : vector<64x512xi32> to vector<64x256xi32>
      %add3A_316 = arith.addi %slice3A_314, %slice3A_315 : vector<64x256xi32>
      %slice3A_317 = vector.extract_strided_slice %add3A_316 {offsets = [0, 0], sizes = [64, 128], strides = [1, 1]} : vector<64x256xi32> to vector<64x128xi32>
      %slice3A_318 = vector.extract_strided_slice %add3A_316 {offsets = [0, 128], sizes = [64, 128], strides = [1, 1]} : vector<64x256xi32> to vector<64x128xi32>
      %add3A_319 = arith.addi %slice3A_317, %slice3A_318 : vector<64x128xi32>
      %reduce_sum3A_320 = arith.constant dense<0> : vector<64xi32>
      %reduce_sum3A_321 = vector.multi_reduction <add>, %add3A_319, %reduce_sum3A_320 [1] : vector<64x128xi32> to vector<64xi32>
      %broadcast_in_dim3A_322 = vector.shape_cast %reduce_sum3A_321 : vector<64xi32> to vector<64x1xi32>
      %ge3A_323 = arith.constant 2049 : i32
      %ge3A_324 = vector.broadcast %ge3A_323 : i32 to vector<64x1xi32>
      %ge3A_325 = arith.cmpi sge, %broadcast_in_dim3A_322, %ge3A_324 : vector<64x1xi32>
      %select_n3A_326 = arith.select %ge3A_325, %shift_right_arithmetic3A_226, %scan3A_222 : vector<64x1xi1>, vector<64x1xi32>
      %select_n3A_327 = arith.select %ge3A_325, %scan3A_223, %shift_right_arithmetic3A_226 : vector<64x1xi1>, vector<64x1xi32>
      scf.yield %select_n3A_326, %select_n3A_327 : vector<64x1xi32>, vector<64x1xi32>
    }
    %bitcast_convert_type3A_9 = tpu.bitcast %scan3A_8#0 : vector<64x1xi32> -> vector<64x1xf32>
    %broadcast_in_dim3A_10 = arith.constant 0.000000e+00 : f32
    %broadcast_in_dim3A_11 = vector.broadcast %broadcast_in_dim3A_10 : f32 to vector<64x2048xf32>
    %broadcast_in_dim3A_12 = arith.constant 0.000000e+00 : f32
    %broadcast_in_dim3A_13 = vector.broadcast %broadcast_in_dim3A_12 : f32 to vector<64x2048xf32>
    %slice3A = vector.extract_strided_slice %bitcast_convert_type3A {offsets = [0, 0], sizes = [64, 2048], strides = [1, 1]} : vector<64x32768xi32> to vector<64x2048xi32>
    %slice3A_14 = vector.extract_strided_slice %get3A_1 {offsets = [0, 0], sizes = [64, 2048], strides = [1, 1]} : vector<64x32768xf32> to vector<64x2048xf32>
    %gt3A = vector.broadcast %scan3A_8#0 : vector<64x1xi32> to vector<64x2048xi32>
    %gt3A_15 = arith.cmpi sgt, %slice3A, %gt3A : vector<64x2048xi32>
    %convert_element_type3A = arith.extui %gt3A_15 : vector<64x2048xi1> to vector<64x2048xi32>
    %convert_element_type3A_16 = arith.sitofp %convert_element_type3A : vector<64x2048xi32> to vector<64x2048xf32>
    %add3A = arith.addf %broadcast_in_dim3A_11, %convert_element_type3A_16 : vector<64x2048xf32>
    %jit3A = arith.constant 0.000000e+00 : f32
    %broadcast_in_dim3A_17 = vector.broadcast %jit3A : f32 to vector<64x2048xf32>
    %select_n3A = arith.select %gt3A_15, %slice3A_14, %broadcast_in_dim3A_17 : vector<64x2048xi1>, vector<64x2048xf32>
    %add3A_18 = arith.addf %broadcast_in_dim3A_13, %select_n3A : vector<64x2048xf32>
    %slice3A_19 = vector.extract_strided_slice %bitcast_convert_type3A {offsets = [0, 2048], sizes = [64, 2048], strides = [1, 1]} : vector<64x32768xi32> to vector<64x2048xi32>
    %slice3A_20 = vector.extract_strided_slice %get3A_1 {offsets = [0, 2048], sizes = [64, 2048], strides = [1, 1]} : vector<64x32768xf32> to vector<64x2048xf32>
    %gt3A_21 = vector.broadcast %scan3A_8#0 : vector<64x1xi32> to vector<64x2048xi32>
    %gt3A_22 = arith.cmpi sgt, %slice3A_19, %gt3A_21 : vector<64x2048xi32>
    %convert_element_type3A_23 = arith.extui %gt3A_22 : vector<64x2048xi1> to vector<64x2048xi32>
    %convert_element_type3A_24 = arith.sitofp %convert_element_type3A_23 : vector<64x2048xi32> to vector<64x2048xf32>
    %add3A_25 = arith.addf %add3A, %convert_element_type3A_24 : vector<64x2048xf32>
    %jit3A_26 = arith.constant 0.000000e+00 : f32
    %broadcast_in_dim3A_27 = vector.broadcast %jit3A_26 : f32 to vector<64x2048xf32>
    %select_n3A_28 = arith.select %gt3A_22, %slice3A_20, %broadcast_in_dim3A_27 : vector<64x2048xi1>, vector<64x2048xf32>
    %add3A_29 = arith.addf %add3A_18, %select_n3A_28 : vector<64x2048xf32>
    %slice3A_30 = vector.extract_strided_slice %bitcast_convert_type3A {offsets = [0, 4096], sizes = [64, 2048], strides = [1, 1]} : vector<64x32768xi32> to vector<64x2048xi32>
    %slice3A_31 = vector.extract_strided_slice %get3A_1 {offsets = [0, 4096], sizes = [64, 2048], strides = [1, 1]} : vector<64x32768xf32> to vector<64x2048xf32>
    %gt3A_32 = vector.broadcast %scan3A_8#0 : vector<64x1xi32> to vector<64x2048xi32>
    %gt3A_33 = arith.cmpi sgt, %slice3A_30, %gt3A_32 : vector<64x2048xi32>
    %convert_element_type3A_34 = arith.extui %gt3A_33 : vector<64x2048xi1> to vector<64x2048xi32>
    %convert_element_type3A_35 = arith.sitofp %convert_element_type3A_34 : vector<64x2048xi32> to vector<64x2048xf32>
    %add3A_36 = arith.addf %add3A_25, %convert_element_type3A_35 : vector<64x2048xf32>
    %jit3A_37 = arith.constant 0.000000e+00 : f32
    %broadcast_in_dim3A_38 = vector.broadcast %jit3A_37 : f32 to vector<64x2048xf32>
    %select_n3A_39 = arith.select %gt3A_33, %slice3A_31, %broadcast_in_dim3A_38 : vector<64x2048xi1>, vector<64x2048xf32>
    %add3A_40 = arith.addf %add3A_29, %select_n3A_39 : vector<64x2048xf32>
    %slice3A_41 = vector.extract_strided_slice %bitcast_convert_type3A {offsets = [0, 6144], sizes = [64, 2048], strides = [1, 1]} : vector<64x32768xi32> to vector<64x2048xi32>
    %slice3A_42 = vector.extract_strided_slice %get3A_1 {offsets = [0, 6144], sizes = [64, 2048], strides = [1, 1]} : vector<64x32768xf32> to vector<64x2048xf32>
    %gt3A_43 = vector.broadcast %scan3A_8#0 : vector<64x1xi32> to vector<64x2048xi32>
    %gt3A_44 = arith.cmpi sgt, %slice3A_41, %gt3A_43 : vector<64x2048xi32>
    %convert_element_type3A_45 = arith.extui %gt3A_44 : vector<64x2048xi1> to vector<64x2048xi32>
    %convert_element_type3A_46 = arith.sitofp %convert_element_type3A_45 : vector<64x2048xi32> to vector<64x2048xf32>
    %add3A_47 = arith.addf %add3A_36, %convert_element_type3A_46 : vector<64x2048xf32>
    %jit3A_48 = arith.constant 0.000000e+00 : f32
    %broadcast_in_dim3A_49 = vector.broadcast %jit3A_48 : f32 to vector<64x2048xf32>
    %select_n3A_50 = arith.select %gt3A_44, %slice3A_42, %broadcast_in_dim3A_49 : vector<64x2048xi1>, vector<64x2048xf32>
    %add3A_51 = arith.addf %add3A_40, %select_n3A_50 : vector<64x2048xf32>
    %slice3A_52 = vector.extract_strided_slice %bitcast_convert_type3A {offsets = [0, 8192], sizes = [64, 2048], strides = [1, 1]} : vector<64x32768xi32> to vector<64x2048xi32>
    %slice3A_53 = vector.extract_strided_slice %get3A_1 {offsets = [0, 8192], sizes = [64, 2048], strides = [1, 1]} : vector<64x32768xf32> to vector<64x2048xf32>
    %gt3A_54 = vector.broadcast %scan3A_8#0 : vector<64x1xi32> to vector<64x2048xi32>
    %gt3A_55 = arith.cmpi sgt, %slice3A_52, %gt3A_54 : vector<64x2048xi32>
    %convert_element_type3A_56 = arith.extui %gt3A_55 : vector<64x2048xi1> to vector<64x2048xi32>
    %convert_element_type3A_57 = arith.sitofp %convert_element_type3A_56 : vector<64x2048xi32> to vector<64x2048xf32>
    %add3A_58 = arith.addf %add3A_47, %convert_element_type3A_57 : vector<64x2048xf32>
    %jit3A_59 = arith.constant 0.000000e+00 : f32
    %broadcast_in_dim3A_60 = vector.broadcast %jit3A_59 : f32 to vector<64x2048xf32>
    %select_n3A_61 = arith.select %gt3A_55, %slice3A_53, %broadcast_in_dim3A_60 : vector<64x2048xi1>, vector<64x2048xf32>
    %add3A_62 = arith.addf %add3A_51, %select_n3A_61 : vector<64x2048xf32>
    %slice3A_63 = vector.extract_strided_slice %bitcast_convert_type3A {offsets = [0, 10240], sizes = [64, 2048], strides = [1, 1]} : vector<64x32768xi32> to vector<64x2048xi32>
    %slice3A_64 = vector.extract_strided_slice %get3A_1 {offsets = [0, 10240], sizes = [64, 2048], strides = [1, 1]} : vector<64x32768xf32> to vector<64x2048xf32>
    %gt3A_65 = vector.broadcast %scan3A_8#0 : vector<64x1xi32> to vector<64x2048xi32>
    %gt3A_66 = arith.cmpi sgt, %slice3A_63, %gt3A_65 : vector<64x2048xi32>
    %convert_element_type3A_67 = arith.extui %gt3A_66 : vector<64x2048xi1> to vector<64x2048xi32>
    %convert_element_type3A_68 = arith.sitofp %convert_element_type3A_67 : vector<64x2048xi32> to vector<64x2048xf32>
    %add3A_69 = arith.addf %add3A_58, %convert_element_type3A_68 : vector<64x2048xf32>
    %jit3A_70 = arith.constant 0.000000e+00 : f32
    %broadcast_in_dim3A_71 = vector.broadcast %jit3A_70 : f32 to vector<64x2048xf32>
    %select_n3A_72 = arith.select %gt3A_66, %slice3A_64, %broadcast_in_dim3A_71 : vector<64x2048xi1>, vector<64x2048xf32>
    %add3A_73 = arith.addf %add3A_62, %select_n3A_72 : vector<64x2048xf32>
    %slice3A_74 = vector.extract_strided_slice %bitcast_convert_type3A {offsets = [0, 12288], sizes = [64, 2048], strides = [1, 1]} : vector<64x32768xi32> to vector<64x2048xi32>
    %slice3A_75 = vector.extract_strided_slice %get3A_1 {offsets = [0, 12288], sizes = [64, 2048], strides = [1, 1]} : vector<64x32768xf32> to vector<64x2048xf32>
    %gt3A_76 = vector.broadcast %scan3A_8#0 : vector<64x1xi32> to vector<64x2048xi32>
    %gt3A_77 = arith.cmpi sgt, %slice3A_74, %gt3A_76 : vector<64x2048xi32>
    %convert_element_type3A_78 = arith.extui %gt3A_77 : vector<64x2048xi1> to vector<64x2048xi32>
    %convert_element_type3A_79 = arith.sitofp %convert_element_type3A_78 : vector<64x2048xi32> to vector<64x2048xf32>
    %add3A_80 = arith.addf %add3A_69, %convert_element_type3A_79 : vector<64x2048xf32>
    %jit3A_81 = arith.constant 0.000000e+00 : f32
    %broadcast_in_dim3A_82 = vector.broadcast %jit3A_81 : f32 to vector<64x2048xf32>
    %select_n3A_83 = arith.select %gt3A_77, %slice3A_75, %broadcast_in_dim3A_82 : vector<64x2048xi1>, vector<64x2048xf32>
    %add3A_84 = arith.addf %add3A_73, %select_n3A_83 : vector<64x2048xf32>
    %slice3A_85 = vector.extract_strided_slice %bitcast_convert_type3A {offsets = [0, 14336], sizes = [64, 2048], strides = [1, 1]} : vector<64x32768xi32> to vector<64x2048xi32>
    %slice3A_86 = vector.extract_strided_slice %get3A_1 {offsets = [0, 14336], sizes = [64, 2048], strides = [1, 1]} : vector<64x32768xf32> to vector<64x2048xf32>
    %gt3A_87 = vector.broadcast %scan3A_8#0 : vector<64x1xi32> to vector<64x2048xi32>
    %gt3A_88 = arith.cmpi sgt, %slice3A_85, %gt3A_87 : vector<64x2048xi32>
    %convert_element_type3A_89 = arith.extui %gt3A_88 : vector<64x2048xi1> to vector<64x2048xi32>
    %convert_element_type3A_90 = arith.sitofp %convert_element_type3A_89 : vector<64x2048xi32> to vector<64x2048xf32>
    %add3A_91 = arith.addf %add3A_80, %convert_element_type3A_90 : vector<64x2048xf32>
    %jit3A_92 = arith.constant 0.000000e+00 : f32
    %broadcast_in_dim3A_93 = vector.broadcast %jit3A_92 : f32 to vector<64x2048xf32>
    %select_n3A_94 = arith.select %gt3A_88, %slice3A_86, %broadcast_in_dim3A_93 : vector<64x2048xi1>, vector<64x2048xf32>
    %add3A_95 = arith.addf %add3A_84, %select_n3A_94 : vector<64x2048xf32>
    %slice3A_96 = vector.extract_strided_slice %bitcast_convert_type3A {offsets = [0, 16384], sizes = [64, 2048], strides = [1, 1]} : vector<64x32768xi32> to vector<64x2048xi32>
    %slice3A_97 = vector.extract_strided_slice %get3A_1 {offsets = [0, 16384], sizes = [64, 2048], strides = [1, 1]} : vector<64x32768xf32> to vector<64x2048xf32>
    %gt3A_98 = vector.broadcast %scan3A_8#0 : vector<64x1xi32> to vector<64x2048xi32>
    %gt3A_99 = arith.cmpi sgt, %slice3A_96, %gt3A_98 : vector<64x2048xi32>
    %convert_element_type3A_100 = arith.extui %gt3A_99 : vector<64x2048xi1> to vector<64x2048xi32>
    %convert_element_type3A_101 = arith.sitofp %convert_element_type3A_100 : vector<64x2048xi32> to vector<64x2048xf32>
    %add3A_102 = arith.addf %add3A_91, %convert_element_type3A_101 : vector<64x2048xf32>
    %jit3A_103 = arith.constant 0.000000e+00 : f32
    %broadcast_in_dim3A_104 = vector.broadcast %jit3A_103 : f32 to vector<64x2048xf32>
    %select_n3A_105 = arith.select %gt3A_99, %slice3A_97, %broadcast_in_dim3A_104 : vector<64x2048xi1>, vector<64x2048xf32>
    %add3A_106 = arith.addf %add3A_95, %select_n3A_105 : vector<64x2048xf32>
    %slice3A_107 = vector.extract_strided_slice %bitcast_convert_type3A {offsets = [0, 18432], sizes = [64, 2048], strides = [1, 1]} : vector<64x32768xi32> to vector<64x2048xi32>
    %slice3A_108 = vector.extract_strided_slice %get3A_1 {offsets = [0, 18432], sizes = [64, 2048], strides = [1, 1]} : vector<64x32768xf32> to vector<64x2048xf32>
    %gt3A_109 = vector.broadcast %scan3A_8#0 : vector<64x1xi32> to vector<64x2048xi32>
    %gt3A_110 = arith.cmpi sgt, %slice3A_107, %gt3A_109 : vector<64x2048xi32>
    %convert_element_type3A_111 = arith.extui %gt3A_110 : vector<64x2048xi1> to vector<64x2048xi32>
    %convert_element_type3A_112 = arith.sitofp %convert_element_type3A_111 : vector<64x2048xi32> to vector<64x2048xf32>
    %add3A_113 = arith.addf %add3A_102, %convert_element_type3A_112 : vector<64x2048xf32>
    %jit3A_114 = arith.constant 0.000000e+00 : f32
    %broadcast_in_dim3A_115 = vector.broadcast %jit3A_114 : f32 to vector<64x2048xf32>
    %select_n3A_116 = arith.select %gt3A_110, %slice3A_108, %broadcast_in_dim3A_115 : vector<64x2048xi1>, vector<64x2048xf32>
    %add3A_117 = arith.addf %add3A_106, %select_n3A_116 : vector<64x2048xf32>
    %slice3A_118 = vector.extract_strided_slice %bitcast_convert_type3A {offsets = [0, 20480], sizes = [64, 2048], strides = [1, 1]} : vector<64x32768xi32> to vector<64x2048xi32>
    %slice3A_119 = vector.extract_strided_slice %get3A_1 {offsets = [0, 20480], sizes = [64, 2048], strides = [1, 1]} : vector<64x32768xf32> to vector<64x2048xf32>
    %gt3A_120 = vector.broadcast %scan3A_8#0 : vector<64x1xi32> to vector<64x2048xi32>
    %gt3A_121 = arith.cmpi sgt, %slice3A_118, %gt3A_120 : vector<64x2048xi32>
    %convert_element_type3A_122 = arith.extui %gt3A_121 : vector<64x2048xi1> to vector<64x2048xi32>
    %convert_element_type3A_123 = arith.sitofp %convert_element_type3A_122 : vector<64x2048xi32> to vector<64x2048xf32>
    %add3A_124 = arith.addf %add3A_113, %convert_element_type3A_123 : vector<64x2048xf32>
    %jit3A_125 = arith.constant 0.000000e+00 : f32
    %broadcast_in_dim3A_126 = vector.broadcast %jit3A_125 : f32 to vector<64x2048xf32>
    %select_n3A_127 = arith.select %gt3A_121, %slice3A_119, %broadcast_in_dim3A_126 : vector<64x2048xi1>, vector<64x2048xf32>
    %add3A_128 = arith.addf %add3A_117, %select_n3A_127 : vector<64x2048xf32>
    %slice3A_129 = vector.extract_strided_slice %bitcast_convert_type3A {offsets = [0, 22528], sizes = [64, 2048], strides = [1, 1]} : vector<64x32768xi32> to vector<64x2048xi32>
    %slice3A_130 = vector.extract_strided_slice %get3A_1 {offsets = [0, 22528], sizes = [64, 2048], strides = [1, 1]} : vector<64x32768xf32> to vector<64x2048xf32>
    %gt3A_131 = vector.broadcast %scan3A_8#0 : vector<64x1xi32> to vector<64x2048xi32>
    %gt3A_132 = arith.cmpi sgt, %slice3A_129, %gt3A_131 : vector<64x2048xi32>
    %convert_element_type3A_133 = arith.extui %gt3A_132 : vector<64x2048xi1> to vector<64x2048xi32>
    %convert_element_type3A_134 = arith.sitofp %convert_element_type3A_133 : vector<64x2048xi32> to vector<64x2048xf32>
    %add3A_135 = arith.addf %add3A_124, %convert_element_type3A_134 : vector<64x2048xf32>
    %jit3A_136 = arith.constant 0.000000e+00 : f32
    %broadcast_in_dim3A_137 = vector.broadcast %jit3A_136 : f32 to vector<64x2048xf32>
    %select_n3A_138 = arith.select %gt3A_132, %slice3A_130, %broadcast_in_dim3A_137 : vector<64x2048xi1>, vector<64x2048xf32>
    %add3A_139 = arith.addf %add3A_128, %select_n3A_138 : vector<64x2048xf32>
    %slice3A_140 = vector.extract_strided_slice %bitcast_convert_type3A {offsets = [0, 24576], sizes = [64, 2048], strides = [1, 1]} : vector<64x32768xi32> to vector<64x2048xi32>
    %slice3A_141 = vector.extract_strided_slice %get3A_1 {offsets = [0, 24576], sizes = [64, 2048], strides = [1, 1]} : vector<64x32768xf32> to vector<64x2048xf32>
    %gt3A_142 = vector.broadcast %scan3A_8#0 : vector<64x1xi32> to vector<64x2048xi32>
    %gt3A_143 = arith.cmpi sgt, %slice3A_140, %gt3A_142 : vector<64x2048xi32>
    %convert_element_type3A_144 = arith.extui %gt3A_143 : vector<64x2048xi1> to vector<64x2048xi32>
    %convert_element_type3A_145 = arith.sitofp %convert_element_type3A_144 : vector<64x2048xi32> to vector<64x2048xf32>
    %add3A_146 = arith.addf %add3A_135, %convert_element_type3A_145 : vector<64x2048xf32>
    %jit3A_147 = arith.constant 0.000000e+00 : f32
    %broadcast_in_dim3A_148 = vector.broadcast %jit3A_147 : f32 to vector<64x2048xf32>
    %select_n3A_149 = arith.select %gt3A_143, %slice3A_141, %broadcast_in_dim3A_148 : vector<64x2048xi1>, vector<64x2048xf32>
    %add3A_150 = arith.addf %add3A_139, %select_n3A_149 : vector<64x2048xf32>
    %slice3A_151 = vector.extract_strided_slice %bitcast_convert_type3A {offsets = [0, 26624], sizes = [64, 2048], strides = [1, 1]} : vector<64x32768xi32> to vector<64x2048xi32>
    %slice3A_152 = vector.extract_strided_slice %get3A_1 {offsets = [0, 26624], sizes = [64, 2048], strides = [1, 1]} : vector<64x32768xf32> to vector<64x2048xf32>
    %gt3A_153 = vector.broadcast %scan3A_8#0 : vector<64x1xi32> to vector<64x2048xi32>
    %gt3A_154 = arith.cmpi sgt, %slice3A_151, %gt3A_153 : vector<64x2048xi32>
    %convert_element_type3A_155 = arith.extui %gt3A_154 : vector<64x2048xi1> to vector<64x2048xi32>
    %convert_element_type3A_156 = arith.sitofp %convert_element_type3A_155 : vector<64x2048xi32> to vector<64x2048xf32>
    %add3A_157 = arith.addf %add3A_146, %convert_element_type3A_156 : vector<64x2048xf32>
    %jit3A_158 = arith.constant 0.000000e+00 : f32
    %broadcast_in_dim3A_159 = vector.broadcast %jit3A_158 : f32 to vector<64x2048xf32>
    %select_n3A_160 = arith.select %gt3A_154, %slice3A_152, %broadcast_in_dim3A_159 : vector<64x2048xi1>, vector<64x2048xf32>
    %add3A_161 = arith.addf %add3A_150, %select_n3A_160 : vector<64x2048xf32>
    %slice3A_162 = vector.extract_strided_slice %bitcast_convert_type3A {offsets = [0, 28672], sizes = [64, 2048], strides = [1, 1]} : vector<64x32768xi32> to vector<64x2048xi32>
    %slice3A_163 = vector.extract_strided_slice %get3A_1 {offsets = [0, 28672], sizes = [64, 2048], strides = [1, 1]} : vector<64x32768xf32> to vector<64x2048xf32>
    %gt3A_164 = vector.broadcast %scan3A_8#0 : vector<64x1xi32> to vector<64x2048xi32>
    %gt3A_165 = arith.cmpi sgt, %slice3A_162, %gt3A_164 : vector<64x2048xi32>
    %convert_element_type3A_166 = arith.extui %gt3A_165 : vector<64x2048xi1> to vector<64x2048xi32>
    %convert_element_type3A_167 = arith.sitofp %convert_element_type3A_166 : vector<64x2048xi32> to vector<64x2048xf32>
    %add3A_168 = arith.addf %add3A_157, %convert_element_type3A_167 : vector<64x2048xf32>
    %jit3A_169 = arith.constant 0.000000e+00 : f32
    %broadcast_in_dim3A_170 = vector.broadcast %jit3A_169 : f32 to vector<64x2048xf32>
    %select_n3A_171 = arith.select %gt3A_165, %slice3A_163, %broadcast_in_dim3A_170 : vector<64x2048xi1>, vector<64x2048xf32>
    %add3A_172 = arith.addf %add3A_161, %select_n3A_171 : vector<64x2048xf32>
    %slice3A_173 = vector.extract_strided_slice %bitcast_convert_type3A {offsets = [0, 30720], sizes = [64, 2048], strides = [1, 1]} : vector<64x32768xi32> to vector<64x2048xi32>
    %slice3A_174 = vector.extract_strided_slice %get3A_1 {offsets = [0, 30720], sizes = [64, 2048], strides = [1, 1]} : vector<64x32768xf32> to vector<64x2048xf32>
    %gt3A_175 = vector.broadcast %scan3A_8#0 : vector<64x1xi32> to vector<64x2048xi32>
    %gt3A_176 = arith.cmpi sgt, %slice3A_173, %gt3A_175 : vector<64x2048xi32>
    %convert_element_type3A_177 = arith.extui %gt3A_176 : vector<64x2048xi1> to vector<64x2048xi32>
    %convert_element_type3A_178 = arith.sitofp %convert_element_type3A_177 : vector<64x2048xi32> to vector<64x2048xf32>
    %add3A_179 = arith.addf %add3A_168, %convert_element_type3A_178 : vector<64x2048xf32>
    %jit3A_180 = arith.constant 0.000000e+00 : f32
    %broadcast_in_dim3A_181 = vector.broadcast %jit3A_180 : f32 to vector<64x2048xf32>
    %select_n3A_182 = arith.select %gt3A_176, %slice3A_174, %broadcast_in_dim3A_181 : vector<64x2048xi1>, vector<64x2048xf32>
    %add3A_183 = arith.addf %add3A_172, %select_n3A_182 : vector<64x2048xf32>
    %slice3A_184 = vector.extract_strided_slice %add3A_179 {offsets = [0, 0], sizes = [64, 1024], strides = [1, 1]} : vector<64x2048xf32> to vector<64x1024xf32>
    %slice3A_185 = vector.extract_strided_slice %add3A_179 {offsets = [0, 1024], sizes = [64, 1024], strides = [1, 1]} : vector<64x2048xf32> to vector<64x1024xf32>
    %add3A_186 = arith.addf %slice3A_184, %slice3A_185 : vector<64x1024xf32>
    %slice3A_187 = vector.extract_strided_slice %add3A_186 {offsets = [0, 0], sizes = [64, 512], strides = [1, 1]} : vector<64x1024xf32> to vector<64x512xf32>
    %slice3A_188 = vector.extract_strided_slice %add3A_186 {offsets = [0, 512], sizes = [64, 512], strides = [1, 1]} : vector<64x1024xf32> to vector<64x512xf32>
    %add3A_189 = arith.addf %slice3A_187, %slice3A_188 : vector<64x512xf32>
    %slice3A_190 = vector.extract_strided_slice %add3A_189 {offsets = [0, 0], sizes = [64, 256], strides = [1, 1]} : vector<64x512xf32> to vector<64x256xf32>
    %slice3A_191 = vector.extract_strided_slice %add3A_189 {offsets = [0, 256], sizes = [64, 256], strides = [1, 1]} : vector<64x512xf32> to vector<64x256xf32>
    %add3A_192 = arith.addf %slice3A_190, %slice3A_191 : vector<64x256xf32>
    %slice3A_193 = vector.extract_strided_slice %add3A_192 {offsets = [0, 0], sizes = [64, 128], strides = [1, 1]} : vector<64x256xf32> to vector<64x128xf32>
    %slice3A_194 = vector.extract_strided_slice %add3A_192 {offsets = [0, 128], sizes = [64, 128], strides = [1, 1]} : vector<64x256xf32> to vector<64x128xf32>
    %add3A_195 = arith.addf %slice3A_193, %slice3A_194 : vector<64x128xf32>
    %reduce_sum3A = arith.constant dense<0.000000e+00> : vector<64xf32>
    %reduce_sum3A_196 = vector.multi_reduction <add>, %add3A_195, %reduce_sum3A [1] : vector<64x128xf32> to vector<64xf32>
    %broadcast_in_dim3A_197 = vector.shape_cast %reduce_sum3A_196 : vector<64xf32> to vector<64x1xf32>
    %slice3A_198 = vector.extract_strided_slice %add3A_183 {offsets = [0, 0], sizes = [64, 1024], strides = [1, 1]} : vector<64x2048xf32> to vector<64x1024xf32>
    %slice3A_199 = vector.extract_strided_slice %add3A_183 {offsets = [0, 1024], sizes = [64, 1024], strides = [1, 1]} : vector<64x2048xf32> to vector<64x1024xf32>
    %add3A_200 = arith.addf %slice3A_198, %slice3A_199 : vector<64x1024xf32>
    %slice3A_201 = vector.extract_strided_slice %add3A_200 {offsets = [0, 0], sizes = [64, 512], strides = [1, 1]} : vector<64x1024xf32> to vector<64x512xf32>
    %slice3A_202 = vector.extract_strided_slice %add3A_200 {offsets = [0, 512], sizes = [64, 512], strides = [1, 1]} : vector<64x1024xf32> to vector<64x512xf32>
    %add3A_203 = arith.addf %slice3A_201, %slice3A_202 : vector<64x512xf32>
    %slice3A_204 = vector.extract_strided_slice %add3A_203 {offsets = [0, 0], sizes = [64, 256], strides = [1, 1]} : vector<64x512xf32> to vector<64x256xf32>
    %slice3A_205 = vector.extract_strided_slice %add3A_203 {offsets = [0, 256], sizes = [64, 256], strides = [1, 1]} : vector<64x512xf32> to vector<64x256xf32>
    %add3A_206 = arith.addf %slice3A_204, %slice3A_205 : vector<64x256xf32>
    %slice3A_207 = vector.extract_strided_slice %add3A_206 {offsets = [0, 0], sizes = [64, 128], strides = [1, 1]} : vector<64x256xf32> to vector<64x128xf32>
    %slice3A_208 = vector.extract_strided_slice %add3A_206 {offsets = [0, 128], sizes = [64, 128], strides = [1, 1]} : vector<64x256xf32> to vector<64x128xf32>
    %add3A_209 = arith.addf %slice3A_207, %slice3A_208 : vector<64x128xf32>
    %reduce_sum3A_210 = arith.constant dense<0.000000e+00> : vector<64xf32>
    %reduce_sum3A_211 = vector.multi_reduction <add>, %add3A_209, %reduce_sum3A_210 [1] : vector<64x128xf32> to vector<64xf32>
    %broadcast_in_dim3A_212 = vector.shape_cast %reduce_sum3A_211 : vector<64xf32> to vector<64x1xf32>
    %sub3A = arith.constant 2.049000e+03 : f32
    %sub3A_213 = vector.broadcast %sub3A : f32 to vector<64x1xf32>
    %sub3A_214 = arith.subf %sub3A_213, %broadcast_in_dim3A_197 : vector<64x1xf32>
    %mul3A = arith.mulf %sub3A_214, %bitcast_convert_type3A_9 : vector<64x1xf32>
    %add3A_215 = arith.addf %broadcast_in_dim3A_212, %mul3A : vector<64x1xf32>
    %mul3A_216 = arith.constant 4.88042948E-4 : f32
    %mul3A_217 = vector.broadcast %mul3A_216 : f32 to vector<64x1xf32>
    %mul3A_218 = arith.mulf %add3A_215, %mul3A_217 : vector<64x1xf32>
    %swap3A = arith.constant 0 : index
    %swap3A_219 = arith.constant 0 : index
    %swap3A_220 = vector.load %arg2[%swap3A, %swap3A_219] : memref<64x1xf32, #tpu.memory_space<vmem>>, vector<64x1xf32>
    tpu.vector_store %arg2[%swap3A, %swap3A_219], %mul3A_218 {strides = array<i32>} : memref<64x1xf32, #tpu.memory_space<vmem>>, vector<64x1xf32>,
    return
  }
  func.func @transform_0(%arg0: i32) -> (i32, i32) {
    %c0_i32 = arith.constant 0 : i32
    %c0_i32_0 = arith.constant 0 : i32
    %c0_i32_1 = arith.constant 0 : i32
    return %c0_i32, %c0_i32_0 : i32, i32
  }
  func.func @transform_1(%arg0: i32) -> (i32, i32) {
    %c0_i32 = arith.constant 0 : i32
    %c0_i32_0 = arith.constant 0 : i32
    %c0_i32_1 = arith.constant 0 : i32
    return %c0_i32, %c0_i32_0 : i32, i32
  }
}

module attributes {stable_mosaic.version = 14 : i64} {
  func.func @_bce_body(%arg0: memref<128x1xf32, #tpu.memory_space<vmem>>, %arg1: memref<128x1xf32, #tpu.memory_space<vmem>>, %arg2: memref<1x1xf32, #tpu.memory_space<vmem>>) attributes {dimension_semantics = [], scalar_prefetch = 0 : i64, scratch_operands = 0 : i64, tpu.core_type = #tpu.core_type<tc>} {
    %get3A = arith.constant 0 : index
    %get3A_0 = arith.constant 0 : index
    %get3A_1 = vector.load %arg0[%get3A, %get3A_0] : memref<128x1xf32, #tpu.memory_space<vmem>>, vector<128x1xf32>
    %get3A_2 = arith.constant 0 : index
    %get3A_3 = arith.constant 0 : index
    %get3A_4 = vector.load %arg1[%get3A_2, %get3A_3] : memref<128x1xf32, #tpu.memory_space<vmem>>, vector<128x1xf32>
    %log3A = math.log %get3A_1 : vector<128x1xf32>
    %max3A = arith.constant -1.000000e+02 : f32
    %max3A_5 = vector.broadcast %max3A : f32 to vector<128x1xf32>
    %max3A_6 = arith.maximumf %log3A, %max3A_5 : vector<128x1xf32>
    %sub3A = arith.constant 1.000000e+00 : f32
    %sub3A_7 = vector.broadcast %sub3A : f32 to vector<128x1xf32>
    %sub3A_8 = arith.subf %sub3A_7, %get3A_1 : vector<128x1xf32>
    %log3A_9 = math.log %sub3A_8 : vector<128x1xf32>
    %max3A_10 = arith.constant -1.000000e+02 : f32
    %max3A_11 = vector.broadcast %max3A_10 : f32 to vector<128x1xf32>
    %max3A_12 = arith.maximumf %log3A_9, %max3A_11 : vector<128x1xf32>
    %mul3A = arith.mulf %get3A_4, %max3A_6 : vector<128x1xf32>
    %sub3A_13 = arith.constant 1.000000e+00 : f32
    %sub3A_14 = vector.broadcast %sub3A_13 : f32 to vector<128x1xf32>
    %sub3A_15 = arith.subf %sub3A_14, %get3A_4 : vector<128x1xf32>
    %mul3A_16 = arith.mulf %sub3A_15, %max3A_12 : vector<128x1xf32>
    %add3A = arith.addf %mul3A, %mul3A_16 : vector<128x1xf32>
    %reduce_sum3A = vector.shape_cast %add3A : vector<128x1xf32> to vector<1x128x1xf32>
    %reduce_sum3A_17 = arith.constant dense<0.000000e+00> : vector<1xf32>
    %reduce_sum3A_18 = vector.multi_reduction <add>, %reduce_sum3A, %reduce_sum3A_17 [1, 2] : vector<1x128x1xf32> to vector<1xf32>
    %reduce_sum3A_19 = vector.shape_cast %reduce_sum3A_18 : vector<1xf32> to vector<1x1x1xf32>
    %reduce_sum3A_20 = vector.extract %reduce_sum3A_19[0, 0, 0] : f32 from vector<1x1x1xf32>
    %mul3A_21 = arith.constant -7.812500e-03 : f32
    %mul3A_22 = arith.mulf %reduce_sum3A_20, %mul3A_21 : f32
    %broadcast_in_dim3A = vector.broadcast %mul3A_22 : f32 to vector<1x1xf32>
    %swap3A = arith.constant 0 : index
    %swap3A_23 = arith.constant 0 : index
    %swap3A_24 = vector.load %arg2[%swap3A, %swap3A_23] : memref<1x1xf32, #tpu.memory_space<vmem>>, vector<1x1xf32>
    tpu.vector_store %arg2[%swap3A, %swap3A_23], %broadcast_in_dim3A {strides = array<i32>} : memref<1x1xf32, #tpu.memory_space<vmem>>, vector<1x1xf32>,
    return
  }
}

</mosaic_0001>

<sc_bundles>
// kernel: kernel.5.cloned.1.call-start
scs
__scs_entry_jumppad:
0x0: {  	(pc) =	sbr.rel $0x88, $3  }
0x1: {  	(tag) =	ssettag $0x0;
	lr =	simm.s32 $0x1  }
0x2: {  	[smem:$0x3F9F] =	sst lr;
	_ =	strace $0xD0000000  }
0x3: {  	_ = 	snop  }
0x4: {  	_ = 	snop  }
0x5: {  	_ = 	snop  }
0x6: {  	_ = 	snop  }
0x7: {  	_ = 	snop  }
__scs_overlays_trampoline_lowered:
0x8: {  	[smem:$0x3FAE] =	sst s0  }
0x9: {  	[smem:$0x3FAF] =	sst s1  }
0xa: {  	[smem:$0x3FB0] =	sst s2  }
0xb: {  	[smem:$0x3FB1] =	sst s3  }
0xc: {  	[smem:$0x3FB2] =	sst s4  }
0xd: {  	[smem:$0x3FB3] =	sst s5  }
0xe: {  	[smem:$0x3FB4] =	sst s6  }
0xf: {  	[smem:$0x3FB5] =	sst s7  }
0x10: {  	[smem:$0x3FB6] =	sst s8  }
0x11: {  	[smem:$0x3FB7] =	sst s9;
	s0 =	simm.s32 @!p0 $0x0  }
0x12: {  	s1 =	sld [smem:$0x3F9D];
	s0 =	simm.s32 @p0 $0x1  }
0x13: {  	[smem:$0x3FB8] =	sst s0;
	s0 =	simm.s32 @!p1 $0x0  }
0x14: {  	s2 =	sld [smem:$0x3F9C];
	s0 =	simm.s32 @p1 $0x1  }
0x15: {  	[smem:$0x3FB9] =	sst s0;
	s0 =	simm.s32 @!p2 $0x0  }
0x16: {  	s3 =	sld [smem:$0x3FDB];
	s0 =	simm.s32 @p2 $0x1  }
0x17: {  	s4 =	simm.s32 $0x1BF5;
	[smem:$0x3FBB] =	sst s0  }
0x18: {  	s0 =	sld [smem:$0x3F9E];
	_ =	swait.ge [sflag:s4], $0x0  }
0x19: {  	s7 =	sld [smem:$0x3F9F]  }
0x1a: {  	s8 =	sadd.s32 $0xFFFFE003, lr  }
0x1b: {  	s9 =	sadd.s32 $0xFFFFFEF7, lr;
	s5 =	simm.s32 $0xFFFFFFFF;
	p2 =	slt.u32 s8, $0xFFFFF086  }
0x1c: {  	p1 =	slt.u32 s9, $0xF7A;
	s5 =	simm.s32 @!p2 $0x0  }
0x1d: {  	s5 =	simm.s32 @p1 $0x1;
	p0 =	seq.s32 s7, s2  }
0x1e: {  	s7 =	smul.u32 @!p0 $0xF7A, s2;
	p2 =	seq.s32 @!p0 s5, $0x0  }
0x1f: {  	s9 =	smul.u32 $0xF7A, s1;
	s8 =	simm.s32 @!p0 $0x1BF5;
	p2 =	por !p2, p0  }
0x20: {  	[sflag:s8] =	ssyncset.s32 @!p0 $0xFFFFF086;
	s6 =	sadd.s32 @!p0 s3, s7;
	s7 =	simm.s32 @!p0 $0x108  }
0x21: {  	s3 =	sadd.s32 s3, s9;
	s6 =	sadd.s32 @!p0 $0x88, s6;
	s7 =	simm.s32 @p2 $0x1082  }
0x22: {  	[simem:s7], [sflag:s8] =	dma.local @!p0 [hbm:s6], $0xF7A  }
0x23: {  	s9 =	sor.u32 $0xD0000000, s2;
	s6 =	simm.s32 $0x108;
	_ =	swait.ge @!p0 [sflag:s8], $0x0  }
0x24: {  	s3 =	sadd.s32 $0x88, s3;
	s6 =	simm.s32 @!p1 $0x1082;
	[sflag:s4] =	ssyncset.s32 $0xFFFFF086  }
0x25: {  	[simem:s6], [sflag:s4] =	dma.local [hbm:s3], $0xF7A  }
0x26: {  	[smem:$0x3F9F] =	sst s1;
	(tag) =	ssettag s2;
	_ =	strace s9  }
0x27: {  	s1 =	sld [smem:$0x3FAF]  }
0x28: {  	s2 =	sld [smem:$0x3FB0]  }
0x29: {  	s4 =	sld [smem:$0x3FB2]  }
0x2a: {  	p0 =	seq.s32 s5, $0x0;
	s5 =	sld [smem:$0x3FB3]  }
0x2b: {  	s6 =	sld [smem:$0x3FB4]  }
0x2c: {  	s7 =	sld [smem:$0x3FB5]  }
0x2d: {  	s3 =	simm.s32 $0x108;
	s8 =	sld [smem:$0x3FB6]  }
0x2e: {  	s3 =	simm.s32 @!p0 $0x1082;
	s9 =	sld [smem:$0x3FB7]  }
0x2f: {  	lr =	sadd.s32 s0, s3;
	s0 =	sld [smem:$0x3FAE]  }
0x30: {  	s3 =	sld [smem:$0x3FB1]  }
0x31: {  	[smem:$0x3FBA] =	sst s10  }
0x32: {  	s10 =	sld [smem:$0x3FB8];
	_ =	sdelay $0x3  }
0x33: {  	p0 =	seq.s32 s10, $0x1;
	s10 =	sld [smem:$0x3FBA];
	_ =	sdelay $0x3  }
0x34: {  	[smem:$0x3FBA] =	sst s10  }
0x35: {  	s10 =	sld [smem:$0x3FB9];
	_ =	sdelay $0x3  }
0x36: {  	p1 =	seq.s32 s10, $0x1;
	s10 =	sld [smem:$0x3FBA];
	_ =	sdelay $0x3  }
0x37: {  	[smem:$0x3FBA] =	sst s10  }
0x38: {  	s10 =	sld [smem:$0x3FBB]  }
0x39: {  	_ = 	snop;
	(pc) =	sbr.ind lr, $3  }
0x3a: {  	_ = 	snop  }
0x3b: {  	_ = 	snop  }
0x3c: {  	p2 =	seq.s32 s10, $0x1;
	s10 =	sld [smem:$0x3FBA]  }
0x3d: {  	_ =	shalt  }
0x3e: {  	_ =	shalt  }
0x3f: {  	_ =	shalt  }
0x40: {  	_ =	shalt  }
0x41: {  	_ =	shalt  }
0x42: {  	_ =	shalt  }
0x43: {  	_ =	shalt  }
0x44: {  	_ =	shalt  }
0x45: {  	_ =	shalt  }
0x46: {  	_ =	shalt  }
0x47: {  	_ =	shalt  }
0x48: {  	_ =	shalt  }
0x49: {  	_ =	shalt  }
0x4a: {  	_ =	shalt  }
0x4b: {  	_ =	shalt  }
0x4c: {  	_ =	shalt  }
0x4d: {  	_ =	shalt  }
0x4e: {  	_ =	shalt  }
0x4f: {  	_ =	shalt  }
0x50: {  	_ =	shalt  }
0x51: {  	_ =	shalt  }
0x52: {  	_ =	shalt  }
0x53: {  	_ =	shalt  }
0x54: {  	_ =	shalt  }
0x55: {  	_ =	shalt  }
0x56: {  	_ =	shalt  }
0x57: {  	_ =	shalt  }
0x58: {  	_ =	shalt  }
0x59: {  	_ =	shalt  }
0x5a: {  	_ =	shalt  }
0x5b: {  	_ =	shalt  }
0x5c: {  	_ =	shalt  }
0x5d: {  	_ =	shalt  }
0x5e: {  	_ =	shalt  }
0x5f: {  	_ =	shalt  }
0x60: {  	_ =	shalt  }
0x61: {  	_ =	shalt  }
0x62: {  	_ =	shalt  }
0x63: {  	_ =	shalt  }
0x64: {  	_ =	shalt  }
0x65: {  	_ =	shalt  }
0x66: {  	_ =	shalt  }
0x67: {  	_ =	shalt  }
0x68: {  	_ =	shalt  }
0x69: {  	_ =	shalt  }
0x6a: {  	_ =	shalt  }
0x6b: {  	_ =	shalt  }
0x6c: {  	_ =	shalt  }
0x6d: {  	_ =	shalt  }
0x6e: {  	_ =	shalt  }
0x6f: {  	_ =	shalt  }
0x70: {  	_ =	shalt  }
0x71: {  	_ =	shalt  }
0x72: {  	_ =	shalt  }
0x73: {  	_ =	shalt  }
0x74: {  	_ =	shalt  }
0x75: {  	_ =	shalt  }
0x76: {  	_ =	shalt  }
0x77: {  	_ =	shalt  }
0x78: {  	_ =	shalt  }
0x79: {  	_ =	shalt  }
0x7a: {  	_ =	shalt  }
0x7b: {  	_ =	shalt  }
0x7c: {  	_ =	shalt  }
0x7d: {  	_ =	shalt  }
0x7e: {  	_ =	shalt  }
0x7f: {  	_ =	shalt  }
0x80: {  	_ =	shalt  }
0x81: {  	_ =	shalt  }
0x82: {  	_ =	shalt  }
0x83: {  	_ =	shalt  }
0x84: {  	_ =	shalt  }
0x85: {  	_ =	shalt  }
0x86: {  	_ =	shalt  }
0x87: {  	_ =	shalt  }
.Lfunc_end0:
.L_simem_size_0:
called_computation_lowered:
.L_overlay_start_0:
0x88: {  	s2 =	sld [smem:$0x3FD9]  }
0x89: {  	s3 =	sld [smem:$0x3FFE];
	_ =	sdelay $0x1  }
0x8a: {  	s1 =	srdreg.scid  }
0x8b: {  	s0 =	sand.u32 $0x1, s1  }
0x8c: {  	s17 =	sshll.u32 s0, $0xA;
	s2 =	sadd.s32 s3, s2  }
0x8d: {  	s2 =	sadd.s32 s2, s17  }
0x8e: {  	[smem:$0x3FC6] =	sst s2  }
0x8f: {  	_ = 	snop  }
0x90: {  	s2 =	sld [smem:$0x3FC9];
	(tm) =	ssettm $0x1  }
0x91: {  	s18 =	sld [smem:$0x3FFB];
	_ =	sdelay $0x3  }
0x92: {  	_ =	strace s18  }
0x93: {  	s3 =	sld [smem:$0x3FFC];
	_ =	sdelay $0x3  }
0x94: {  	_ =	strace s3  }
0x95: {  	s3 =	sld [smem:$0x3FFD];
	_ =	sdelay $0x3  }
0x96: {  	_ =	strace s3  }
0x97: {  	_ =	strace $0x8FFFFFFF  }
0x98: {  	s19 =	sld [smem:$0x3FDB];
	_ =	sdelay $0x1  }
0x99: {  	s4 =	simm.s32 $_scs_section_size  }
0x9a: {  	s5 =	simm.s32 $_size__tile_overlayer_lowered;
	s6 =	simm.s32 $_tile_overlayer_lowered  }
0x9b: {  	s22 =	simm.s32 $0x1BFF;
	s21 =	sshll.u32 s6, $0x1;
	s3 =	sadd.s32 s4, s19  }
0x9c: {  	s7 =	simm.s32 $0x0;
	s20 =	sshll.u32 s5, $0x1;
	s5 =	sadd.s32 s21, s3  }
0x9d: {  	[timem:s7], [sflag:s22] =	dma.local [hbm:s5], s20  }
0x9e: {  	_ =	swait.ge [sflag:s22], s20  }
0x9f: {  	s4 =	ssub.s32 $0x0, s20;
	[sflag:s22] =	ssyncset.done $0x0  }
0xa0: {  	[sflag:s22] =	ssyncadd.s32 s4;
	_ =	sdelay $0x1  }
0xa1: {  	s23 =	simm.s32 $0x1B8B  }
0xa2: {  	_ =	swait.ge [sflag:s23], $0x1  }
0xa3: {  	[sflag:s23] =	ssyncset.done $0x0  }
0xa4: {  	s25 =	simm.s32 $0x1B8E;
	s24 =	sld [smem:$0x3FFE];
	[sflag:s23] =	ssyncadd.s32 $0xFFFFFFFF  }
0xa5: {  	s26 =	simm.s32 $execute0_lowered;
	[smem:$0x3FD2] =	sst s25  }
0xa6: {  	s5 =	sshll.u32 s26, $0x1;
	_ =	strace $0x80000046;
	[dreg:$0x1] =	wrdreg $0xFFFFFFFF  }
0xa7: {  	s28 =	simm.s32 $_size_execute0_lowered;
	s3 =	sadd.s32 s3, s5;
	[dreg:$0x0] =	wrdreg $0x0  }
0xa8: {  	s5 =	sshll.u32 s28, $0x1;
	[dreg:$0x2] =	wrdreg s3  }
0xa9: {  	[dreg:$0x3] =	wrdreg s5  }
0xaa: {  	[dreg:$0x4] =	wrdreg $0xC0  }
0xab: {  	_ =	task [dreg:s7], $0x5FFFF  }
0xac: {  	[dreg:$0x1] =	wrdreg $0xFFFFFFFF  }
0xad: {  	[dreg:$0x0] =	wrdreg $0x60  }
0xae: {  	[dreg:$0x2] =	wrdreg s2  }
0xaf: {  	[dreg:$0x3] =	wrdreg s24  }
0xb0: {  	[dreg:$0x4] =	wrdreg $0x9  }
0xb1: {  	_ =	task.clear_ibuf [dreg:s7], $0x5FFFF;
	_ =	strace $0x90000046  }
0xb2: {  	s29 =	simm.s32 $0x9;
	_ =	strace $0x80000048  }
0xb3: {  	_ =	swait.ge [sflag:s29], $0x1  }
0xb4: {  	[sflag:s29] =	ssyncadd.s32 $0xFFFFFFFF  }
0xb5: {  	_ =	strace $0x90000048  }
0xb6: {  	_ =	sfence  }
0xb7: {  	s30 =	sld [smem:$0x0];
	_ =	sdelay $0x2  }
0xb8: {  	s31 =	sshll.u32 s1, $0xD;
	s1 =	sshrl.u32 s1, $0x2  }
0xb9: {  	s3 =	sand.u32 $0x4000, s31;
	s1 =	sadd.s32 s1, s30  }
0xba: {  	s0 =	sor.u32 s3, s0;
	s1 =	sshll.u32 s1, $0x11  }
0xbb: {  	s0 =	sor.u32 s1, s0  }
0xbc: {  	s0 =	sadd.s32 $0x8F2B, s0  }
0xbd: {  	[sflag:s0] =	ssyncadd.remote.s32 $0x1  }
0xbe: {  	_ =	sfence.sel $0xFFFF  }
0xbf: {  	[dreg:$0x0] =	wrdreg $0xFFFFFFFF;
	(pc) =	sbr.abs _section_cstart, $3  }
0xc0: {  	[dreg:$0x1] =	wrdreg $0xFFFFFFFF  }
0xc1: {  	_ =	task.clear_ibuf [dreg:s7], $0x2FFFF;
	_ =	strace $0x9FFFFFFF  }
0xc2: {  	(tm) =	ssettm $0x7FFFFFFF  }
0xc3: {  	_ =	shalt  }
tec
execute0_lowered:
.L_overlay_start_1:
0x0: {  	(tag) =	ssettag $0x1  }
0x1: {  	s3 =	rddreg [dreg:$0x0]  }
0x2: {  	s4 =	rddreg [dreg:$0x1]  }
0x3: {  	s0 =	rddreg [dreg:$0x2];
	s5 =	srdreg.scid  }
0x4: {  	s1 =	stileid.u32;
	s2 =	simm.s32 $0x0;
	s11 =	simm.s32 $0x10000  }
0x5: {  	s12 =	simm.s32 $0x10400;
	s13 =	simm.s32 $0x2;
	s14 =	simm.s32 $0x0  }
0x6: {  	s5 =	sand.u32 $0x1, s5;
	s6 =	sshll.u32 s1, $0x1;
	[smem:$0x7FF] =	sst s2  }
0x7: {  	s9 =	sshll.u32 s1, $0xE;
	s6 =	sor.u32 s5, s6;
	s5 =	ssub.s32 $0x2, s5  }
0x8: {  	_ =	strace $0x80000047;
	s7 =	sshll.u32 s6, $0x4;
	s28 =	sshrl.u32 s5, $0x1  }
0x9: {  	s8 =	sshll.u32 s6, $0x1;
	s6 =	sshll.u32 s6, $0x5;
	s7 =	sadd.s32 s7, s4  }
0xa: {  	s8 =	sor.u32 $0x41, s8;
	s10 =	ssub.s32 s5, s28;
	s29 =	sor.u32 s6, s9  }
0xb: {  	s9 =	simm.s32 $0x1;
	s30 =	sshll.u32 s8, $0x4;
	s4 =	sand.u32 $0x38060, s29  }
0xc: {  	s31 =	sshll.u32 s8, $0xC;
	s8 =	simm.s32 $0x400;
	s5 =	sand.u32 $0x70, s30  }
0xd: {  	s4 =	sadd.s32 s4, s3;
	s6 =	sand.u32 $0x78000, s31;
	s5 =	sadd.s32 s3, s5  }
0xe: {  	v0 =	vimm.s32 $0x0;
	v1 =	vimm.s32 $0x1;
	v2 =	vlaneseq.u32;
	s3 =	sadd.s32 $0x40000, s4;
	s4 =	sadd.s32 s6, s5;
	s5 =	sadd.s32 $0x800, s7  }
0xf: {  	vm0 =	vcmask $0x300;
	vm1 =	vcmask $0x704;
	v2 =	vor.u32 $0x80000000, v2;
	s6 =	smax.u32 s10, $0x1;
	s7 =	simm.s32 $0x80;
	s10 =	simm.s32 $0x8000  }
.LBB2_1:
0x10: {  	[tilespmem:s2], [sflag:$0x1] =	stream.strided.gather [hbm4b:s3+s7], $0x8000, s8, s7, $0x38;
	[tilespmem:$0x10480] =	vst v63  }
0x11: {  	_ =	swait.ge [sflag:s9], $0x8000  }
0x12: {  	[sflag:s9] =	ssyncset.done $0x0  }
0x13: {  	s15 =	simm.s32 $0x10080;
	[sflag:s9] =	ssyncadd.s32 $0xFFFF8000  }
0x14: {  	[tilespmem:s10], [sflag:$0x1] =	stream.strided.gather [hbm4b:s4+s7], $0x8000, s8, s7, $0x38;
	[tilespmem:$0x10480] =	vst v63  }
0x15: {  	[tilespmem:s15+$0xFFFFFF80] =	vst v0  }
0x16: {  	[tilespmem:s15+$0x70] =	vst v0  }
0x17: {  	[tilespmem:s15+$0x60] =	vst v0  }
0x18: {  	[tilespmem:s15+$0x50] =	vst v0  }
0x19: {  	[tilespmem:s15+$0x40] =	vst v0  }
0x1a: {  	[tilespmem:s15+$0x30] =	vst v0  }
0x1b: {  	[tilespmem:s15+$0x20] =	vst v0  }
0x1c: {  	[tilespmem:s15+$0x10] =	vst v0  }
0x1d: {  	[tilespmem:s15+$0x0] =	vst v0  }
0x1e: {  	[tilespmem:s15+$0xFFFFFFF0] =	vst v0  }
0x1f: {  	[tilespmem:s15+$0xFFFFFFE0] =	vst v0  }
0x20: {  	[tilespmem:s15+$0xFFFFFFD0] =	vst v0  }
0x21: {  	[tilespmem:s15+$0xFFFFFFC0] =	vst v0  }
0x22: {  	[tilespmem:s15+$0xFFFFFFB0] =	vst v0  }
0x23: {  	s16 =	simm.s32 $0x0;
	[tilespmem:s15+$0xFFFFFFA0] =	vst v0  }
.LBB2_2:
0x24: {  	s16 =	sadd.s32 $0x10, s16;
	[tilespmem:s15+$0xFFFFFF90] =	vst v0;
	s15 =	sadd.s32 $0x100, s15  }
0x25: {  	[tilespmem:s15+$0xFFFFFF80] =	vst v0;
	p0 =	slt.u32 s16, $0x30  }
0x26: {  	[tilespmem:s15+$0x70] =	vst v0  }
0x27: {  	[tilespmem:s15+$0x60] =	vst v0  }
0x28: {  	[tilespmem:s15+$0x50] =	vst v0  }
0x29: {  	[tilespmem:s15+$0x40] =	vst v0  }
0x2a: {  	[tilespmem:s15+$0x30] =	vst v0  }
0x2b: {  	[tilespmem:s15+$0x20] =	vst v0  }
0x2c: {  	[tilespmem:s15+$0x10] =	vst v0  }
0x2d: {  	[tilespmem:s15+$0x0] =	vst v0  }
0x2e: {  	[tilespmem:s15+$0xFFFFFFF0] =	vst v0  }
.Ltmp0:
0x2f: {  	[tilespmem:s15+$0xFFFFFFE0] =	vst v0;
	(pc) =	sbr.rel @p0 .LBB2_2-.Ltmp0, $4  }
0x30: {  	[tilespmem:s15+$0xFFFFFFD0] =	vst v0  }
0x31: {  	[tilespmem:s15+$0xFFFFFFC0] =	vst v0  }
0x32: {  	[tilespmem:s15+$0xFFFFFFB0] =	vst v0  }
0x33: {  	[tilespmem:s15+$0xFFFFFFA0] =	vst v0  }
0x34: {  	[tilespmem:s15+$0xFFFFFF90] =	vst v0;
	s16 =	simm.s32 $0x80  }
0x35: {  	v3 =	vld [tilespmem:s16+$0xFFFFFFA0]  }
0x36: {  	v4 =	vld [tilespmem:s16+$0xFFFFFFB0]  }
0x37: {  	v5 =	vld [tilespmem:s16+$0xFFFFFFC0]  }
0x38: {  	v6 =	vld [tilespmem:s16+$0xFFFFFFD0]  }
0x39: {  	v7 =	vld [tilespmem:s16+$0xFFFFFF80]  }
0x3a: {  	v8 =	vld [tilespmem:s16+$0x70]  }
0x3b: {  	v9 =	vld [tilespmem:s16+$0x60]  }
0x3c: {  	v10 =	vld [tilespmem:s16+$0x50]  }
0x3d: {  	v11 =	vld [tilespmem:s16+$0x40]  }
0x3e: {  	v12 =	vld [tilespmem:s16+$0x30]  }
0x3f: {  	v13 =	vld [tilespmem:s16+$0x20];
	v7 =	vshrl.u32 v7, $0x14  }
0x40: {  	v17 =	vld [tilespmem:s16+$0xFFFFFFE0];
	v8 =	vshrl.u32 v8, $0x14;
	v7 =	vand.u32 $0x3FF, v7  }
0x41: {  	v14 =	vld [tilespmem:s16+$0x10];
	v9 =	vshrl.u32 v9, $0x14;
	v8 =	vand.u32 $0x3FF, v8  }
0x42: {  	v15 =	vld [tilespmem:s16+$0x0];
	v10 =	vshrl.u32 v10, $0x14;
	v9 =	vand.u32 $0x3FF, v9  }
0x43: {  	v16 =	vld [tilespmem:s16+$0xFFFFFFF0];
	v11 =	vshrl.u32 v11, $0x14;
	v10 =	vand.u32 $0x3FF, v10  }
0x44: {  	v62 =	vld [tilespmem:s16+$0xFFFFFF90];
	v58 =	vshrl.u32 v13, $0x14;
	v11 =	vand.u32 $0x3FF, v11  }
0x45: {  	v63 =	vshrl.u32 v17, $0x14;
	v59 =	vand.u32 $0x3FF, v58;
	[tilespmem:v7+s11+$0x0] =	vst.idx.add.s32.msk $0xffff, v1  }
0x46: {  	v5 =	vshrl.u32 v5, $0x14;
	v13 =	vand.u32 $0x3FF, v63;
	[tilespmem:v8+s11+$0x0] =	vst.idx.add.s32.msk $0xffff, v1  }
0x47: {  	v12 =	vshrl.u32 v12, $0x14;
	v5 =	vand.u32 $0x3FF, v5;
	[tilespmem:v9+s11+$0x0] =	vst.idx.add.s32.msk $0xffff, v1  }
0x48: {  	v4 =	vshrl.u32 v4, $0x14;
	v7 =	vand.u32 $0x3FF, v12;
	[tilespmem:v10+s11+$0x0] =	vst.idx.add.s32.msk $0xffff, v1  }
0x49: {  	v6 =	vshrl.u32 v6, $0x14;
	v4 =	vand.u32 $0x3FF, v4;
	[tilespmem:v11+s11+$0x0] =	vst.idx.add.s32.msk $0xffff, v1  }
0x4a: {  	v60 =	vshrl.u32 v15, $0x14;
	v6 =	vand.u32 $0x3FF, v6;
	[tilespmem:v59+s11+$0x0] =	vst.idx.add.s32.msk $0xffff, v1  }
0x4b: {  	v61 =	vshrl.u32 v14, $0x14;
	v12 =	vand.u32 $0x3FF, v60;
	[tilespmem:v13+s11+$0x0] =	vst.idx.add.s32.msk $0xffff, v1  }
0x4c: {  	v3 =	vshrl.u32 v3, $0x14;
	v9 =	vand.u32 $0x3FF, v61;
	[tilespmem:v5+s11+$0x0] =	vst.idx.add.s32.msk $0xffff, v1  }
0x4d: {  	v5 =	vshrl.u32 v62, $0x14;
	[tilespmem:v7+s11+$0x0] =	vst.idx.add.s32.msk $0xffff, v1;
	v7 =	vand.u32 $0x3FF, v3  }
0x4e: {  	[tilespmem:v4+s11+$0x0] =	vst.idx.add.s32.msk $0xffff, v1;
	v4 =	vand.u32 $0x3FF, v5;
	v3 =	vshrl.u32 v16, $0x14  }
0x4f: {  	[tilespmem:v6+s11+$0x0] =	vst.idx.add.s32.msk $0xffff, v1;
	v3 =	vand.u32 $0x3FF, v3  }
0x50: {  	[tilespmem:v12+s11+$0x0] =	vst.idx.add.s32.msk $0xffff, v1  }
0x51: {  	[tilespmem:v9+s11+$0x0] =	vst.idx.add.s32.msk $0xffff, v1  }
0x52: {  	s17 =	simm.s32 $0x0;
	s15 =	simm.s32 $0x3F;
	s18 =	simm.s32 $0x103F0;
	[tilespmem:v7+s11+$0x0] =	vst.idx.add.s32.msk $0xffff, v1  }
.LBB2_4:
0x53: {  	s17 =	sadd.s32 $0x10, s17;
	[tilespmem:v4+s11+$0x0] =	vst.idx.add.s32.msk $0xffff, v1;
	s16 =	sadd.s32 $0x100, s16  }
0x54: {  	p0 =	slt.u32 s17, $0x7F0;
	[tilespmem:v3+s11+$0x0] =	vst.idx.add.s32.msk $0xffff, v1  }
0x55: {  	v4 =	vld [tilespmem:s16+$0xFFFFFFA0]  }
0x56: {  	v5 =	vld [tilespmem:s16+$0xFFFFFFB0]  }
0x57: {  	v6 =	vld [tilespmem:s16+$0xFFFFFFC0]  }
0x58: {  	v7 =	vld [tilespmem:s16+$0xFFFFFFD0]  }
0x59: {  	v3 =	vld [tilespmem:s16+$0xFFFFFF80]  }
0x5a: {  	v8 =	vld [tilespmem:s16+$0x70]  }
0x5b: {  	v9 =	vld [tilespmem:s16+$0x60]  }
0x5c: {  	v10 =	vld [tilespmem:s16+$0x50]  }
0x5d: {  	v11 =	vld [tilespmem:s16+$0x40]  }
0x5e: {  	v3 =	vshrl.u32 v3, $0x14;
	v12 =	vld [tilespmem:s16+$0x30]  }
0x5f: {  	v3 =	vand.u32 $0x3FF, v3;
	v13 =	vld [tilespmem:s16+$0x20];
	v8 =	vshrl.u32 v8, $0x14  }
0x60: {  	v14 =	vld [tilespmem:s16+$0x10];
	v9 =	vshrl.u32 v9, $0x14;
	v8 =	vand.u32 $0x3FF, v8  }
0x61: {  	v15 =	vld [tilespmem:s16+$0x0];
	v10 =	vshrl.u32 v10, $0x14;
	v9 =	vand.u32 $0x3FF, v9  }
0x62: {  	v16 =	vld [tilespmem:s16+$0xFFFFFFF0];
	v11 =	vshrl.u32 v11, $0x14;
	v10 =	vand.u32 $0x3FF, v10  }
0x63: {  	v17 =	vld [tilespmem:s16+$0xFFFFFFE0];
	v12 =	vshrl.u32 v12, $0x14  }
0x64: {  	[tilespmem:v3+s11+$0x0] =	vst.idx.add.s32.msk $0xffff, v1;
	v3 =	vshrl.u32 v13, $0x14;
	v12 =	vand.u32 $0x3FF, v12  }
0x65: {  	v11 =	vand.u32 $0x3FF, v11;
	v13 =	vshrl.u32 v14, $0x14;
	v14 =	vand.u32 $0x3FF, v3;
	[tilespmem:v8+s11+$0x0] =	vst.idx.add.s32.msk $0xffff, v1  }
0x66: {  	v3 =	vshrl.u32 v15, $0x14;
	v8 =	vand.u32 $0x3FF, v13;
	[tilespmem:v9+s11+$0x0] =	vst.idx.add.s32.msk $0xffff, v1  }
0x67: {  	v9 =	vshrl.u32 v16, $0x14;
	v13 =	vand.u32 $0x3FF, v3;
	[tilespmem:v10+s11+$0x0] =	vst.idx.add.s32.msk $0xffff, v1  }
0x68: {  	v10 =	vld [tilespmem:s16+$0xFFFFFF90];
	v15 =	vshrl.u32 v17, $0x14;
	v3 =	vand.u32 $0x3FF, v9  }
0x69: {  	v7 =	vshrl.u32 v7, $0x14;
	v9 =	vand.u32 $0x3FF, v15;
	[tilespmem:v12+s11+$0x0] =	vst.idx.add.s32.msk $0xffff, v1  }
0x6a: {  	v6 =	vshrl.u32 v6, $0x14;
	v7 =	vand.u32 $0x3FF, v7;
	[tilespmem:v11+s11+$0x0] =	vst.idx.add.s32.msk $0xffff, v1  }
0x6b: {  	v5 =	vshrl.u32 v5, $0x14;
	v6 =	vand.u32 $0x3FF, v6;
	[tilespmem:v14+s11+$0x0] =	vst.idx.add.s32.msk $0xffff, v1  }
0x6c: {  	v4 =	vshrl.u32 v4, $0x14;
	v5 =	vand.u32 $0x3FF, v5;
	[tilespmem:v13+s11+$0x0] =	vst.idx.add.s32.msk $0xffff, v1  }
0x6d: {  	v11 =	vand.u32 $0x3FF, v4;
	v10 =	vshrl.u32 v10, $0x14;
	[tilespmem:v8+s11+$0x0] =	vst.idx.add.s32.msk $0xffff, v1  }
.Ltmp1:
0x6e: {  	v4 =	vand.u32 $0x3FF, v10;
	[tilespmem:v9+s11+$0x0] =	vst.idx.add.s32.msk $0xffff, v1;
	(pc) =	sbr.rel @p0 .LBB2_4-.Ltmp1, $4  }
0x6f: {  	[tilespmem:v7+s11+$0x0] =	vst.idx.add.s32.msk $0xffff, v1  }
0x70: {  	[tilespmem:v6+s11+$0x0] =	vst.idx.add.s32.msk $0xffff, v1  }
0x71: {  	[tilespmem:v5+s11+$0x0] =	vst.idx.add.s32.msk $0xffff, v1  }
0x72: {  	[tilespmem:v11+s11+$0x0] =	vst.idx.add.s32.msk $0xffff, v1  }
0x73: {  	_ =	sdelay $0x3  }
0x74: {  	[tilespmem:v4+s11+$0x0] =	vst.idx.add.s32.msk $0xffff, v1  }
0x75: {  	[tilespmem:v3+s11+$0x0] =	vst.idx.add.s32.msk $0xffff, v1  }
0x76: {  	v3 =	vld [tilespmem:s18+$0x0];
	_ =	sdelay $0x4  }
0x77: {  	(xrf0) =	vadd.scan.msk.s32 $0xffff, v3;
	_ =	sdelay $0x5  }
0x78: {  	v3, _, _ =	vpop (xrf0)  }
0x79: {  	(v2sf) =	vpush v3, $0xF;
	_ =	sdelay $0x1  }
0x7a: {  	s16 =	simm.s32 $0x103E0  }
0x7b: {  	v3 =	vld [tilespmem:s16+$0x0]  }
0x7c: {  	s28 =	simm.s32 $0x103D0  }
0x7d: {  	v4 =	vld [tilespmem:s28+$0x0];
	_ =	sdelay $0x2  }
0x7e: {  	(xrf0) =	vadd.scan.msk.s32 $0xffff, v3;
	_ =	sdelay $0x1  }
0x7f: {  	(xrf0) =	vadd.scan.msk.s32 $0xffff, v4;
	_ =	sdelay $0x2  }
0x80: {  	s29 =	simm.s32 $0x103C0  }
0x81: {  	v5 =	vld [tilespmem:s29+$0x0];
	v4, _, _ =	vpop (xrf0)  }
0x82: {  	s31 =	spop (v2sf);
	(v2sf) =	vpush v4, $0xF  }
0x83: {  	v4, _, _ =	vpop (xrf0)  }
0x84: {  	(v2sf) =	vpush v4, $0xF;
	_ =	sdelay $0x1  }
0x85: {  	s30 =	simm.s32 $0x103B0;
	(xrf0) =	vadd.scan.msk.s32 $0xffff, v5  }
0x86: {  	v3 =	vld [tilespmem:s30+$0x0];
	_ =	sdelay $0x1  }
0x87: {  	s17 =	simm.s32 $0x0;
	s22 =	simm.s32 $0x3E;
	s19 =	simm.s32 $0x3D  }
0x88: {  	s20 =	simm.s32 $0x3C;
	s24 =	simm.s32 $0x3A;
	s25 =	simm.s32 $0x103A0  }
0x89: {  	p1 =	por $0x1, $0x1;
	s23 =	simm.s32 $0x0;
	s21 =	sadd.s32 $0x0, s31  }
0x8a: {  	s18 =	simm.s32 $0x3B;
	s16 =	simm.s32 $0x0;
	(xrf0) =	vadd.scan.msk.s32 $0xffff, v3;
	v3, _, _ =	vpop (xrf0);
	p2 =	sgt.s32 s21, $0x800  }
.LBB2_6:
0x8b: {  	p0 =	sne.s32 s24, $0x0;
	p1 =	por !p1, !p2;
	s26 =	smov.u32 s24  }
0x8c: {  	v4 =	vld [tilespmem:s25+$0x0];
	(v2sf) =	vpush v3, $0xF;
	s24 =	sadd.s32 $0xFFFFFFFF, s24;
	s28 =	smov.u32 s23;
	s23 =	smov.u32 s21  }
.Ltmp2:
0x8d: {  	p1 =	por !p1, !p1;
	(pc) =	sbr.rel @p0 .LBB2_6-.Ltmp2, $4  }
0x8e: {  	s17 =	smov.u32 @p1 s15;
	s16 =	smov.u32 @p1 s28;
	s15 =	smov.u32 s22  }
0x8f: {  	s22 =	smov.u32 s19;
	s19 =	smov.u32 s20;
	s28 =	spop (v2sf)  }
0x90: {  	s20 =	smov.u32 s18;
	s18 =	smov.u32 s26;
	s21 =	sadd.s32 s21, s28  }
0x91: {  	s25 =	sadd.s32 $0xFFFFFFF0, s25;
	p1 =	slt.s32 s23, $0x801;
	(xrf0) =	vadd.scan.msk.s32 $0xffff, v4;
	v3, _, _ =	vpop (xrf0);
	p2 =	sgt.s32 s21, $0x800  }
0x92: {  	_ =	sdelay $0x4  }
0x93: {  	(v2sf) =	vpush v3, $0xF;
	v3, _, _ =	vpop (xrf0)  }
0x94: {  	(v2sf) =	vpush v3, $0xF;
	_ =	sdelay $0x6  }
0x95: {  	p0 =	por !p1, !p2  }
0x96: {  	s24 =	spop (v2sf);
	p1 =	por !p0, !p0  }
0x97: {  	s17 =	smov.u32 @p1 s15;
	s15 =	sadd.s32 s21, s24  }
0x98: {  	p2 =	slt.s32 s21, $0x801;
	p3 =	sgt.s32 s15, $0x800  }
0x99: {  	p0 =	por !p2, !p3  }
0x9a: {  	s16 =	smov.u32 @p1 s23;
	p0 =	por !p0, !p0;
	s30 =	spop (v2sf)  }
0x9b: {  	p4 =	slt.s32 s15, $0x801;
	s17 =	smov.u32 @p0 s22;
	s24 =	sadd.s32 s15, s30  }
0x9c: {  	p3 =	sgt.s32 s24, $0x800;
	p5 =	slt.s32 s24, $0x801;
	s25 =	spop (v2sf)  }
0x9d: {  	p2 =	por !p4, !p3;
	s25 =	sadd.s32 s24, s25;
	s26 =	spop (v2sf)  }
0x9e: {  	p2 =	por !p2, !p2;
	p4 =	sgt.s32 s25, $0x800;
	s31 =	sadd.s32 s25, s26  }
0x9f: {  	p6 =	slt.s32 s25, $0x801;
	p3 =	por !p5, !p4;
	p1 =	sgt.s32 s31, $0x800  }
0xa0: {  	s17 =	smov.u32 @p2 s19;
	p3 =	por !p3, !p3;
	p1 =	por !p6, !p1  }
0xa1: {  	s16 =	smov.u32 @p0 s21;
	s17 =	smov.u32 @p3 s20;
	p0 =	por !p1, !p1  }
0xa2: {  	s17 =	smov.u32 @p0 s18  }
0xa3: {  	s16 =	smov.u32 @p2 s15;
	s15 =	sshll.u32 s17, $0x4;
	s17 =	simm.s32 $0x10080  }
0xa4: {  	v4 =	vld [tilespmem:s15+$0x10000];
	[tilespmem:s17+$0xFFFFFF80] =	vst v0  }
0xa5: {  	[tilespmem:s17+$0x70] =	vst v0  }
0xa6: {  	[tilespmem:s17+$0x60] =	vst v0  }
0xa7: {  	[tilespmem:s17+$0x50] =	vst v0  }
0xa8: {  	[tilespmem:s17+$0x40] =	vst v0  }
0xa9: {  	[tilespmem:s17+$0x30] =	vst v0  }
0xaa: {  	[tilespmem:s17+$0x20] =	vst v0  }
0xab: {  	[tilespmem:s17+$0x10] =	vst v0  }
0xac: {  	[tilespmem:s17+$0x0] =	vst v0  }
0xad: {  	[tilespmem:s17+$0xFFFFFFF0] =	vst v0  }
0xae: {  	[tilespmem:s17+$0xFFFFFFE0] =	vst v0  }
0xaf: {  	[tilespmem:s17+$0xFFFFFFD0] =	vst v0  }
0xb0: {  	[tilespmem:s17+$0xFFFFFFC0] =	vst v0  }
0xb1: {  	s16 =	smov.u32 @p3 s24;
	[tilespmem:s17+$0xFFFFFFB0] =	vst v0  }
0xb2: {  	s16 =	smov.u32 @p0 s25;
	s18 =	simm.s32 $0x0;
	[tilespmem:s17+$0xFFFFFFA0] =	vst v0  }
.LBB2_8:
0xb3: {  	s18 =	sadd.s32 $0x10, s18;
	[tilespmem:s17+$0xFFFFFF90] =	vst v0;
	s17 =	sadd.s32 $0x100, s17  }
0xb4: {  	[tilespmem:s17+$0xFFFFFF80] =	vst v0;
	p0 =	slt.u32 s18, $0x30  }
0xb5: {  	[tilespmem:s17+$0x70] =	vst v0  }
0xb6: {  	[tilespmem:s17+$0x60] =	vst v0  }
0xb7: {  	[tilespmem:s17+$0x50] =	vst v0  }
0xb8: {  	[tilespmem:s17+$0x40] =	vst v0  }
0xb9: {  	[tilespmem:s17+$0x30] =	vst v0  }
0xba: {  	[tilespmem:s17+$0x20] =	vst v0  }
0xbb: {  	[tilespmem:s17+$0x10] =	vst v0  }
0xbc: {  	[tilespmem:s17+$0x0] =	vst v0  }
0xbd: {  	[tilespmem:s17+$0xFFFFFFF0] =	vst v0  }
.Ltmp3:
0xbe: {  	[tilespmem:s17+$0xFFFFFFE0] =	vst v0;
	(pc) =	sbr.rel @p0 .LBB2_8-.Ltmp3, $4  }
0xbf: {  	[tilespmem:s17+$0xFFFFFFD0] =	vst v0  }
0xc0: {  	[tilespmem:s17+$0xFFFFFFC0] =	vst v0  }
0xc1: {  	[tilespmem:s17+$0xFFFFFFB0] =	vst v0  }
0xc2: {  	[tilespmem:s17+$0xFFFFFFA0] =	vst v0  }
0xc3: {  	(xrf0) =	vadd.scan.msk.s32 $0xffff, v4;
	_ =	sdelay $0x5  }
0xc4: {  	v3, _, _ =	vpop (xrf0)  }
0xc5: {  	v5 =	vxor.u32 $0x80000000, v3  }
0xc6: {  	(xrf0) =	vmax.scan.msk.u32 $0xffff, v5;
	_ =	sdelay $0x5  }
0xc7: {  	v5, _, _ =	vpop (xrf0)  }
0xc8: {  	(v2sf) =	vpush v5, $0xF;
	_ =	sdelay $0xe  }
0xc9: {  	s29 =	spop (v2sf)  }
0xca: {  	s16 =	sadd.s32 s29, s16  }
0xcb: {  	s16 =	sadd.s32 $0x80000000, s16  }
0xcc: {  	v3 =	vsub.s32 s16, v3  }
0xcd: {  	v4 =	vadd.s32 v4, v3  }
0xce: {  	vm3 =	vlt.s32 v3, $0x801;
	vm2 =	vgt.s32 v4, $0x800  }
0xcf: {  	v4 =	vor.u32 s15, v2;
	vm2 =	vmand vm3, vm2  }
0xd0: {  	v4 =	vnsel vm2, $0x7FFFFFFF, v4  }
0xd1: {  	(xrf0) =	vmax.scan.msk.u32 $0xffff, v4;
	_ =	sdelay $0x5  }
0xd2: {  	v4, _, _ =	vpop (xrf0)  }
0xd3: {  	(v2sf) =	vpush v4, $0xF;
	_ =	sdelay $0x4  }
0xd4: {  	[tilespmem:s17+$0xFFFFFF90] =	vst v0;
	s31 =	simm.s32 $0x80  }
0xd5: {  	v6 =	vld [tilespmem:s31+$0xFFFFFF90]  }
0xd6: {  	v8 =	vld [tilespmem:s31+$0x20]  }
0xd7: {  	v10 =	vld [tilespmem:s31+$0xFFFFFFB0]  }
0xd8: {  	v11 =	vld [tilespmem:s31+$0xFFFFFFC0]  }
0xd9: {  	v12 =	vld [tilespmem:s31+$0x30]  }
0xda: {  	v24 =	vld [tilespmem:s31+$0xFFFFFFE0]  }
0xdb: {  	v5 =	vld [tilespmem:s31+$0xFFFFFF80];
	_ =	sdelay $0x1  }
0xdc: {  	v23 =	vshrl.u32 v8, $0xA;
	v18 =	vshrl.u32 v11, $0xA  }
0xdd: {  	v9 =	vld [tilespmem:s31+$0x0];
	v16 =	vshrl.u32 v10, $0xA;
	v17 =	vshrl.u32 v12, $0x14;
	v19 =	vshrl.u32 v10, $0x14;
	s15 =	spop (v2sf)  }
0xde: {  	v10 =	vshrl.u32 v6, $0x14;
	v6 =	vshrl.u32 v6, $0xA;
	v22 =	vshrl.u32 v12, $0xA;
	s30 =	sxor.u32 $0x80000000, s15  }
0xdf: {  	v13 =	vld [tilespmem:s31+$0x40];
	v12 =	vshrl.u32 v24, $0x14;
	v7 =	vshrl.u32 v5, $0x14;
	v4 =	vmov s30  }
0xe0: {  	v14 =	vld [tilespmem:s31+$0xFFFFFFA0];
	v6 =	vand.u32 $0x3FF, v6;
	v5 =	vshrl.u32 v5, $0xA;
	vm3 =	veq.s32 v7, v4  }
0xe1: {  	v15 =	vand.u32 $0x3FF, v5;
	v5 =	vshrl.u32 v11, $0x14;
	v11 =	vshrl.u32 v8, $0x14;
	v8 =	vld [tilespmem:s31+$0xFFFFFFD0]  }
0xe2: {  	v18 =	vand.u32 $0x3FF, v18;
	v7 =	vshrl.u32 v9, $0x14;
	v9 =	vshrl.u32 v9, $0xA  }
0xe3: {  	v20 =	vld [tilespmem:s31+$0xFFFFFFF0];
	vm7 =	veq.s32 v5, v4;
	v5 =	vand.u32 $0x3FF, v16;
	vm6 =	veq.s32 v17, v4  }
0xe4: {  	v21 =	vld [tilespmem:s31+$0x60];
	v16 =	vshrl.u32 v13, $0xA;
	v13 =	vshrl.u32 v13, $0x14;
	vm5 =	veq.s32 v19, v4  }
0xe5: {  	v17 =	vld [tilespmem:s31+$0x70];
	vm8 =	veq.s32 v11, v4;
	v11 =	vshrl.u32 v24, $0xA;
	v16 =	vand.u32 $0x3FF, v16  }
0xe6: {  	vm9 =	veq.s32 v13, v4;
	v13 =	vshrl.u32 v8, $0x14;
	[tilespmem:v15+s11+$0x0] =	vst.idx.add.s32.msk vm3, v1;
	v15 =	vshrl.u32 v14, $0x14  }
0xe7: {  	v19 =	vld [tilespmem:s31+$0x10];
	vm3 =	veq.s32 v10, v4;
	vm4 =	veq.s32 v15, v4;
	v15 =	vshrl.u32 v14, $0xA  }
0xe8: {  	s17 =	simm.s32 $0x180;
	s16 =	simm.s32 $0x0;
	v10 =	vshrl.u32 v8, $0xA;
	v14 =	vld [tilespmem:s31+$0x50];
	v8 =	vand.u32 $0x3FF, v15;
	v15 =	vand.u32 $0x3FF, v23  }
.LBB2_10:
0xe9: {  	v23 =	vld [tilespmem:s17+$0xFFFFFF90];
	s16 =	sadd.s32 $0x10, s16;
	v24 =	vshrl.u32 v20, $0x14  }
0xea: {  	v20 =	vshrl.u32 v20, $0xA;
	v22 =	vand.u32 $0x3FF, v22;
	v25 =	vld [tilespmem:s17+$0xFFFFFFD0];
	p0 =	slt.u32 s16, $0x7F0;
	vm10 =	veq.s32 v24, v4  }
0xeb: {  	v9 =	vand.u32 $0x3FF, v9;
	v20 =	vand.u32 $0x3FF, v20;
	v24 =	vld [tilespmem:s17+$0x20]  }
0xec: {  	v26 =	vshrl.u32 v17, $0xA;
	v17 =	vshrl.u32 v17, $0x14;
	[tilespmem:v16+s11+$0x0] =	vst.idx.add.s32.msk vm9, v1;
	v16 =	vshrl.u32 v21, $0xA  }
0xed: {  	v28 =	vshrl.u32 v14, $0xA;
	v14 =	vshrl.u32 v14, $0x14;
	v27 =	vld [tilespmem:s17+$0x40];
	v16 =	vand.u32 $0x3FF, v16  }
0xee: {  	vm9 =	veq.s32 v14, v4;
	[tilespmem:v18+s11+$0x0] =	vst.idx.add.s32.msk vm7, v1;
	vm7 =	veq.s32 v13, v4;
	v13 =	vshrl.u32 v21, $0x14  }
0xef: {  	v10 =	vand.u32 $0x3FF, v10;
	v14 =	vand.u32 $0x3FF, v28;
	[tilespmem:v22+s11+$0x0] =	vst.idx.add.s32.msk vm6, v1;
	vm6 =	veq.s32 v13, v4  }
0xf0: {  	vm11 =	veq.s32 v17, v4;
	v18 =	vshrl.u32 v19, $0xA;
	v19 =	vshrl.u32 v19, $0x14;
	v13 =	vld [tilespmem:s17+$0xFFFFFFA0]  }
0xf1: {  	v17 =	vand.u32 $0x3FF, v26;
	[tilespmem:v20+s11+$0x0] =	vst.idx.add.s32.msk vm10, v1;
	vm10 =	veq.s32 v19, v4  }
0xf2: {  	vm12 =	veq.s32 v7, v4;
	v7 =	vand.u32 $0x3FF, v18;
	[tilespmem:v15+s11+$0x0] =	vst.idx.add.s32.msk vm8, v1  }
0xf3: {  	v15 =	vld [tilespmem:s17+$0xFFFFFFB0]  }
0xf4: {  	v18 =	vld [tilespmem:s17+$0xFFFFFFC0]  }
0xf5: {  	v19 =	vld [tilespmem:s17+$0xFFFFFF80]  }
0xf6: {  	vm8 =	veq.s32 v12, v4;
	[tilespmem:v16+s11+$0x0] =	vst.idx.add.s32.msk vm6, v1  }
0xf7: {  	v11 =	vand.u32 $0x3FF, v11;
	v12 =	vld [tilespmem:s17+$0x0]  }
0xf8: {  	[tilespmem:v7+s11+$0x0] =	vst.idx.add.s32.msk vm10, v1  }
0xf9: {  	[tilespmem:v9+s11+$0x0] =	vst.idx.add.s32.msk vm12, v1  }
0xfa: {  	v7 =	vshrl.u32 v19, $0x14;
	[tilespmem:v17+s11+$0x0] =	vst.idx.add.s32.msk vm11, v1  }
0xfb: {  	v9 =	vshrl.u32 v19, $0xA;
	vm10 =	veq.s32 v7, v4;
	v17 =	vld [tilespmem:s17+$0x30]  }
0xfc: {  	v16 =	vand.u32 $0x3FF, v9;
	v7 =	vshrl.u32 v12, $0x14;
	[tilespmem:v11+s11+$0x0] =	vst.idx.add.s32.msk vm8, v1  }
0xfd: {  	v9 =	vshrl.u32 v12, $0xA;
	[tilespmem:v14+s11+$0x0] =	vst.idx.add.s32.msk vm9, v1  }
0xfe: {  	v26 =	vshrl.u32 v24, $0xA;
	[tilespmem:v10+s11+$0x0] =	vst.idx.add.s32.msk vm7, v1  }
0xff: {  	v11 =	vshrl.u32 v18, $0xA;
	v12 =	vshrl.u32 v24, $0x14;
	v10 =	vshrl.u32 v18, $0x14;
	[tilespmem:v6+s11+$0x0] =	vst.idx.add.s32.msk vm3, v1  }
0x100: {  	v6 =	vshrl.u32 v15, $0xA;
	vm7 =	veq.s32 v10, v4;
	v10 =	vshrl.u32 v17, $0x14;
	[tilespmem:v8+s11+$0x0] =	vst.idx.add.s32.msk vm4, v1  }
0x101: {  	v8 =	vshrl.u32 v15, $0x14;
	vm6 =	veq.s32 v10, v4;
	[tilespmem:v5+s11+$0x0] =	vst.idx.add.s32.msk vm5, v1;
	v5 =	vand.u32 $0x3FF, v6  }
0x102: {  	v14 =	vshrl.u32 v27, $0xA;
	v6 =	vshrl.u32 v23, $0x14;
	v10 =	vshrl.u32 v13, $0x14;
	[tilespmem:v16+s11+$0x0] =	vst.idx.add.s32.msk vm10, v1  }
0x103: {  	v15 =	vshrl.u32 v23, $0xA;
	vm3 =	veq.s32 v6, v4;
	v16 =	vand.u32 $0x3FF, v14;
	v19 =	vld [tilespmem:s17+$0xFFFFFFE0]  }
.Ltmp4:
0x104: {  	v6 =	vand.u32 $0x3FF, v15;
	vm4 =	veq.s32 v10, v4;
	v14 =	vshrl.u32 v27, $0x14;
	v20 =	vld [tilespmem:s17+$0xFFFFFFF0];
	(pc) =	sbr.rel @p0 .LBB2_10-.Ltmp4, $4  }
0x105: {  	v15 =	vshrl.u32 v13, $0xA;
	v10 =	vshrl.u32 v25, $0xA;
	vm9 =	veq.s32 v14, v4;
	v14 =	vld [tilespmem:s17+$0x50]  }
0x106: {  	v22 =	vshrl.u32 v17, $0xA;
	vm5 =	veq.s32 v8, v4;
	v13 =	vshrl.u32 v25, $0x14;
	v17 =	vld [tilespmem:s17+$0x70]  }
0x107: {  	vm8 =	veq.s32 v12, v4;
	v18 =	vand.u32 $0x3FF, v11;
	v8 =	vand.u32 $0x3FF, v15;
	v21 =	vld [tilespmem:s17+$0x60]  }
0x108: {  	v15 =	vand.u32 $0x3FF, v26;
	v11 =	vshrl.u32 v19, $0xA;
	v12 =	vshrl.u32 v19, $0x14;
	v19 =	vld [tilespmem:s17+$0x10];
	s17 =	sadd.s32 $0x100, s17  }
0x109: {  	_ =	sdelay $0x4  }
0x10a: {  	v23 =	vshrl.u32 v20, $0x14;
	v53 =	vshrl.u32 v20, $0xA;
	v22 =	vand.u32 $0x3FF, v22;
	[tilespmem:v16+s11+$0x0] =	vst.idx.add.s32.msk vm9, v1  }
0x10b: {  	[tilespmem:v18+s11+$0x0] =	vst.idx.add.s32.msk vm7, v1;
	vm7 =	veq.s32 v7, v4;
	v9 =	vand.u32 $0x3FF, v9;
	vm15 =	veq.s32 v13, v4  }
0x10c: {  	[tilespmem:v15+s11+$0x0] =	vst.idx.add.s32.msk vm8, v1;
	v10 =	vand.u32 $0x3FF, v10;
	vm10 =	veq.s32 v23, v4;
	v20 =	vand.u32 $0x3FF, v53  }
0x10d: {  	[tilespmem:v6+s11+$0x0] =	vst.idx.add.s32.msk vm3, v1;
	v62 =	vshrl.u32 v14, $0x14;
	v59 =	vshrl.u32 v17, $0x14;
	v54 =	vshrl.u32 v21, $0x14  }
0x10e: {  	[tilespmem:v8+s11+$0x0] =	vst.idx.add.s32.msk vm4, v1;
	v55 =	vshrl.u32 v21, $0xA;
	vm11 =	veq.s32 v54, v4;
	v56 =	vshrl.u32 v19, $0x14  }
0x10f: {  	[tilespmem:v5+s11+$0x0] =	vst.idx.add.s32.msk vm5, v1;
	v57 =	vand.u32 $0x3FF, v55;
	v58 =	vshrl.u32 v19, $0xA;
	vm9 =	veq.s32 v56, v4  }
0x110: {  	v61 =	vshrl.u32 v17, $0xA;
	v60 =	vand.u32 $0x3FF, v58;
	[tilespmem:v22+s11+$0x0] =	vst.idx.add.s32.msk vm6, v1;
	vm6 =	veq.s32 v59, v4  }
0x111: {  	v63 =	vshrl.u32 v14, $0xA;
	vm12 =	veq.s32 v62, v4;
	v17 =	vand.u32 $0x3FF, v61;
	[tilespmem:v9+s11+$0x0] =	vst.idx.add.s32.msk vm7, v1  }
0x112: {  	[tilespmem:v20+s11+$0x0] =	vst.idx.add.s32.msk vm10, v1;
	vm10 =	veq.s32 v12, v4;
	v4 =	vand.u32 $0x3FF, v63  }
0x113: {  	v11 =	vand.u32 $0x3FF, v11;
	[tilespmem:v10+s11+$0x0] =	vst.idx.add.s32.msk vm15, v1  }
0x114: {  	[tilespmem:v57+s11+$0x0] =	vst.idx.add.s32.msk vm11, v1  }
0x115: {  	[tilespmem:v60+s11+$0x0] =	vst.idx.add.s32.msk vm9, v1  }
0x116: {  	[tilespmem:v17+s11+$0x0] =	vst.idx.add.s32.msk vm6, v1  }
0x117: {  	[tilespmem:v4+s11+$0x0] =	vst.idx.add.s32.msk vm12, v1  }
0x118: {  	s16 =	simm.s32 $0x103F0;
	[tilespmem:v11+s11+$0x0] =	vst.idx.add.s32.msk vm10, v1  }
0x119: {  	v4 =	vld [tilespmem:s16+$0x0]  }
0x11a: {  	v3 =	vxor.u32 $0x80000000, v3  }
0x11b: {  	v3 =	vnsel vm2, $0x7FFFFFFF, v3  }
0x11c: {  	(xrf0) =	vmax.scan.msk.u32 $0xffff, v3;
	_ =	sdelay $0x1  }
0x11d: {  	(xrf0) =	vadd.scan.msk.s32 $0xffff, v4;
	_ =	sdelay $0x3  }
0x11e: {  	v3, _, _ =	vpop (xrf0)  }
0x11f: {  	(v2sf) =	vpush v3, $0xF  }
0x120: {  	v3, _, _ =	vpop (xrf0)  }
0x121: {  	s25 =	simm.s32 $0x103E0;
	(v2sf) =	vpush v3, $0xF  }
0x122: {  	v3 =	vld [tilespmem:s25+$0x0]  }
0x123: {  	s26 =	simm.s32 $0x103D0  }
0x124: {  	v4 =	vld [tilespmem:s26+$0x0];
	_ =	sdelay $0x2  }
0x125: {  	(xrf0) =	vadd.scan.msk.s32 $0xffff, v3;
	_ =	sdelay $0x1  }
0x126: {  	(xrf0) =	vadd.scan.msk.s32 $0xffff, v4;
	_ =	sdelay $0x2  }
0x127: {  	s29 =	simm.s32 $0x103C0  }
0x128: {  	v5 =	vld [tilespmem:s29+$0x0];
	v4, _, _ =	vpop (xrf0)  }
0x129: {  	s30 =	spop (v2sf);
	(v2sf) =	vpush v4, $0xF  }
0x12a: {  	v4, _, _ =	vpop (xrf0)  }
0x12b: {  	s31 =	spop (v2sf);
	(v2sf) =	vpush v4, $0xF;
	_ =	sdelay $0x1  }
0x12c: {  	s17 =	simm.s32 $0x103B0;
	(xrf0) =	vadd.scan.msk.s32 $0xffff, v5  }
0x12d: {  	v3 =	vld [tilespmem:s17+$0x0]  }
0x12e: {  	s18 =	simm.s32 $0x0;
	s24 =	simm.s32 $0x3F;
	s23 =	simm.s32 $0x3E  }
0x12f: {  	s20 =	simm.s32 $0x3D;
	s21 =	simm.s32 $0x3C;
	s19 =	simm.s32 $0x3B  }
0x130: {  	s28 =	simm.s32 $0x103A0;
	s26 =	simm.s32 $0x3A;
	s16 =	sxor.u32 $0x80000000, s30  }
0x131: {  	s16 =	ssub.s32 $0x801, s16;
	s25 =	simm.s32 $0x0;
	s22 =	sadd.s32 $0x0, s31  }
0x132: {  	p1 =	sgt.s32 s16, $0x0;
	s17 =	simm.s32 $0x0;
	(xrf0) =	vadd.scan.msk.s32 $0xffff, v3;
	v3, _, _ =	vpop (xrf0);
	p2 =	sge.s32 s22, s16  }
.LBB2_12:
0x133: {  	p0 =	sne.s32 s26, $0x0;
	p1 =	por !p1, !p2;
	s29 =	smov.u32 s26  }
0x134: {  	v4 =	vld [tilespmem:s28+$0x0];
	(v2sf) =	vpush v3, $0xF;
	s26 =	sadd.s32 $0xFFFFFFFF, s26;
	s30 =	smov.u32 s25;
	s25 =	smov.u32 s22  }
.Ltmp5:
0x135: {  	p1 =	por !p1, !p1;
	(pc) =	sbr.rel @p0 .LBB2_12-.Ltmp5, $4  }
0x136: {  	s18 =	smov.u32 @p1 s24;
	s17 =	smov.u32 @p1 s30;
	s24 =	smov.u32 s23  }
0x137: {  	s23 =	smov.u32 s20;
	s20 =	smov.u32 s21;
	s30 =	spop (v2sf)  }
0x138: {  	s21 =	smov.u32 s19;
	s19 =	smov.u32 s29;
	s22 =	sadd.s32 s22, s30  }
0x139: {  	s28 =	sadd.s32 $0xFFFFFFF0, s28;
	p1 =	slt.s32 s25, s16;
	(xrf0) =	vadd.scan.msk.s32 $0xffff, v4;
	v3, _, _ =	vpop (xrf0);
	p2 =	sge.s32 s22, s16  }
0x13a: {  	_ =	sdelay $0x4  }
0x13b: {  	(v2sf) =	vpush v3, $0xF;
	v3, _, _ =	vpop (xrf0)  }
0x13c: {  	(v2sf) =	vpush v3, $0xF;
	_ =	sdelay $0x6  }
0x13d: {  	p0 =	por !p1, !p2  }
0x13e: {  	s26 =	spop (v2sf);
	p1 =	por !p0, !p0  }
0x13f: {  	s18 =	smov.u32 @p1 s24;
	s24 =	sadd.s32 s22, s26  }
0x140: {  	p2 =	slt.s32 s22, s16;
	p3 =	sge.s32 s24, s16  }
0x141: {  	p0 =	por !p2, !p3  }
0x142: {  	s17 =	smov.u32 @p1 s25;
	p0 =	por !p0, !p0;
	s30 =	spop (v2sf)  }
0x143: {  	p4 =	slt.s32 s24, s16;
	s18 =	smov.u32 @p0 s23;
	s26 =	sadd.s32 s24, s30  }
0x144: {  	p3 =	sge.s32 s26, s16;
	p5 =	slt.s32 s26, s16;
	s28 =	spop (v2sf)  }
0x145: {  	p2 =	por !p4, !p3;
	s28 =	sadd.s32 s26, s28;
	s29 =	spop (v2sf)  }
0x146: {  	p2 =	por !p2, !p2;
	p4 =	sge.s32 s28, s16;
	s31 =	sadd.s32 s28, s29  }
0x147: {  	p6 =	slt.s32 s28, s16;
	p3 =	por !p5, !p4;
	p1 =	sge.s32 s31, s16  }
0x148: {  	s18 =	smov.u32 @p2 s20;
	p3 =	por !p3, !p3;
	p1 =	por !p6, !p1  }
0x149: {  	s17 =	smov.u32 @p0 s22;
	s18 =	smov.u32 @p3 s21;
	p0 =	por !p1, !p1  }
0x14a: {  	s18 =	smov.u32 @p0 s19  }
0x14b: {  	s19 =	simm.s32 $0x10080;
	s18 =	sshll.u32 s18, $0x4  }
0x14c: {  	v4 =	vld [tilespmem:s18+$0x10000];
	[tilespmem:s19+$0xFFFFFF80] =	vst v0  }
0x14d: {  	[tilespmem:s19+$0x70] =	vst v0  }
0x14e: {  	[tilespmem:s19+$0x60] =	vst v0  }
0x14f: {  	[tilespmem:s19+$0x50] =	vst v0  }
0x150: {  	[tilespmem:s19+$0x40] =	vst v0  }
0x151: {  	[tilespmem:s19+$0x30] =	vst v0  }
0x152: {  	[tilespmem:s19+$0x20] =	vst v0  }
0x153: {  	[tilespmem:s19+$0x10] =	vst v0  }
0x154: {  	[tilespmem:s19+$0x0] =	vst v0  }
0x155: {  	[tilespmem:s19+$0xFFFFFFF0] =	vst v0  }
0x156: {  	[tilespmem:s19+$0xFFFFFFE0] =	vst v0  }
0x157: {  	[tilespmem:s19+$0xFFFFFFD0] =	vst v0  }
0x158: {  	s17 =	smov.u32 @p2 s24;
	[tilespmem:s19+$0xFFFFFFC0] =	vst v0  }
0x159: {  	s17 =	smov.u32 @p3 s26;
	[tilespmem:s19+$0xFFFFFFB0] =	vst v0  }
0x15a: {  	s20 =	simm.s32 $0x0;
	s17 =	smov.u32 @p0 s28;
	[tilespmem:s19+$0xFFFFFFA0] =	vst v0  }
.LBB2_14:
0x15b: {  	s20 =	sadd.s32 $0x10, s20;
	[tilespmem:s19+$0xFFFFFF90] =	vst v0;
	s19 =	sadd.s32 $0x100, s19  }
0x15c: {  	[tilespmem:s19+$0xFFFFFF80] =	vst v0;
	p0 =	slt.u32 s20, $0x30  }
0x15d: {  	[tilespmem:s19+$0x70] =	vst v0  }
0x15e: {  	[tilespmem:s19+$0x60] =	vst v0  }
0x15f: {  	[tilespmem:s19+$0x50] =	vst v0  }
0x160: {  	[tilespmem:s19+$0x40] =	vst v0  }
0x161: {  	[tilespmem:s19+$0x30] =	vst v0  }
0x162: {  	[tilespmem:s19+$0x20] =	vst v0  }
0x163: {  	[tilespmem:s19+$0x10] =	vst v0  }
0x164: {  	[tilespmem:s19+$0x0] =	vst v0  }
0x165: {  	[tilespmem:s19+$0xFFFFFFF0] =	vst v0  }
.Ltmp6:
0x166: {  	[tilespmem:s19+$0xFFFFFFE0] =	vst v0;
	(pc) =	sbr.rel @p0 .LBB2_14-.Ltmp6, $4  }
0x167: {  	[tilespmem:s19+$0xFFFFFFD0] =	vst v0  }
0x168: {  	[tilespmem:s19+$0xFFFFFFC0] =	vst v0  }
0x169: {  	[tilespmem:s19+$0xFFFFFFB0] =	vst v0  }
0x16a: {  	[tilespmem:s19+$0xFFFFFFA0] =	vst v0  }
0x16b: {  	(xrf0) =	vadd.scan.msk.s32 $0xffff, v4;
	_ =	sdelay $0x5  }
0x16c: {  	v3, _, _ =	vpop (xrf0)  }
0x16d: {  	v5 =	vxor.u32 $0x80000000, v3  }
0x16e: {  	(xrf0) =	vmax.scan.msk.u32 $0xffff, v5;
	_ =	sdelay $0x5  }
0x16f: {  	v5, _, _ =	vpop (xrf0)  }
0x170: {  	(v2sf) =	vpush v5, $0xF;
	_ =	sdelay $0xe  }
0x171: {  	s30 =	spop (v2sf)  }
0x172: {  	s17 =	sadd.s32 s30, s17  }
0x173: {  	s17 =	sadd.s32 $0x80000000, s17  }
0x174: {  	v3 =	vsub.s32 s17, v3  }
0x175: {  	v4 =	vadd.s32 v4, v3  }
0x176: {  	vm3 =	vlt.s32 v3, s16;
	vm2 =	vge.s32 v4, s16  }
0x177: {  	v4 =	vor.u32 s18, v2;
	vm2 =	vmand vm3, vm2  }
0x178: {  	v4 =	vnsel vm2, $0x7FFFFFFF, v4  }
0x179: {  	(xrf0) =	vmax.scan.msk.u32 $0xffff, v4;
	_ =	sdelay $0x5  }
0x17a: {  	v4, _, _ =	vpop (xrf0)  }
0x17b: {  	(v2sf) =	vpush v4, $0xF;
	_ =	sdelay $0xe  }
0x17c: {  	s31 =	spop (v2sf)  }
0x17d: {  	s15 =	sshll.u32 s15, $0xA;
	s17 =	sxor.u32 $0x80000000, s31  }
0x17e: {  	[tilespmem:s19+$0xFFFFFF90] =	vst v0;
	s17 =	sor.u32 s15, s17;
	s15 =	simm.s32 $0x80  }
0x17f: {  	v5 =	vld [tilespmem:s15+$0xFFFFFFD0]  }
0x180: {  	v6 =	vld [tilespmem:s15+$0xFFFFFF80]  }
0x181: {  	v7 =	vld [tilespmem:s15+$0xFFFFFFB0]  }
0x182: {  	v8 =	vld [tilespmem:s15+$0x70]  }
0x183: {  	v9 =	vld [tilespmem:s15+$0x60]  }
0x184: {  	v10 =	vld [tilespmem:s15+$0x50]  }
0x185: {  	v4 =	vmov s17;
	v12 =	vld [tilespmem:s15+$0x40];
	v11 =	vshrl.u32 v6, $0xA  }
0x186: {  	v50 =	vld [tilespmem:s15+$0x30];
	vm3 =	veq.s32 v11, v4  }
0x187: {  	v13 =	vld [tilespmem:s15+$0x20];
	v6 =	vand.u32 $0x3FF, v6  }
0x188: {  	v51 =	vld [tilespmem:s15+$0x0];
	v14 =	vshrl.u32 v8, $0xA  }
0x189: {  	v16 =	vld [tilespmem:s15+$0xFFFFFFF0];
	v52 =	vshrl.u32 v10, $0xA;
	vm4 =	veq.s32 v14, v4  }
0x18a: {  	v53 =	vld [tilespmem:s15+$0xFFFFFFC0];
	v8 =	vand.u32 $0x3FF, v8;
	v17 =	vshrl.u32 v12, $0xA;
	vm6 =	veq.s32 v52, v4  }
0x18b: {  	v15 =	vld [tilespmem:s15+$0x10];
	v10 =	vand.u32 $0x3FF, v10;
	vm5 =	veq.s32 v17, v4  }
0x18c: {  	v54 =	vshrl.u32 v13, $0xA;
	[tilespmem:v6+s11+$0x0] =	vst.idx.add.s32.msk vm3, v1;
	v6 =	vand.u32 $0x3FF, v12  }
0x18d: {  	v18 =	vld [tilespmem:s15+$0xFFFFFFE0];
	v19 =	vshrl.u32 v50, $0xA;
	v55 =	vshrl.u32 v51, $0xA;
	vm7 =	veq.s32 v54, v4  }
0x18e: {  	v56 =	vld [tilespmem:s15+$0xFFFFFFA0];
	v13 =	vand.u32 $0x3FF, v13;
	v57 =	vshrl.u32 v16, $0xA;
	vm3 =	veq.s32 v19, v4  }
0x18f: {  	v59 =	vshrl.u32 v53, $0xA;
	v11 =	vand.u32 $0x3FF, v50;
	[tilespmem:v8+s11+$0x0] =	vst.idx.add.s32.msk vm4, v1;
	vm4 =	veq.s32 v55, v4  }
0x190: {  	v61 =	vshrl.u32 v5, $0xA;
	v14 =	vand.u32 $0x3FF, v51;
	vm9 =	veq.s32 v57, v4;
	[tilespmem:v10+s11+$0x0] =	vst.idx.add.s32.msk vm6, v1  }
0x191: {  	vm10 =	veq.s32 v59, v4;
	v8 =	vshrl.u32 v9, $0xA;
	[tilespmem:v6+s11+$0x0] =	vst.idx.add.s32.msk vm5, v1;
	v6 =	vand.u32 $0x3FF, v16  }
0x192: {  	v62 =	vand.u32 $0x3FF, v53;
	vm11 =	veq.s32 v61, v4;
	vm8 =	veq.s32 v8, v4;
	v8 =	vld [tilespmem:s15+$0xFFFFFF90]  }
0x193: {  	v20 =	vshrl.u32 v15, $0xA;
	v63 =	vand.u32 $0x3FF, v5;
	[tilespmem:v13+s11+$0x0] =	vst.idx.add.s32.msk vm7, v1  }
0x194: {  	v58 =	vshrl.u32 v18, $0xA;
	v9 =	vand.u32 $0x3FF, v9;
	vm5 =	veq.s32 v20, v4;
	[tilespmem:v11+s11+$0x0] =	vst.idx.add.s32.msk vm3, v1  }
0x195: {  	v15 =	vand.u32 $0x3FF, v15;
	v5 =	vshrl.u32 v7, $0xA;
	vm3 =	veq.s32 v58, v4;
	[tilespmem:v14+s11+$0x0] =	vst.idx.add.s32.msk vm4, v1  }
0x196: {  	v60 =	vand.u32 $0x3FF, v18;
	vm4 =	veq.s32 v5, v4;
	[tilespmem:v6+s11+$0x0] =	vst.idx.add.s32.msk vm9, v1;
	v6 =	vshrl.u32 v56, $0xA  }
0x197: {  	v7 =	vand.u32 $0x3FF, v7;
	[tilespmem:v62+s11+$0x0] =	vst.idx.add.s32.msk vm10, v1;
	v5 =	vshrl.u32 v8, $0xA;
	vm6 =	veq.s32 v6, v4  }
0x198: {  	[tilespmem:v63+s11+$0x0] =	vst.idx.add.s32.msk vm11, v1;
	vm7 =	veq.s32 v5, v4;
	v5 =	vand.u32 $0x3FF, v56  }
0x199: {  	[tilespmem:v9+s11+$0x0] =	vst.idx.add.s32.msk vm8, v1;
	v6 =	vand.u32 $0x3FF, v8  }
0x19a: {  	[tilespmem:v15+s11+$0x0] =	vst.idx.add.s32.msk vm5, v1  }
0x19b: {  	s18 =	simm.s32 $0x0;
	[tilespmem:v60+s11+$0x0] =	vst.idx.add.s32.msk vm3, v1  }
.LBB2_16:
0x19c: {  	s18 =	sadd.s32 $0x10, s18;
	[tilespmem:v7+s11+$0x0] =	vst.idx.add.s32.msk vm4, v1;
	s15 =	sadd.s32 $0x100, s15  }
0x19d: {  	p0 =	slt.u32 s18, $0x7F0;
	[tilespmem:v5+s11+$0x0] =	vst.idx.add.s32.msk vm6, v1  }
0x19e: {  	[tilespmem:v6+s11+$0x0] =	vst.idx.add.s32.msk vm7, v1  }
0x19f: {  	v5 =	vld [tilespmem:s15+$0xFFFFFFD0]  }
0x1a0: {  	v6 =	vld [tilespmem:s15+$0xFFFFFF80]  }
0x1a1: {  	v7 =	vld [tilespmem:s15+$0xFFFFFFB0]  }
0x1a2: {  	v8 =	vld [tilespmem:s15+$0x70]  }
0x1a3: {  	v9 =	vld [tilespmem:s15+$0x60]  }
0x1a4: {  	v10 =	vld [tilespmem:s15+$0x50]  }
0x1a5: {  	v11 =	vshrl.u32 v6, $0xA;
	v12 =	vld [tilespmem:s15+$0x40]  }
0x1a6: {  	vm5 =	veq.s32 v11, v4;
	v11 =	vld [tilespmem:s15+$0x30]  }
0x1a7: {  	v6 =	vand.u32 $0x3FF, v6;
	v13 =	vld [tilespmem:s15+$0x20];
	v14 =	vshrl.u32 v8, $0xA  }
0x1a8: {  	v15 =	vld [tilespmem:s15+$0x10];
	v16 =	vshrl.u32 v9, $0xA;
	vm6 =	veq.s32 v14, v4  }
0x1a9: {  	v8 =	vand.u32 $0x3FF, v8;
	v14 =	vld [tilespmem:s15+$0x0];
	v17 =	vshrl.u32 v10, $0xA  }
0x1aa: {  	v9 =	vand.u32 $0x3FF, v9;
	vm3 =	veq.s32 v16, v4;
	v18 =	vld [tilespmem:s15+$0xFFFFFFF0];
	v19 =	vshrl.u32 v12, $0xA  }
0x1ab: {  	vm4 =	veq.s32 v17, v4;
	v16 =	vld [tilespmem:s15+$0xFFFFFFE0];
	v20 =	vshrl.u32 v11, $0xA;
	vm7 =	veq.s32 v19, v4  }
0x1ac: {  	v12 =	vand.u32 $0x3FF, v12;
	[tilespmem:v6+s11+$0x0] =	vst.idx.add.s32.msk vm5, v1;
	v6 =	vand.u32 $0x3FF, v13;
	vm8 =	veq.s32 v20, v4  }
0x1ad: {  	v11 =	vand.u32 $0x3FF, v11;
	v13 =	vshrl.u32 v13, $0xA;
	v17 =	vld [tilespmem:s15+$0xFFFFFFC0];
	v19 =	vshrl.u32 v15, $0xA  }
0x1ae: {  	v10 =	vand.u32 $0x3FF, v10;
	vm9 =	veq.s32 v13, v4;
	v20 =	vshrl.u32 v14, $0xA;
	[tilespmem:v8+s11+$0x0] =	vst.idx.add.s32.msk vm6, v1  }
0x1af: {  	vm5 =	veq.s32 v19, v4;
	v8 =	vld [tilespmem:s15+$0xFFFFFFA0];
	v13 =	vand.u32 $0x3FF, v18;
	vm10 =	veq.s32 v20, v4  }
0x1b0: {  	v14 =	vand.u32 $0x3FF, v14;
	v18 =	vshrl.u32 v18, $0xA;
	v19 =	vld [tilespmem:s15+$0xFFFFFF90];
	v20 =	vand.u32 $0x3FF, v16  }
0x1b1: {  	v21 =	vand.u32 $0x3FF, v5;
	v16 =	vshrl.u32 v16, $0xA;
	vm11 =	veq.s32 v18, v4;
	[tilespmem:v12+s11+$0x0] =	vst.idx.add.s32.msk vm7, v1  }
0x1b2: {  	v5 =	vshrl.u32 v5, $0xA;
	v15 =	vand.u32 $0x3FF, v15;
	v12 =	vshrl.u32 v17, $0xA;
	[tilespmem:v11+s11+$0x0] =	vst.idx.add.s32.msk vm8, v1  }
0x1b3: {  	vm12 =	veq.s32 v16, v4;
	v11 =	vshrl.u32 v7, $0xA;
	vm8 =	veq.s32 v12, v4;
	[tilespmem:v10+s11+$0x0] =	vst.idx.add.s32.msk vm4, v1  }
0x1b4: {  	vm4 =	veq.s32 v11, v4;
	v11 =	vand.u32 $0x3FF, v17;
	v10 =	vshrl.u32 v8, $0xA;
	[tilespmem:v6+s11+$0x0] =	vst.idx.add.s32.msk vm9, v1  }
0x1b5: {  	vm9 =	veq.s32 v5, v4;
	v6 =	vshrl.u32 v19, $0xA;
	vm6 =	veq.s32 v10, v4;
	[tilespmem:v14+s11+$0x0] =	vst.idx.add.s32.msk vm10, v1  }
0x1b6: {  	v7 =	vand.u32 $0x3FF, v7;
	v5 =	vand.u32 $0x3FF, v8;
	vm7 =	veq.s32 v6, v4;
	[tilespmem:v9+s11+$0x0] =	vst.idx.add.s32.msk vm3, v1  }
.Ltmp7:
0x1b7: {  	v6 =	vand.u32 $0x3FF, v19;
	[tilespmem:v13+s11+$0x0] =	vst.idx.add.s32.msk vm11, v1;
	(pc) =	sbr.rel @p0 .LBB2_16-.Ltmp7, $4  }
0x1b8: {  	[tilespmem:v15+s11+$0x0] =	vst.idx.add.s32.msk vm5, v1  }
0x1b9: {  	[tilespmem:v20+s11+$0x0] =	vst.idx.add.s32.msk vm12, v1  }
0x1ba: {  	[tilespmem:v11+s11+$0x0] =	vst.idx.add.s32.msk vm8, v1  }
0x1bb: {  	[tilespmem:v21+s11+$0x0] =	vst.idx.add.s32.msk vm9, v1  }
0x1bc: {  	_ =	sdelay $0x4  }
0x1bd: {  	[tilespmem:v7+s11+$0x0] =	vst.idx.add.s32.msk vm4, v1  }
0x1be: {  	[tilespmem:v5+s11+$0x0] =	vst.idx.add.s32.msk vm6, v1  }
0x1bf: {  	[tilespmem:v6+s11+$0x0] =	vst.idx.add.s32.msk vm7, v1;
	s15 =	simm.s32 $0x103F0  }
0x1c0: {  	v4 =	vld [tilespmem:s15+$0x0]  }
0x1c1: {  	v3 =	vxor.u32 $0x80000000, v3  }
0x1c2: {  	v3 =	vnsel vm2, $0x7FFFFFFF, v3  }
0x1c3: {  	(xrf0) =	vmax.scan.msk.u32 $0xffff, v3;
	_ =	sdelay $0x1  }
0x1c4: {  	(xrf0) =	vadd.scan.msk.s32 $0xffff, v4;
	_ =	sdelay $0x3  }
0x1c5: {  	v3, _, _ =	vpop (xrf0)  }
0x1c6: {  	(v2sf) =	vpush v3, $0xF  }
0x1c7: {  	v3, _, _ =	vpop (xrf0)  }
0x1c8: {  	s25 =	simm.s32 $0x103E0;
	(v2sf) =	vpush v3, $0xF  }
0x1c9: {  	v3 =	vld [tilespmem:s25+$0x0]  }
0x1ca: {  	s26 =	simm.s32 $0x103D0  }
0x1cb: {  	v4 =	vld [tilespmem:s26+$0x0];
	_ =	sdelay $0x2  }
0x1cc: {  	(xrf0) =	vadd.scan.msk.s32 $0xffff, v3;
	_ =	sdelay $0x1  }
0x1cd: {  	(xrf0) =	vadd.scan.msk.s32 $0xffff, v4;
	_ =	sdelay $0x2  }
0x1ce: {  	s29 =	simm.s32 $0x103C0  }
0x1cf: {  	v5 =	vld [tilespmem:s29+$0x0];
	v4, _, _ =	vpop (xrf0)  }
0x1d0: {  	s30 =	spop (v2sf);
	(v2sf) =	vpush v4, $0xF  }
0x1d1: {  	v4, _, _ =	vpop (xrf0)  }
0x1d2: {  	s31 =	spop (v2sf);
	(v2sf) =	vpush v4, $0xF;
	_ =	sdelay $0x1  }
0x1d3: {  	s18 =	simm.s32 $0x103B0;
	(xrf0) =	vadd.scan.msk.s32 $0xffff, v5  }
0x1d4: {  	v3 =	vld [tilespmem:s18+$0x0]  }
0x1d5: {  	s24 =	simm.s32 $0x3E;
	s21 =	simm.s32 $0x3D;
	s22 =	simm.s32 $0x3C  }
0x1d6: {  	s20 =	simm.s32 $0x3B;
	s28 =	simm.s32 $0x103A0;
	s23 =	simm.s32 $0x0  }
0x1d7: {  	s19 =	simm.s32 $0x0;
	s26 =	simm.s32 $0x3A;
	s15 =	sxor.u32 $0x80000000, s30  }
0x1d8: {  	s25 =	simm.s32 $0x3F;
	s15 =	ssub.s32 s16, s15;
	s18 =	sadd.s32 $0x0, s31  }
0x1d9: {  	(xrf0) =	vadd.scan.msk.s32 $0xffff, v3;
	s16 =	simm.s32 $0x0;
	v3, _, _ =	vpop (xrf0);
	p1 =	sgt.s32 s15, $0x0;
	p2 =	sge.s32 s18, s15  }
.LBB2_18:
0x1da: {  	p0 =	sne.s32 s26, $0x0;
	p1 =	por !p1, !p2;
	s29 =	smov.u32 s26  }
0x1db: {  	v4 =	vld [tilespmem:s28+$0x0];
	(v2sf) =	vpush v3, $0xF;
	s26 =	sadd.s32 $0xFFFFFFFF, s26;
	s30 =	smov.u32 s23;
	s23 =	smov.u32 s18  }
.Ltmp8:
0x1dc: {  	p1 =	por !p1, !p1;
	(pc) =	sbr.rel @p0 .LBB2_18-.Ltmp8, $4  }
0x1dd: {  	s16 =	smov.u32 @p1 s25;
	s19 =	smov.u32 @p1 s30;
	s25 =	smov.u32 s24  }
0x1de: {  	s24 =	smov.u32 s21;
	s21 =	smov.u32 s22;
	s30 =	spop (v2sf)  }
0x1df: {  	s22 =	smov.u32 s20;
	s20 =	smov.u32 s29;
	s18 =	sadd.s32 s18, s30  }
0x1e0: {  	s28 =	sadd.s32 $0xFFFFFFF0, s28;
	p1 =	slt.s32 s23, s15;
	(xrf0) =	vadd.scan.msk.s32 $0xffff, v4;
	v3, _, _ =	vpop (xrf0);
	p2 =	sge.s32 s18, s15  }
0x1e1: {  	_ =	sdelay $0x4  }
0x1e2: {  	(v2sf) =	vpush v3, $0xF;
	v3, _, _ =	vpop (xrf0)  }
0x1e3: {  	(v2sf) =	vpush v3, $0xF;
	_ =	sdelay $0x6  }
0x1e4: {  	p0 =	por !p1, !p2  }
0x1e5: {  	s26 =	spop (v2sf);
	p0 =	por !p0, !p0  }
0x1e6: {  	s16 =	smov.u32 @p0 s25;
	s25 =	sadd.s32 s18, s26  }
0x1e7: {  	p3 =	slt.s32 s18, s15;
	p4 =	sge.s32 s25, s15  }
0x1e8: {  	p1 =	por !p3, !p4  }
0x1e9: {  	p1 =	por !p1, !p1;
	s30 =	spop (v2sf)  }
0x1ea: {  	p5 =	slt.s32 s25, s15;
	s16 =	smov.u32 @p1 s24;
	s26 =	sadd.s32 s25, s30  }
0x1eb: {  	p4 =	sge.s32 s26, s15;
	p6 =	slt.s32 s26, s15;
	s28 =	spop (v2sf)  }
0x1ec: {  	p2 =	por !p5, !p4;
	s28 =	sadd.s32 s26, s28;
	s29 =	spop (v2sf)  }
0x1ed: {  	p2 =	por !p2, !p2;
	p5 =	sge.s32 s28, s15;
	s31 =	sadd.s32 s28, s29  }
0x1ee: {  	p4 =	por !p6, !p5;
	p6 =	slt.s32 s28, s15;
	p3 =	sge.s32 s31, s15  }
0x1ef: {  	s16 =	smov.u32 @p2 s21;
	p5 =	por !p6, !p3;
	p3 =	por !p4, !p4  }
0x1f0: {  	s16 =	smov.u32 @p3 s22;
	p4 =	por !p5, !p5  }
0x1f1: {  	s16 =	smov.u32 @p4 s20  }
0x1f2: {  	s16 =	sshll.u32 s16, $0x4  }
0x1f3: {  	v4 =	vld [tilespmem:s16+$0x10000];
	_ =	sdelay $0x4  }
0x1f4: {  	(xrf0) =	vadd.scan.msk.s32 $0xffff, v4;
	_ =	sdelay $0x5  }
0x1f5: {  	v3, _, _ =	vpop (xrf0)  }
0x1f6: {  	v5 =	vxor.u32 $0x80000000, v3  }
0x1f7: {  	(xrf0) =	vmax.scan.msk.u32 $0xffff, v5;
	_ =	sdelay $0x5  }
0x1f8: {  	v5, _, _ =	vpop (xrf0)  }
0x1f9: {  	(v2sf) =	vpush v5, $0xF;
	_ =	sdelay $0xa  }
0x1fa: {  	s19 =	smov.u32 @p0 s23  }
0x1fb: {  	s19 =	smov.u32 @p1 s18  }
0x1fc: {  	s19 =	smov.u32 @p2 s25  }
0x1fd: {  	s19 =	smov.u32 @p3 s26  }
0x1fe: {  	s19 =	smov.u32 @p4 s28;
	s29 =	spop (v2sf)  }
0x1ff: {  	s18 =	sadd.s32 s29, s19  }
0x200: {  	s18 =	sadd.s32 $0x80000000, s18  }
0x201: {  	v3 =	vsub.s32 s18, v3  }
0x202: {  	v4 =	vadd.s32 v4, v3  }
0x203: {  	vm3 =	vlt.s32 v3, s15;
	vm2 =	vge.s32 v4, s15  }
0x204: {  	v4 =	vor.u32 s16, v2;
	vm2 =	vmand vm3, vm2  }
0x205: {  	v4 =	vnsel vm2, $0x7FFFFFFF, v4  }
0x206: {  	(xrf0) =	vmax.scan.msk.u32 $0xffff, v4;
	_ =	sdelay $0x5  }
0x207: {  	v4, _, _ =	vpop (xrf0)  }
0x208: {  	(v2sf) =	vpush v4, $0xF;
	_ =	sdelay $0xc  }
0x209: {  	s30 =	simm.s32 $0x80  }
0x20a: {  	v5 =	vld [tilespmem:s30+$0xFFFFFF80]  }
0x20b: {  	s31 =	spop (v2sf)  }
0x20c: {  	s17 =	sshll.u32 s17, $0xA;
	v6 =	vld [tilespmem:s30+$0xFFFFFF90];
	s16 =	sxor.u32 $0x80000000, s31  }
0x20d: {  	s16 =	sor.u32 s17, s16  }
0x20e: {  	v7 =	vld [tilespmem:s30+$0xFFFFFFA0];
	v4 =	vmov s16  }
0x20f: {  	vm3 =	vlt.s32 v4, v5  }
0x210: {  	v8 =	vimm.f32 $0.0e+00;
	v9 =	vld [tilespmem:s30+$0xFFFFFFB0];
	v5 =	vnsel vm3, $0x0, v5  }
0x211: {  	vm3 =	vlt.s32 v4, v6;
	v5 =	vadd.f32 v5, v8  }
0x212: {  	v6 =	vnsel vm3, $0x0, v6;
	v8 =	vld [tilespmem:s30+$0xFFFFFFC0]  }
0x213: {  	vm3 =	vlt.s32 v4, v7;
	v5 =	vadd.f32 v6, v5  }
0x214: {  	v6 =	vnsel vm3, $0x0, v7;
	v7 =	vld [tilespmem:s30+$0xFFFFFFD0]  }
0x215: {  	vm3 =	vlt.s32 v4, v9;
	v5 =	vadd.f32 v6, v5  }
0x216: {  	v6 =	vnsel vm3, $0x0, v9;
	v9 =	vld [tilespmem:s30+$0xFFFFFFE0]  }
0x217: {  	vm3 =	vlt.s32 v4, v8;
	v5 =	vadd.f32 v6, v5  }
0x218: {  	v6 =	vnsel vm3, $0x0, v8;
	v8 =	vld [tilespmem:s30+$0xFFFFFFF0]  }
0x219: {  	vm3 =	vlt.s32 v4, v7;
	v5 =	vadd.f32 v6, v5  }
0x21a: {  	v6 =	vnsel vm3, $0x0, v7;
	v7 =	vld [tilespmem:s30+$0x0]  }
0x21b: {  	vm3 =	vlt.s32 v4, v9;
	v5 =	vadd.f32 v6, v5  }
0x21c: {  	v6 =	vnsel vm3, $0x0, v9;
	v9 =	vld [tilespmem:s30+$0x10]  }
0x21d: {  	vm3 =	vlt.s32 v4, v8;
	v5 =	vadd.f32 v6, v5  }
0x21e: {  	v6 =	vnsel vm3, $0x0, v8;
	v8 =	vld [tilespmem:s30+$0x20]  }
0x21f: {  	vm3 =	vlt.s32 v4, v7;
	v5 =	vadd.f32 v6, v5  }
0x220: {  	v6 =	vnsel vm3, $0x0, v7;
	v7 =	vld [tilespmem:s30+$0x30]  }
0x221: {  	vm3 =	vlt.s32 v4, v9;
	v5 =	vadd.f32 v6, v5  }
0x222: {  	v6 =	vnsel vm3, $0x0, v9  }
0x223: {  	v9 =	vld [tilespmem:s30+$0x40];
	vm3 =	vlt.s32 v4, v8;
	v5 =	vadd.f32 v6, v5  }
0x224: {  	v8 =	vnsel vm3, $0x0, v8  }
0x225: {  	v6 =	vld [tilespmem:s30+$0x50];
	vm3 =	vlt.s32 v4, v7;
	v5 =	vadd.f32 v8, v5  }
0x226: {  	v7 =	vnsel vm3, $0x0, v7  }
0x227: {  	v8 =	vadd.f32 v7, v5;
	v7 =	vld [tilespmem:s30+$0x60]  }
0x228: {  	vm3 =	vlt.s32 v4, v9  }
0x229: {  	v9 =	vnsel vm3, $0x0, v9;
	v5 =	vld [tilespmem:s30+$0x70]  }
0x22a: {  	s17 =	simm.s32 $0x180;
	s16 =	simm.s32 $0x0;
	vm3 =	vlt.s32 v4, v6;
	v8 =	vadd.f32 v9, v8  }
.LBB2_20:
0x22b: {  	v9 =	vld [tilespmem:s17+$0xFFFFFF80];
	s16 =	sadd.s32 $0x10, s16;
	v6 =	vnsel vm3, $0x0, v6  }
0x22c: {  	p0 =	slt.u32 s16, $0x7F0;
	v6 =	vadd.f32 v6, v8;
	vm3 =	vlt.s32 v4, v7  }
0x22d: {  	v8 =	vld [tilespmem:s17+$0xFFFFFF90];
	v7 =	vnsel vm3, $0x0, v7  }
0x22e: {  	v6 =	vadd.f32 v7, v6;
	vm3 =	vlt.s32 v4, v5  }
0x22f: {  	v7 =	vld [tilespmem:s17+$0xFFFFFFA0];
	v5 =	vnsel vm3, $0x0, v5  }
0x230: {  	vm3 =	vlt.s32 v4, v9;
	v5 =	vadd.f32 v5, v6  }
0x231: {  	v6 =	vnsel vm3, $0x0, v9;
	v9 =	vld [tilespmem:s17+$0xFFFFFFB0]  }
0x232: {  	v5 =	vadd.f32 v6, v5;
	vm3 =	vlt.s32 v4, v8  }
0x233: {  	v6 =	vnsel vm3, $0x0, v8;
	v8 =	vld [tilespmem:s17+$0xFFFFFFC0]  }
0x234: {  	v5 =	vadd.f32 v6, v5;
	vm3 =	vlt.s32 v4, v7  }
0x235: {  	v6 =	vnsel vm3, $0x0, v7;
	v7 =	vld [tilespmem:s17+$0xFFFFFFD0]  }
0x236: {  	v5 =	vadd.f32 v6, v5;
	vm3 =	vlt.s32 v4, v9  }
0x237: {  	v6 =	vnsel vm3, $0x0, v9;
	v9 =	vld [tilespmem:s17+$0xFFFFFFE0]  }
0x238: {  	v5 =	vadd.f32 v6, v5;
	vm3 =	vlt.s32 v4, v8  }
0x239: {  	v6 =	vnsel vm3, $0x0, v8;
	v8 =	vld [tilespmem:s17+$0xFFFFFFF0]  }
0x23a: {  	v5 =	vadd.f32 v6, v5;
	vm3 =	vlt.s32 v4, v7  }
0x23b: {  	v6 =	vnsel vm3, $0x0, v7;
	v7 =	vld [tilespmem:s17+$0x0]  }
0x23c: {  	v5 =	vadd.f32 v6, v5;
	vm3 =	vlt.s32 v4, v9  }
0x23d: {  	v6 =	vnsel vm3, $0x0, v9;
	v9 =	vld [tilespmem:s17+$0x10]  }
0x23e: {  	v5 =	vadd.f32 v6, v5;
	vm3 =	vlt.s32 v4, v8  }
0x23f: {  	v6 =	vnsel vm3, $0x0, v8;
	v8 =	vld [tilespmem:s17+$0x20]  }
0x240: {  	v5 =	vadd.f32 v6, v5;
	vm3 =	vlt.s32 v4, v7  }
0x241: {  	v6 =	vnsel vm3, $0x0, v7;
	v7 =	vld [tilespmem:s17+$0x30]  }
0x242: {  	v5 =	vadd.f32 v6, v5;
	vm3 =	vlt.s32 v4, v9  }
0x243: {  	v6 =	vnsel vm3, $0x0, v9;
	v9 =	vld [tilespmem:s17+$0x40]  }
0x244: {  	v5 =	vadd.f32 v6, v5;
	vm3 =	vlt.s32 v4, v8  }
0x245: {  	v8 =	vnsel vm3, $0x0, v8;
	v6 =	vld [tilespmem:s17+$0x50]  }
.Ltmp9:
0x246: {  	v5 =	vadd.f32 v8, v5;
	vm3 =	vlt.s32 v4, v7;
	(pc) =	sbr.rel @p0 .LBB2_20-.Ltmp9, $4  }
0x247: {  	v8 =	vnsel vm3, $0x0, v7;
	v7 =	vld [tilespmem:s17+$0x60]  }
0x248: {  	v8 =	vadd.f32 v8, v5;
	vm3 =	vlt.s32 v4, v9  }
0x249: {  	v9 =	vnsel vm3, $0x0, v9;
	v5 =	vld [tilespmem:s17+$0x70]  }
0x24a: {  	s17 =	sadd.s32 $0x100, s17;
	v8 =	vadd.f32 v9, v8;
	vm3 =	vlt.s32 v4, v6  }
0x24b: {  	_ =	swait.ge [sflag:s9], $0x8000  }
0x24c: {  	[sflag:s9] =	ssyncset.done $0x0  }
0x24d: {  	s17 =	simm.s32 $0x10080;
	[sflag:s9] =	ssyncadd.s32 $0xFFFF8000  }
0x24e: {  	[tilespmem:s17+$0xFFFFFF80] =	vst v0  }
0x24f: {  	[tilespmem:s17+$0x70] =	vst v0  }
0x250: {  	[tilespmem:s17+$0x60] =	vst v0  }
0x251: {  	[tilespmem:s17+$0x50] =	vst v0  }
0x252: {  	[tilespmem:s17+$0x40] =	vst v0  }
0x253: {  	[tilespmem:s17+$0x30] =	vst v0  }
0x254: {  	[tilespmem:s17+$0x20] =	vst v0  }
0x255: {  	[tilespmem:s17+$0x10] =	vst v0  }
0x256: {  	[tilespmem:s17+$0x0] =	vst v0  }
0x257: {  	v6 =	vnsel vm3, $0x0, v6;
	[tilespmem:s17+$0xFFFFFFF0] =	vst v0  }
0x258: {  	v6 =	vadd.f32 v6, v8;
	vm3 =	vlt.s32 v4, v7;
	[tilespmem:s17+$0xFFFFFFE0] =	vst v0  }
0x259: {  	v7 =	vnsel vm3, $0x0, v7;
	[tilespmem:s17+$0xFFFFFFD0] =	vst v0  }
0x25a: {  	v6 =	vadd.f32 v7, v6;
	vm3 =	vlt.s32 v4, v5;
	[tilespmem:s17+$0xFFFFFFC0] =	vst v0  }
0x25b: {  	[tilespmem:s17+$0xFFFFFFB0] =	vst v0;
	v5 =	vnsel vm3, $0x0, v5  }
0x25c: {  	s18 =	simm.s32 $0x0;
	[tilespmem:s17+$0xFFFFFFA0] =	vst v0;
	v5 =	vadd.f32 v5, v6  }
.LBB2_22:
0x25d: {  	s18 =	sadd.s32 $0x10, s18;
	[tilespmem:s17+$0xFFFFFF90] =	vst v0;
	s17 =	sadd.s32 $0x100, s17;
	s16 =	simm.s32 $0x8080  }
0x25e: {  	[tilespmem:s17+$0xFFFFFF80] =	vst v0;
	p0 =	slt.u32 s18, $0x30  }
0x25f: {  	[tilespmem:s17+$0x70] =	vst v0  }
0x260: {  	[tilespmem:s17+$0x60] =	vst v0  }
0x261: {  	[tilespmem:s17+$0x50] =	vst v0  }
0x262: {  	[tilespmem:s17+$0x40] =	vst v0  }
0x263: {  	[tilespmem:s17+$0x30] =	vst v0  }
0x264: {  	[tilespmem:s17+$0x20] =	vst v0  }
0x265: {  	[tilespmem:s17+$0x10] =	vst v0  }
0x266: {  	[tilespmem:s17+$0x0] =	vst v0  }
0x267: {  	[tilespmem:s17+$0xFFFFFFF0] =	vst v0  }
.Ltmp10:
0x268: {  	[tilespmem:s17+$0xFFFFFFE0] =	vst v0;
	(pc) =	sbr.rel @p0 .LBB2_22-.Ltmp10, $4  }
0x269: {  	[tilespmem:s17+$0xFFFFFFD0] =	vst v0  }
0x26a: {  	[tilespmem:s17+$0xFFFFFFC0] =	vst v0  }
0x26b: {  	[tilespmem:s17+$0xFFFFFFB0] =	vst v0  }
0x26c: {  	[tilespmem:s17+$0xFFFFFFA0] =	vst v0  }
0x26d: {  	[tilespmem:s17+$0xFFFFFF90] =	vst v0  }
0x26e: {  	v6 =	vld [tilespmem:s16+$0xFFFFFFA0]  }
0x26f: {  	v7 =	vld [tilespmem:s16+$0xFFFFFFB0]  }
0x270: {  	v8 =	vld [tilespmem:s16+$0xFFFFFFC0]  }
0x271: {  	v9 =	vld [tilespmem:s16+$0xFFFFFFD0]  }
0x272: {  	v10 =	vld [tilespmem:s16+$0xFFFFFF80]  }
0x273: {  	v11 =	vld [tilespmem:s16+$0x70]  }
0x274: {  	v12 =	vld [tilespmem:s16+$0x60]  }
0x275: {  	v13 =	vld [tilespmem:s16+$0x50]  }
0x276: {  	v14 =	vld [tilespmem:s16+$0x40]  }
0x277: {  	v15 =	vld [tilespmem:s16+$0x30]  }
0x278: {  	v16 =	vld [tilespmem:s16+$0x20];
	v10 =	vshrl.u32 v10, $0x14  }
0x279: {  	v17 =	vld [tilespmem:s16+$0x10];
	v11 =	vshrl.u32 v11, $0x14;
	v10 =	vand.u32 $0x3FF, v10  }
0x27a: {  	v18 =	vld [tilespmem:s16+$0x0];
	v12 =	vshrl.u32 v12, $0x14;
	v11 =	vand.u32 $0x3FF, v11  }
0x27b: {  	v19 =	vld [tilespmem:s16+$0xFFFFFFF0];
	v13 =	vshrl.u32 v13, $0x14;
	v12 =	vand.u32 $0x3FF, v12  }
0x27c: {  	v20 =	vld [tilespmem:s16+$0xFFFFFFE0];
	v15 =	vshrl.u32 v15, $0x14;
	v13 =	vand.u32 $0x3FF, v13  }
0x27d: {  	v61 =	vld [tilespmem:s16+$0xFFFFFF90];
	v14 =	vshrl.u32 v14, $0x14;
	v56 =	vand.u32 $0x3FF, v15  }
0x27e: {  	v57 =	vshrl.u32 v16, $0x14;
	v14 =	vand.u32 $0x3FF, v14;
	[tilespmem:v10+s11+$0x0] =	vst.idx.add.s32.msk $0xffff, v1  }
0x27f: {  	v59 =	vshrl.u32 v18, $0x14;
	v58 =	vand.u32 $0x3FF, v57;
	[tilespmem:v11+s11+$0x0] =	vst.idx.add.s32.msk $0xffff, v1  }
0x280: {  	v8 =	vshrl.u32 v8, $0x14;
	v15 =	vand.u32 $0x3FF, v59;
	[tilespmem:v12+s11+$0x0] =	vst.idx.add.s32.msk $0xffff, v1  }
0x281: {  	v7 =	vshrl.u32 v7, $0x14;
	v8 =	vand.u32 $0x3FF, v8;
	[tilespmem:v13+s11+$0x0] =	vst.idx.add.s32.msk $0xffff, v1  }
0x282: {  	v62 =	vshrl.u32 v20, $0x14;
	v7 =	vand.u32 $0x3FF, v7;
	[tilespmem:v56+s11+$0x0] =	vst.idx.add.s32.msk $0xffff, v1  }
0x283: {  	v9 =	vshrl.u32 v9, $0x14;
	v16 =	vand.u32 $0x3FF, v62;
	[tilespmem:v14+s11+$0x0] =	vst.idx.add.s32.msk $0xffff, v1  }
0x284: {  	v6 =	vshrl.u32 v6, $0x14;
	v9 =	vand.u32 $0x3FF, v9;
	[tilespmem:v58+s11+$0x0] =	vst.idx.add.s32.msk $0xffff, v1  }
0x285: {  	v60 =	vshrl.u32 v17, $0x14;
	v63 =	vand.u32 $0x3FF, v6;
	[tilespmem:v15+s11+$0x0] =	vst.idx.add.s32.msk $0xffff, v1  }
0x286: {  	v12 =	vand.u32 $0x3FF, v60;
	[tilespmem:v8+s11+$0x0] =	vst.idx.add.s32.msk $0xffff, v1;
	v8 =	vshrl.u32 v61, $0x14  }
0x287: {  	v6 =	vshrl.u32 v19, $0x14;
	[tilespmem:v7+s11+$0x0] =	vst.idx.add.s32.msk $0xffff, v1;
	v7 =	vand.u32 $0x3FF, v8  }
0x288: {  	v6 =	vand.u32 $0x3FF, v6;
	[tilespmem:v16+s11+$0x0] =	vst.idx.add.s32.msk $0xffff, v1  }
0x289: {  	[tilespmem:v9+s11+$0x0] =	vst.idx.add.s32.msk $0xffff, v1  }
0x28a: {  	[tilespmem:v63+s11+$0x0] =	vst.idx.add.s32.msk $0xffff, v1  }
0x28b: {  	s17 =	simm.s32 $0x0;
	[tilespmem:v12+s11+$0x0] =	vst.idx.add.s32.msk $0xffff, v1  }
.LBB2_24:
0x28c: {  	s17 =	sadd.s32 $0x10, s17;
	[tilespmem:v7+s11+$0x0] =	vst.idx.add.s32.msk $0xffff, v1;
	s16 =	sadd.s32 $0x100, s16  }
0x28d: {  	p0 =	slt.u32 s17, $0x7F0;
	[tilespmem:v6+s11+$0x0] =	vst.idx.add.s32.msk $0xffff, v1  }
0x28e: {  	v7 =	vld [tilespmem:s16+$0xFFFFFFA0]  }
0x28f: {  	v8 =	vld [tilespmem:s16+$0xFFFFFFB0]  }
0x290: {  	v9 =	vld [tilespmem:s16+$0xFFFFFFC0]  }
0x291: {  	v10 =	vld [tilespmem:s16+$0xFFFFFFD0]  }
0x292: {  	v6 =	vld [tilespmem:s16+$0xFFFFFF80]  }
0x293: {  	v11 =	vld [tilespmem:s16+$0x70]  }
0x294: {  	v12 =	vld [tilespmem:s16+$0x60]  }
0x295: {  	v13 =	vld [tilespmem:s16+$0x50]  }
0x296: {  	v14 =	vld [tilespmem:s16+$0x40]  }
0x297: {  	v6 =	vshrl.u32 v6, $0x14;
	v15 =	vld [tilespmem:s16+$0x30]  }
0x298: {  	v6 =	vand.u32 $0x3FF, v6;
	v16 =	vld [tilespmem:s16+$0x20];
	v11 =	vshrl.u32 v11, $0x14  }
0x299: {  	v17 =	vld [tilespmem:s16+$0x10];
	v12 =	vshrl.u32 v12, $0x14;
	v11 =	vand.u32 $0x3FF, v11  }
0x29a: {  	v18 =	vld [tilespmem:s16+$0x0];
	v13 =	vshrl.u32 v13, $0x14;
	v12 =	vand.u32 $0x3FF, v12  }
0x29b: {  	v19 =	vld [tilespmem:s16+$0xFFFFFFF0];
	v14 =	vshrl.u32 v14, $0x14;
	v13 =	vand.u32 $0x3FF, v13  }
0x29c: {  	v20 =	vld [tilespmem:s16+$0xFFFFFFE0];
	v15 =	vshrl.u32 v15, $0x14  }
0x29d: {  	[tilespmem:v6+s11+$0x0] =	vst.idx.add.s32.msk $0xffff, v1;
	v6 =	vshrl.u32 v16, $0x14;
	v15 =	vand.u32 $0x3FF, v15  }
0x29e: {  	v14 =	vand.u32 $0x3FF, v14;
	v16 =	vshrl.u32 v17, $0x14;
	v17 =	vand.u32 $0x3FF, v6;
	[tilespmem:v11+s11+$0x0] =	vst.idx.add.s32.msk $0xffff, v1  }
0x29f: {  	v6 =	vshrl.u32 v18, $0x14;
	v11 =	vand.u32 $0x3FF, v16;
	[tilespmem:v12+s11+$0x0] =	vst.idx.add.s32.msk $0xffff, v1  }
0x2a0: {  	v12 =	vshrl.u32 v19, $0x14;
	v16 =	vand.u32 $0x3FF, v6;
	[tilespmem:v13+s11+$0x0] =	vst.idx.add.s32.msk $0xffff, v1  }
0x2a1: {  	v13 =	vld [tilespmem:s16+$0xFFFFFF90];
	v18 =	vshrl.u32 v20, $0x14;
	v6 =	vand.u32 $0x3FF, v12  }
0x2a2: {  	v10 =	vshrl.u32 v10, $0x14;
	v12 =	vand.u32 $0x3FF, v18;
	[tilespmem:v15+s11+$0x0] =	vst.idx.add.s32.msk $0xffff, v1  }
0x2a3: {  	v9 =	vshrl.u32 v9, $0x14;
	v10 =	vand.u32 $0x3FF, v10;
	[tilespmem:v14+s11+$0x0] =	vst.idx.add.s32.msk $0xffff, v1  }
0x2a4: {  	v8 =	vshrl.u32 v8, $0x14;
	v9 =	vand.u32 $0x3FF, v9;
	[tilespmem:v17+s11+$0x0] =	vst.idx.add.s32.msk $0xffff, v1  }
0x2a5: {  	v7 =	vshrl.u32 v7, $0x14;
	v8 =	vand.u32 $0x3FF, v8;
	[tilespmem:v16+s11+$0x0] =	vst.idx.add.s32.msk $0xffff, v1  }
0x2a6: {  	v14 =	vand.u32 $0x3FF, v7;
	v13 =	vshrl.u32 v13, $0x14;
	[tilespmem:v11+s11+$0x0] =	vst.idx.add.s32.msk $0xffff, v1  }
.Ltmp11:
0x2a7: {  	v7 =	vand.u32 $0x3FF, v13;
	[tilespmem:v12+s11+$0x0] =	vst.idx.add.s32.msk $0xffff, v1;
	(pc) =	sbr.rel @p0 .LBB2_24-.Ltmp11, $4  }
0x2a8: {  	[tilespmem:v10+s11+$0x0] =	vst.idx.add.s32.msk $0xffff, v1  }
0x2a9: {  	[tilespmem:v9+s11+$0x0] =	vst.idx.add.s32.msk $0xffff, v1  }
0x2aa: {  	[tilespmem:v8+s11+$0x0] =	vst.idx.add.s32.msk $0xffff, v1  }
0x2ab: {  	s21 =	simm.s32 $0x3F;
	s18 =	simm.s32 $0x103F0;
	[tilespmem:v14+s11+$0x0] =	vst.idx.add.s32.msk $0xffff, v1  }
0x2ac: {  	_ =	sdelay $0x3  }
0x2ad: {  	[tilespmem:v7+s11+$0x0] =	vst.idx.add.s32.msk $0xffff, v1  }
0x2ae: {  	[tilespmem:v6+s11+$0x0] =	vst.idx.add.s32.msk $0xffff, v1  }
0x2af: {  	v6 =	vld [tilespmem:s18+$0x0];
	_ =	sdelay $0x4  }
0x2b0: {  	(xrf0) =	vadd.scan.msk.s32 $0xffff, v6;
	_ =	sdelay $0x5  }
0x2b1: {  	v6, _, _ =	vpop (xrf0)  }
0x2b2: {  	(v2sf) =	vpush v6, $0xF;
	_ =	sdelay $0x1  }
0x2b3: {  	s16 =	simm.s32 $0x103E0  }
0x2b4: {  	v6 =	vld [tilespmem:s16+$0x0]  }
0x2b5: {  	s28 =	simm.s32 $0x103D0  }
0x2b6: {  	v7 =	vld [tilespmem:s28+$0x0];
	_ =	sdelay $0x2  }
0x2b7: {  	(xrf0) =	vadd.scan.msk.s32 $0xffff, v6;
	_ =	sdelay $0x1  }
0x2b8: {  	(xrf0) =	vadd.scan.msk.s32 $0xffff, v7;
	_ =	sdelay $0x2  }
0x2b9: {  	s29 =	simm.s32 $0x103C0  }
0x2ba: {  	v8 =	vld [tilespmem:s29+$0x0];
	v7, _, _ =	vpop (xrf0)  }
0x2bb: {  	s31 =	spop (v2sf);
	(v2sf) =	vpush v7, $0xF  }
0x2bc: {  	v7, _, _ =	vpop (xrf0)  }
0x2bd: {  	(v2sf) =	vpush v7, $0xF;
	_ =	sdelay $0x1  }
0x2be: {  	s30 =	simm.s32 $0x103B0;
	(xrf0) =	vadd.scan.msk.s32 $0xffff, v8  }
0x2bf: {  	v6 =	vld [tilespmem:s30+$0x0];
	_ =	sdelay $0x1  }
0x2c0: {  	s17 =	simm.s32 $0x0;
	s23 =	simm.s32 $0x3E;
	s19 =	simm.s32 $0x3D  }
0x2c1: {  	s20 =	simm.s32 $0x3C;
	s25 =	simm.s32 $0x3A;
	s26 =	simm.s32 $0x103A0  }
0x2c2: {  	p1 =	por $0x1, $0x1;
	s24 =	simm.s32 $0x0;
	s22 =	sadd.s32 $0x0, s31  }
0x2c3: {  	s18 =	simm.s32 $0x3B;
	s16 =	simm.s32 $0x0;
	(xrf0) =	vadd.scan.msk.s32 $0xffff, v6;
	v6, _, _ =	vpop (xrf0);
	p2 =	sgt.s32 s22, $0x800  }
.LBB2_26:
0x2c4: {  	p0 =	sne.s32 s25, $0x0;
	p1 =	por !p1, !p2;
	s28 =	smov.u32 s25  }
0x2c5: {  	v7 =	vld [tilespmem:s26+$0x0];
	(v2sf) =	vpush v6, $0xF;
	s25 =	sadd.s32 $0xFFFFFFFF, s25;
	s29 =	smov.u32 s24;
	s24 =	smov.u32 s22  }
.Ltmp12:
0x2c6: {  	p1 =	por !p1, !p1;
	(pc) =	sbr.rel @p0 .LBB2_26-.Ltmp12, $4  }
0x2c7: {  	s17 =	smov.u32 @p1 s21;
	s16 =	smov.u32 @p1 s29;
	s21 =	smov.u32 s23  }
0x2c8: {  	s23 =	smov.u32 s19;
	s19 =	smov.u32 s20;
	s29 =	spop (v2sf)  }
0x2c9: {  	s20 =	smov.u32 s18;
	s18 =	smov.u32 s28;
	s22 =	sadd.s32 s22, s29  }
0x2ca: {  	s26 =	sadd.s32 $0xFFFFFFF0, s26;
	p1 =	slt.s32 s24, $0x801;
	(xrf0) =	vadd.scan.msk.s32 $0xffff, v7;
	v6, _, _ =	vpop (xrf0);
	p2 =	sgt.s32 s22, $0x800  }
0x2cb: {  	_ =	sdelay $0x4  }
0x2cc: {  	(v2sf) =	vpush v6, $0xF;
	v6, _, _ =	vpop (xrf0)  }
0x2cd: {  	(v2sf) =	vpush v6, $0xF;
	_ =	sdelay $0x6  }
0x2ce: {  	p0 =	por !p1, !p2  }
0x2cf: {  	s25 =	spop (v2sf);
	p1 =	por !p0, !p0  }
0x2d0: {  	s17 =	smov.u32 @p1 s21;
	s21 =	sadd.s32 s22, s25  }
0x2d1: {  	p2 =	slt.s32 s22, $0x801;
	p3 =	sgt.s32 s21, $0x800  }
0x2d2: {  	p0 =	por !p2, !p3  }
0x2d3: {  	s16 =	smov.u32 @p1 s24;
	p0 =	por !p0, !p0;
	s30 =	spop (v2sf)  }
0x2d4: {  	p4 =	slt.s32 s21, $0x801;
	s17 =	smov.u32 @p0 s23;
	s25 =	sadd.s32 s21, s30  }
0x2d5: {  	p3 =	sgt.s32 s25, $0x800;
	p5 =	slt.s32 s25, $0x801;
	s26 =	spop (v2sf)  }
0x2d6: {  	p2 =	por !p4, !p3;
	s26 =	sadd.s32 s25, s26;
	s28 =	spop (v2sf)  }
0x2d7: {  	p2 =	por !p2, !p2;
	p4 =	sgt.s32 s26, $0x800;
	s31 =	sadd.s32 s26, s28  }
0x2d8: {  	p6 =	slt.s32 s26, $0x801;
	p3 =	por !p5, !p4;
	p1 =	sgt.s32 s31, $0x800  }
0x2d9: {  	s17 =	smov.u32 @p2 s19;
	p3 =	por !p3, !p3;
	p1 =	por !p6, !p1  }
0x2da: {  	s16 =	smov.u32 @p0 s22;
	s17 =	smov.u32 @p3 s20;
	p0 =	por !p1, !p1  }
0x2db: {  	s17 =	smov.u32 @p0 s18  }
0x2dc: {  	s18 =	simm.s32 $0x10080;
	s17 =	sshll.u32 s17, $0x4  }
0x2dd: {  	v7 =	vld [tilespmem:s17+$0x10000];
	[tilespmem:s18+$0xFFFFFF80] =	vst v0  }
0x2de: {  	[tilespmem:s18+$0x70] =	vst v0  }
0x2df: {  	[tilespmem:s18+$0x60] =	vst v0  }
0x2e0: {  	[tilespmem:s18+$0x50] =	vst v0  }
0x2e1: {  	[tilespmem:s18+$0x40] =	vst v0  }
0x2e2: {  	[tilespmem:s18+$0x30] =	vst v0  }
0x2e3: {  	[tilespmem:s18+$0x20] =	vst v0  }
0x2e4: {  	[tilespmem:s18+$0x10] =	vst v0  }
0x2e5: {  	[tilespmem:s18+$0x0] =	vst v0  }
0x2e6: {  	[tilespmem:s18+$0xFFFFFFF0] =	vst v0  }
0x2e7: {  	[tilespmem:s18+$0xFFFFFFE0] =	vst v0  }
0x2e8: {  	[tilespmem:s18+$0xFFFFFFD0] =	vst v0  }
0x2e9: {  	s16 =	smov.u32 @p2 s21;
	[tilespmem:s18+$0xFFFFFFC0] =	vst v0  }
0x2ea: {  	s16 =	smov.u32 @p3 s25;
	[tilespmem:s18+$0xFFFFFFB0] =	vst v0  }
0x2eb: {  	s19 =	simm.s32 $0x0;
	s16 =	smov.u32 @p0 s26;
	[tilespmem:s18+$0xFFFFFFA0] =	vst v0  }
.LBB2_28:
0x2ec: {  	s19 =	sadd.s32 $0x10, s19;
	[tilespmem:s18+$0xFFFFFF90] =	vst v0;
	s18 =	sadd.s32 $0x100, s18  }
0x2ed: {  	[tilespmem:s18+$0xFFFFFF80] =	vst v0;
	p0 =	slt.u32 s19, $0x30  }
0x2ee: {  	[tilespmem:s18+$0x70] =	vst v0  }
0x2ef: {  	[tilespmem:s18+$0x60] =	vst v0  }
0x2f0: {  	[tilespmem:s18+$0x50] =	vst v0  }
0x2f1: {  	[tilespmem:s18+$0x40] =	vst v0  }
0x2f2: {  	[tilespmem:s18+$0x30] =	vst v0  }
0x2f3: {  	[tilespmem:s18+$0x20] =	vst v0  }
0x2f4: {  	[tilespmem:s18+$0x10] =	vst v0  }
0x2f5: {  	[tilespmem:s18+$0x0] =	vst v0  }
0x2f6: {  	[tilespmem:s18+$0xFFFFFFF0] =	vst v0  }
.Ltmp13:
0x2f7: {  	[tilespmem:s18+$0xFFFFFFE0] =	vst v0;
	(pc) =	sbr.rel @p0 .LBB2_28-.Ltmp13, $4  }
0x2f8: {  	[tilespmem:s18+$0xFFFFFFD0] =	vst v0  }
0x2f9: {  	[tilespmem:s18+$0xFFFFFFC0] =	vst v0  }
0x2fa: {  	[tilespmem:s18+$0xFFFFFFB0] =	vst v0  }
0x2fb: {  	[tilespmem:s18+$0xFFFFFFA0] =	vst v0  }
0x2fc: {  	(xrf0) =	vadd.scan.msk.s32 $0xffff, v7;
	_ =	sdelay $0x5  }
0x2fd: {  	v6, _, _ =	vpop (xrf0)  }
0x2fe: {  	v8 =	vxor.u32 $0x80000000, v6  }
0x2ff: {  	(xrf0) =	vmax.scan.msk.u32 $0xffff, v8;
	_ =	sdelay $0x5  }
0x300: {  	v8, _, _ =	vpop (xrf0)  }
0x301: {  	(v2sf) =	vpush v8, $0xF;
	_ =	sdelay $0xe  }
0x302: {  	s29 =	spop (v2sf)  }
0x303: {  	s16 =	sadd.s32 s29, s16  }
0x304: {  	s16 =	sadd.s32 $0x80000000, s16  }
0x305: {  	v6 =	vsub.s32 s16, v6  }
0x306: {  	v7 =	vadd.s32 v7, v6  }
0x307: {  	vm4 =	vlt.s32 v6, $0x801;
	vm3 =	vgt.s32 v7, $0x800  }
0x308: {  	v7 =	vor.u32 s17, v2;
	vm3 =	vmand vm4, vm3  }
0x309: {  	v7 =	vnsel vm3, $0x7FFFFFFF, v7  }
0x30a: {  	(xrf0) =	vmax.scan.msk.u32 $0xffff, v7;
	_ =	sdelay $0x5  }
0x30b: {  	v7, _, _ =	vpop (xrf0)  }
0x30c: {  	(v2sf) =	vpush v7, $0xF;
	_ =	sdelay $0x4  }
0x30d: {  	[tilespmem:s18+$0xFFFFFF90] =	vst v0;
	s31 =	simm.s32 $0x8080  }
0x30e: {  	v9 =	vld [tilespmem:s31+$0xFFFFFF90]  }
0x30f: {  	v11 =	vld [tilespmem:s31+$0x20]  }
0x310: {  	v13 =	vld [tilespmem:s31+$0xFFFFFFB0]  }
0x311: {  	v14 =	vld [tilespmem:s31+$0xFFFFFFC0]  }
0x312: {  	v15 =	vld [tilespmem:s31+$0x30]  }
0x313: {  	v27 =	vld [tilespmem:s31+$0xFFFFFFE0]  }
0x314: {  	v8 =	vld [tilespmem:s31+$0xFFFFFF80];
	_ =	sdelay $0x1  }
0x315: {  	v26 =	vshrl.u32 v11, $0xA;
	v21 =	vshrl.u32 v14, $0xA  }
0x316: {  	v12 =	vld [tilespmem:s31+$0x0];
	v19 =	vshrl.u32 v13, $0xA;
	v20 =	vshrl.u32 v15, $0x14;
	v22 =	vshrl.u32 v13, $0x14;
	s16 =	spop (v2sf)  }
0x317: {  	v13 =	vshrl.u32 v9, $0x14;
	v9 =	vshrl.u32 v9, $0xA;
	v25 =	vshrl.u32 v15, $0xA;
	s30 =	sxor.u32 $0x80000000, s16  }
0x318: {  	v16 =	vld [tilespmem:s31+$0x40];
	v15 =	vshrl.u32 v27, $0x14;
	v10 =	vshrl.u32 v8, $0x14;
	v7 =	vmov s30  }
0x319: {  	v17 =	vld [tilespmem:s31+$0xFFFFFFA0];
	v9 =	vand.u32 $0x3FF, v9;
	v8 =	vshrl.u32 v8, $0xA;
	vm4 =	veq.s32 v10, v7  }
0x31a: {  	v18 =	vand.u32 $0x3FF, v8;
	v8 =	vshrl.u32 v14, $0x14;
	v14 =	vshrl.u32 v11, $0x14;
	v11 =	vld [tilespmem:s31+$0xFFFFFFD0]  }
0x31b: {  	v21 =	vand.u32 $0x3FF, v21;
	v10 =	vshrl.u32 v12, $0x14;
	v12 =	vshrl.u32 v12, $0xA  }
0x31c: {  	v23 =	vld [tilespmem:s31+$0xFFFFFFF0];
	vm8 =	veq.s32 v8, v7;
	v8 =	vand.u32 $0x3FF, v19;
	vm7 =	veq.s32 v20, v7  }
0x31d: {  	v24 =	vld [tilespmem:s31+$0x60];
	v19 =	vshrl.u32 v16, $0xA;
	v16 =	vshrl.u32 v16, $0x14;
	vm6 =	veq.s32 v22, v7  }
0x31e: {  	v20 =	vld [tilespmem:s31+$0x70];
	vm9 =	veq.s32 v14, v7;
	v14 =	vshrl.u32 v27, $0xA;
	v19 =	vand.u32 $0x3FF, v19  }
0x31f: {  	vm10 =	veq.s32 v16, v7;
	v16 =	vshrl.u32 v11, $0x14;
	[tilespmem:v18+s11+$0x0] =	vst.idx.add.s32.msk vm4, v1;
	v18 =	vshrl.u32 v17, $0x14  }
0x320: {  	v22 =	vld [tilespmem:s31+$0x10];
	vm4 =	veq.s32 v13, v7;
	vm5 =	veq.s32 v18, v7;
	v18 =	vshrl.u32 v17, $0xA  }
0x321: {  	s18 =	simm.s32 $0x8180;
	s17 =	simm.s32 $0x0;
	v13 =	vshrl.u32 v11, $0xA;
	v17 =	vld [tilespmem:s31+$0x50];
	v11 =	vand.u32 $0x3FF, v18;
	v18 =	vand.u32 $0x3FF, v26  }
.LBB2_30:
0x322: {  	v26 =	vld [tilespmem:s18+$0xFFFFFF90];
	s17 =	sadd.s32 $0x10, s17;
	v27 =	vshrl.u32 v23, $0x14  }
0x323: {  	v23 =	vshrl.u32 v23, $0xA;
	v25 =	vand.u32 $0x3FF, v25;
	v28 =	vld [tilespmem:s18+$0xFFFFFFD0];
	p0 =	slt.u32 s17, $0x7F0;
	vm11 =	veq.s32 v27, v7  }
0x324: {  	v12 =	vand.u32 $0x3FF, v12;
	v23 =	vand.u32 $0x3FF, v23;
	v27 =	vld [tilespmem:s18+$0x20]  }
0x325: {  	v29 =	vshrl.u32 v20, $0xA;
	v20 =	vshrl.u32 v20, $0x14;
	[tilespmem:v19+s11+$0x0] =	vst.idx.add.s32.msk vm10, v1;
	v19 =	vshrl.u32 v24, $0xA  }
0x326: {  	v31 =	vshrl.u32 v17, $0xA;
	v17 =	vshrl.u32 v17, $0x14;
	v30 =	vld [tilespmem:s18+$0x40];
	v19 =	vand.u32 $0x3FF, v19  }
0x327: {  	vm10 =	veq.s32 v17, v7;
	[tilespmem:v21+s11+$0x0] =	vst.idx.add.s32.msk vm8, v1;
	vm8 =	veq.s32 v16, v7;
	v16 =	vshrl.u32 v24, $0x14  }
0x328: {  	v13 =	vand.u32 $0x3FF, v13;
	v17 =	vand.u32 $0x3FF, v31;
	[tilespmem:v25+s11+$0x0] =	vst.idx.add.s32.msk vm7, v1;
	vm7 =	veq.s32 v16, v7  }
0x329: {  	vm12 =	veq.s32 v20, v7;
	v21 =	vshrl.u32 v22, $0xA;
	v22 =	vshrl.u32 v22, $0x14;
	v16 =	vld [tilespmem:s18+$0xFFFFFFA0]  }
0x32a: {  	v20 =	vand.u32 $0x3FF, v29;
	[tilespmem:v23+s11+$0x0] =	vst.idx.add.s32.msk vm11, v1;
	vm11 =	veq.s32 v22, v7  }
0x32b: {  	vm13 =	veq.s32 v10, v7;
	v10 =	vand.u32 $0x3FF, v21;
	[tilespmem:v18+s11+$0x0] =	vst.idx.add.s32.msk vm9, v1  }
0x32c: {  	v18 =	vld [tilespmem:s18+$0xFFFFFFB0]  }
0x32d: {  	v21 =	vld [tilespmem:s18+$0xFFFFFFC0]  }
0x32e: {  	v22 =	vld [tilespmem:s18+$0xFFFFFF80]  }
0x32f: {  	vm9 =	veq.s32 v15, v7;
	[tilespmem:v19+s11+$0x0] =	vst.idx.add.s32.msk vm7, v1  }
0x330: {  	v14 =	vand.u32 $0x3FF, v14;
	v15 =	vld [tilespmem:s18+$0x0]  }
0x331: {  	[tilespmem:v10+s11+$0x0] =	vst.idx.add.s32.msk vm11, v1  }
0x332: {  	[tilespmem:v12+s11+$0x0] =	vst.idx.add.s32.msk vm13, v1  }
0x333: {  	v10 =	vshrl.u32 v22, $0x14;
	[tilespmem:v20+s11+$0x0] =	vst.idx.add.s32.msk vm12, v1  }
0x334: {  	v12 =	vshrl.u32 v22, $0xA;
	vm11 =	veq.s32 v10, v7;
	v20 =	vld [tilespmem:s18+$0x30]  }
0x335: {  	v19 =	vand.u32 $0x3FF, v12;
	v10 =	vshrl.u32 v15, $0x14;
	[tilespmem:v14+s11+$0x0] =	vst.idx.add.s32.msk vm9, v1  }
0x336: {  	v12 =	vshrl.u32 v15, $0xA;
	[tilespmem:v17+s11+$0x0] =	vst.idx.add.s32.msk vm10, v1  }
0x337: {  	v29 =	vshrl.u32 v27, $0xA;
	[tilespmem:v13+s11+$0x0] =	vst.idx.add.s32.msk vm8, v1  }
0x338: {  	v14 =	vshrl.u32 v21, $0xA;
	v15 =	vshrl.u32 v27, $0x14;
	v13 =	vshrl.u32 v21, $0x14;
	[tilespmem:v9+s11+$0x0] =	vst.idx.add.s32.msk vm4, v1  }
0x339: {  	v9 =	vshrl.u32 v18, $0xA;
	vm8 =	veq.s32 v13, v7;
	v13 =	vshrl.u32 v20, $0x14;
	[tilespmem:v11+s11+$0x0] =	vst.idx.add.s32.msk vm5, v1  }
0x33a: {  	v11 =	vshrl.u32 v18, $0x14;
	vm7 =	veq.s32 v13, v7;
	[tilespmem:v8+s11+$0x0] =	vst.idx.add.s32.msk vm6, v1;
	v8 =	vand.u32 $0x3FF, v9  }
0x33b: {  	v17 =	vshrl.u32 v30, $0xA;
	v9 =	vshrl.u32 v26, $0x14;
	v13 =	vshrl.u32 v16, $0x14;
	[tilespmem:v19+s11+$0x0] =	vst.idx.add.s32.msk vm11, v1  }
0x33c: {  	v18 =	vshrl.u32 v26, $0xA;
	vm4 =	veq.s32 v9, v7;
	v19 =	vand.u32 $0x3FF, v17;
	v22 =	vld [tilespmem:s18+$0xFFFFFFE0]  }
.Ltmp14:
0x33d: {  	v9 =	vand.u32 $0x3FF, v18;
	vm5 =	veq.s32 v13, v7;
	v17 =	vshrl.u32 v30, $0x14;
	v23 =	vld [tilespmem:s18+$0xFFFFFFF0];
	(pc) =	sbr.rel @p0 .LBB2_30-.Ltmp14, $4  }
0x33e: {  	v18 =	vshrl.u32 v16, $0xA;
	v13 =	vshrl.u32 v28, $0xA;
	vm10 =	veq.s32 v17, v7;
	v17 =	vld [tilespmem:s18+$0x50]  }
0x33f: {  	v25 =	vshrl.u32 v20, $0xA;
	vm6 =	veq.s32 v11, v7;
	v16 =	vshrl.u32 v28, $0x14;
	v20 =	vld [tilespmem:s18+$0x70]  }
0x340: {  	vm9 =	veq.s32 v15, v7;
	v21 =	vand.u32 $0x3FF, v14;
	v11 =	vand.u32 $0x3FF, v18;
	v24 =	vld [tilespmem:s18+$0x60]  }
0x341: {  	v18 =	vand.u32 $0x3FF, v29;
	v14 =	vshrl.u32 v22, $0xA;
	v15 =	vshrl.u32 v22, $0x14;
	v22 =	vld [tilespmem:s18+$0x10];
	s18 =	sadd.s32 $0x100, s18  }
0x342: {  	_ =	sdelay $0x4  }
0x343: {  	v26 =	vshrl.u32 v23, $0x14;
	v53 =	vshrl.u32 v23, $0xA;
	v25 =	vand.u32 $0x3FF, v25;
	[tilespmem:v19+s11+$0x0] =	vst.idx.add.s32.msk vm10, v1  }
0x344: {  	[tilespmem:v21+s11+$0x0] =	vst.idx.add.s32.msk vm8, v1;
	vm8 =	veq.s32 v10, v7;
	v12 =	vand.u32 $0x3FF, v12;
	vm15 =	veq.s32 v16, v7  }
0x345: {  	[tilespmem:v18+s11+$0x0] =	vst.idx.add.s32.msk vm9, v1;
	v13 =	vand.u32 $0x3FF, v13;
	vm11 =	veq.s32 v26, v7;
	v23 =	vand.u32 $0x3FF, v53  }
0x346: {  	[tilespmem:v9+s11+$0x0] =	vst.idx.add.s32.msk vm4, v1;
	v62 =	vshrl.u32 v17, $0x14;
	v59 =	vshrl.u32 v20, $0x14;
	v54 =	vshrl.u32 v24, $0x14  }
0x347: {  	[tilespmem:v11+s11+$0x0] =	vst.idx.add.s32.msk vm5, v1;
	v55 =	vshrl.u32 v24, $0xA;
	vm12 =	veq.s32 v54, v7;
	v56 =	vshrl.u32 v22, $0x14  }
0x348: {  	[tilespmem:v8+s11+$0x0] =	vst.idx.add.s32.msk vm6, v1;
	v57 =	vand.u32 $0x3FF, v55;
	v58 =	vshrl.u32 v22, $0xA;
	vm10 =	veq.s32 v56, v7  }
0x349: {  	v61 =	vshrl.u32 v20, $0xA;
	v60 =	vand.u32 $0x3FF, v58;
	[tilespmem:v25+s11+$0x0] =	vst.idx.add.s32.msk vm7, v1;
	vm7 =	veq.s32 v59, v7  }
0x34a: {  	v63 =	vshrl.u32 v17, $0xA;
	vm13 =	veq.s32 v62, v7;
	v20 =	vand.u32 $0x3FF, v61;
	[tilespmem:v12+s11+$0x0] =	vst.idx.add.s32.msk vm8, v1  }
0x34b: {  	[tilespmem:v23+s11+$0x0] =	vst.idx.add.s32.msk vm11, v1;
	vm11 =	veq.s32 v15, v7;
	v7 =	vand.u32 $0x3FF, v63  }
0x34c: {  	v14 =	vand.u32 $0x3FF, v14;
	[tilespmem:v13+s11+$0x0] =	vst.idx.add.s32.msk vm15, v1  }
0x34d: {  	[tilespmem:v57+s11+$0x0] =	vst.idx.add.s32.msk vm12, v1  }
0x34e: {  	[tilespmem:v60+s11+$0x0] =	vst.idx.add.s32.msk vm10, v1  }
0x34f: {  	[tilespmem:v20+s11+$0x0] =	vst.idx.add.s32.msk vm7, v1  }
0x350: {  	[tilespmem:v7+s11+$0x0] =	vst.idx.add.s32.msk vm13, v1  }
0x351: {  	s17 =	simm.s32 $0x103F0;
	[tilespmem:v14+s11+$0x0] =	vst.idx.add.s32.msk vm11, v1  }
0x352: {  	v7 =	vld [tilespmem:s17+$0x0]  }
0x353: {  	v6 =	vxor.u32 $0x80000000, v6  }
0x354: {  	v6 =	vnsel vm3, $0x7FFFFFFF, v6  }
0x355: {  	(xrf0) =	vmax.scan.msk.u32 $0xffff, v6;
	_ =	sdelay $0x1  }
0x356: {  	(xrf0) =	vadd.scan.msk.s32 $0xffff, v7;
	_ =	sdelay $0x3  }
0x357: {  	v6, _, _ =	vpop (xrf0)  }
0x358: {  	(v2sf) =	vpush v6, $0xF  }
0x359: {  	v6, _, _ =	vpop (xrf0)  }
0x35a: {  	s24 =	simm.s32 $0x103E0;
	(v2sf) =	vpush v6, $0xF  }
0x35b: {  	v6 =	vld [tilespmem:s24+$0x0]  }
0x35c: {  	s25 =	simm.s32 $0x103D0  }
0x35d: {  	v7 =	vld [tilespmem:s25+$0x0];
	_ =	sdelay $0x2  }
0x35e: {  	(xrf0) =	vadd.scan.msk.s32 $0xffff, v6;
	_ =	sdelay $0x1  }
0x35f: {  	(xrf0) =	vadd.scan.msk.s32 $0xffff, v7;
	_ =	sdelay $0x2  }
0x360: {  	s26 =	simm.s32 $0x103C0  }
0x361: {  	v8 =	vld [tilespmem:s26+$0x0];
	v7, _, _ =	vpop (xrf0)  }
0x362: {  	s30 =	spop (v2sf);
	(v2sf) =	vpush v7, $0xF  }
0x363: {  	v7, _, _ =	vpop (xrf0)  }
0x364: {  	s31 =	spop (v2sf);
	(v2sf) =	vpush v7, $0xF;
	_ =	sdelay $0x1  }
0x365: {  	s18 =	simm.s32 $0x103B0;
	(xrf0) =	vadd.scan.msk.s32 $0xffff, v8  }
0x366: {  	v6 =	vld [tilespmem:s18+$0x0]  }
0x367: {  	s19 =	simm.s32 $0x0;
	s21 =	simm.s32 $0x3D;
	s22 =	simm.s32 $0x3C  }
0x368: {  	s20 =	simm.s32 $0x3B;
	s28 =	simm.s32 $0x3A;
	s29 =	simm.s32 $0x103A0  }
0x369: {  	s26 =	simm.s32 $0x0;
	s25 =	simm.s32 $0x3F;
	s17 =	sxor.u32 $0x80000000, s30  }
0x36a: {  	s17 =	ssub.s32 $0x801, s17;
	s24 =	simm.s32 $0x3E;
	s23 =	sadd.s32 $0x0, s31  }
0x36b: {  	p1 =	sgt.s32 s17, $0x0;
	s18 =	simm.s32 $0x0;
	(xrf0) =	vadd.scan.msk.s32 $0xffff, v6;
	v6, _, _ =	vpop (xrf0);
	p2 =	sge.s32 s23, s17  }
.LBB2_32:
0x36c: {  	p0 =	sne.s32 s28, $0x0;
	p1 =	por !p1, !p2;
	s30 =	smov.u32 s28  }
0x36d: {  	v7 =	vld [tilespmem:s29+$0x0];
	(v2sf) =	vpush v6, $0xF;
	s28 =	sadd.s32 $0xFFFFFFFF, s28;
	s31 =	smov.u32 s26;
	s26 =	smov.u32 s23  }
.Ltmp15:
0x36e: {  	p1 =	por !p1, !p1;
	(pc) =	sbr.rel @p0 .LBB2_32-.Ltmp15, $4  }
0x36f: {  	s19 =	smov.u32 @p1 s25;
	s18 =	smov.u32 @p1 s31;
	s25 =	smov.u32 s24  }
0x370: {  	s24 =	smov.u32 s21;
	s21 =	smov.u32 s22;
	s31 =	spop (v2sf)  }
0x371: {  	s22 =	smov.u32 s20;
	s20 =	smov.u32 s30;
	s23 =	sadd.s32 s23, s31  }
0x372: {  	s29 =	sadd.s32 $0xFFFFFFF0, s29;
	p1 =	slt.s32 s26, s17;
	(xrf0) =	vadd.scan.msk.s32 $0xffff, v7;
	v6, _, _ =	vpop (xrf0);
	p2 =	sge.s32 s23, s17  }
0x373: {  	_ =	sdelay $0x4  }
0x374: {  	(v2sf) =	vpush v6, $0xF;
	v6, _, _ =	vpop (xrf0)  }
0x375: {  	(v2sf) =	vpush v6, $0xF;
	_ =	sdelay $0x6  }
0x376: {  	p0 =	por !p1, !p2  }
0x377: {  	s28 =	spop (v2sf);
	p1 =	por !p0, !p0  }
0x378: {  	s19 =	smov.u32 @p1 s25;
	s25 =	sadd.s32 s23, s28  }
0x379: {  	p2 =	slt.s32 s23, s17;
	p3 =	sge.s32 s25, s17  }
0x37a: {  	p0 =	por !p2, !p3  }
0x37b: {  	s18 =	smov.u32 @p1 s26;
	p0 =	por !p0, !p0;
	s30 =	spop (v2sf)  }
0x37c: {  	p4 =	slt.s32 s25, s17;
	s19 =	smov.u32 @p0 s24;
	s28 =	sadd.s32 s25, s30  }
0x37d: {  	p3 =	sge.s32 s28, s17;
	p5 =	slt.s32 s28, s17;
	s29 =	spop (v2sf)  }
0x37e: {  	p2 =	por !p4, !p3;
	s29 =	sadd.s32 s28, s29;
	s30 =	spop (v2sf)  }
0x37f: {  	p2 =	por !p2, !p2;
	p4 =	sge.s32 s29, s17;
	s31 =	sadd.s32 s29, s30  }
0x380: {  	p6 =	slt.s32 s29, s17;
	p3 =	por !p5, !p4;
	p1 =	sge.s32 s31, s17  }
0x381: {  	s19 =	smov.u32 @p2 s21;
	p3 =	por !p3, !p3;
	p1 =	por !p6, !p1  }
0x382: {  	s18 =	smov.u32 @p0 s23;
	s19 =	smov.u32 @p3 s22;
	p0 =	por !p1, !p1  }
0x383: {  	s19 =	smov.u32 @p0 s20  }
0x384: {  	s20 =	simm.s32 $0x10080;
	s19 =	sshll.u32 s19, $0x4  }
0x385: {  	v7 =	vld [tilespmem:s19+$0x10000];
	[tilespmem:s20+$0xFFFFFF80] =	vst v0  }
0x386: {  	[tilespmem:s20+$0x70] =	vst v0  }
0x387: {  	[tilespmem:s20+$0x60] =	vst v0  }
0x388: {  	[tilespmem:s20+$0x50] =	vst v0  }
0x389: {  	[tilespmem:s20+$0x40] =	vst v0  }
0x38a: {  	[tilespmem:s20+$0x30] =	vst v0  }
0x38b: {  	[tilespmem:s20+$0x20] =	vst v0  }
0x38c: {  	[tilespmem:s20+$0x10] =	vst v0  }
0x38d: {  	[tilespmem:s20+$0x0] =	vst v0  }
0x38e: {  	[tilespmem:s20+$0xFFFFFFF0] =	vst v0  }
0x38f: {  	[tilespmem:s20+$0xFFFFFFE0] =	vst v0  }
0x390: {  	[tilespmem:s20+$0xFFFFFFD0] =	vst v0  }
0x391: {  	s18 =	smov.u32 @p2 s25;
	[tilespmem:s20+$0xFFFFFFC0] =	vst v0  }
0x392: {  	s18 =	smov.u32 @p3 s28;
	[tilespmem:s20+$0xFFFFFFB0] =	vst v0  }
0x393: {  	s21 =	simm.s32 $0x0;
	s18 =	smov.u32 @p0 s29;
	[tilespmem:s20+$0xFFFFFFA0] =	vst v0  }
.LBB2_34:
0x394: {  	s21 =	sadd.s32 $0x10, s21;
	[tilespmem:s20+$0xFFFFFF90] =	vst v0;
	s20 =	sadd.s32 $0x100, s20  }
0x395: {  	[tilespmem:s20+$0xFFFFFF80] =	vst v0;
	p0 =	slt.u32 s21, $0x30  }
0x396: {  	[tilespmem:s20+$0x70] =	vst v0  }
0x397: {  	[tilespmem:s20+$0x60] =	vst v0  }
0x398: {  	[tilespmem:s20+$0x50] =	vst v0  }
0x399: {  	[tilespmem:s20+$0x40] =	vst v0  }
0x39a: {  	[tilespmem:s20+$0x30] =	vst v0  }
0x39b: {  	[tilespmem:s20+$0x20] =	vst v0  }
0x39c: {  	[tilespmem:s20+$0x10] =	vst v0  }
0x39d: {  	[tilespmem:s20+$0x0] =	vst v0  }
0x39e: {  	[tilespmem:s20+$0xFFFFFFF0] =	vst v0  }
.Ltmp16:
0x39f: {  	[tilespmem:s20+$0xFFFFFFE0] =	vst v0;
	(pc) =	sbr.rel @p0 .LBB2_34-.Ltmp16, $4  }
0x3a0: {  	[tilespmem:s20+$0xFFFFFFD0] =	vst v0  }
0x3a1: {  	[tilespmem:s20+$0xFFFFFFC0] =	vst v0  }
0x3a2: {  	[tilespmem:s20+$0xFFFFFFB0] =	vst v0  }
0x3a3: {  	[tilespmem:s20+$0xFFFFFFA0] =	vst v0  }
0x3a4: {  	(xrf0) =	vadd.scan.msk.s32 $0xffff, v7;
	_ =	sdelay $0x5  }
0x3a5: {  	v6, _, _ =	vpop (xrf0)  }
0x3a6: {  	v8 =	vxor.u32 $0x80000000, v6  }
0x3a7: {  	(xrf0) =	vmax.scan.msk.u32 $0xffff, v8;
	_ =	sdelay $0x5  }
0x3a8: {  	v8, _, _ =	vpop (xrf0)  }
0x3a9: {  	(v2sf) =	vpush v8, $0xF;
	_ =	sdelay $0xe  }
0x3aa: {  	s30 =	spop (v2sf)  }
0x3ab: {  	s18 =	sadd.s32 s30, s18  }
0x3ac: {  	s18 =	sadd.s32 $0x80000000, s18  }
0x3ad: {  	v6 =	vsub.s32 s18, v6  }
0x3ae: {  	v7 =	vadd.s32 v7, v6  }
0x3af: {  	vm4 =	vlt.s32 v6, s17;
	vm3 =	vge.s32 v7, s17  }
0x3b0: {  	v7 =	vor.u32 s19, v2;
	vm3 =	vmand vm4, vm3  }
0x3b1: {  	v7 =	vnsel vm3, $0x7FFFFFFF, v7  }
0x3b2: {  	(xrf0) =	vmax.scan.msk.u32 $0xffff, v7;
	_ =	sdelay $0x5  }
0x3b3: {  	v7, _, _ =	vpop (xrf0)  }
0x3b4: {  	(v2sf) =	vpush v7, $0xF;
	_ =	sdelay $0xe  }
0x3b5: {  	s31 =	spop (v2sf)  }
0x3b6: {  	s16 =	sshll.u32 s16, $0xA;
	s18 =	sxor.u32 $0x80000000, s31  }
0x3b7: {  	[tilespmem:s20+$0xFFFFFF90] =	vst v0;
	s16 =	sor.u32 s16, s18;
	s18 =	simm.s32 $0x8080  }
0x3b8: {  	v8 =	vld [tilespmem:s18+$0xFFFFFFD0]  }
0x3b9: {  	v9 =	vld [tilespmem:s18+$0xFFFFFF80]  }
0x3ba: {  	v10 =	vld [tilespmem:s18+$0xFFFFFFB0]  }
0x3bb: {  	v11 =	vld [tilespmem:s18+$0x70]  }
0x3bc: {  	v12 =	vld [tilespmem:s18+$0x60]  }
0x3bd: {  	v13 =	vld [tilespmem:s18+$0x50]  }
0x3be: {  	v7 =	vmov s16;
	v15 =	vld [tilespmem:s18+$0x40];
	v14 =	vshrl.u32 v9, $0xA  }
0x3bf: {  	v50 =	vld [tilespmem:s18+$0x30];
	vm4 =	veq.s32 v14, v7  }
0x3c0: {  	v16 =	vld [tilespmem:s18+$0x20];
	v9 =	vand.u32 $0x3FF, v9  }
0x3c1: {  	v51 =	vld [tilespmem:s18+$0x0];
	v17 =	vshrl.u32 v11, $0xA  }
0x3c2: {  	v19 =	vld [tilespmem:s18+$0xFFFFFFF0];
	v52 =	vshrl.u32 v13, $0xA;
	vm5 =	veq.s32 v17, v7  }
0x3c3: {  	v53 =	vld [tilespmem:s18+$0xFFFFFFC0];
	v11 =	vand.u32 $0x3FF, v11;
	v20 =	vshrl.u32 v15, $0xA;
	vm7 =	veq.s32 v52, v7  }
0x3c4: {  	v18 =	vld [tilespmem:s18+$0x10];
	v13 =	vand.u32 $0x3FF, v13;
	vm6 =	veq.s32 v20, v7  }
0x3c5: {  	v54 =	vshrl.u32 v16, $0xA;
	[tilespmem:v9+s11+$0x0] =	vst.idx.add.s32.msk vm4, v1;
	v9 =	vand.u32 $0x3FF, v15  }
0x3c6: {  	v21 =	vld [tilespmem:s18+$0xFFFFFFE0];
	v22 =	vshrl.u32 v50, $0xA;
	v55 =	vshrl.u32 v51, $0xA;
	vm8 =	veq.s32 v54, v7  }
0x3c7: {  	v56 =	vld [tilespmem:s18+$0xFFFFFFA0];
	v16 =	vand.u32 $0x3FF, v16;
	v57 =	vshrl.u32 v19, $0xA;
	vm4 =	veq.s32 v22, v7  }
0x3c8: {  	v59 =	vshrl.u32 v53, $0xA;
	v14 =	vand.u32 $0x3FF, v50;
	[tilespmem:v11+s11+$0x0] =	vst.idx.add.s32.msk vm5, v1;
	vm5 =	veq.s32 v55, v7  }
0x3c9: {  	v61 =	vshrl.u32 v8, $0xA;
	v17 =	vand.u32 $0x3FF, v51;
	vm10 =	veq.s32 v57, v7;
	[tilespmem:v13+s11+$0x0] =	vst.idx.add.s32.msk vm7, v1  }
0x3ca: {  	vm11 =	veq.s32 v59, v7;
	v11 =	vshrl.u32 v12, $0xA;
	[tilespmem:v9+s11+$0x0] =	vst.idx.add.s32.msk vm6, v1;
	v9 =	vand.u32 $0x3FF, v19  }
0x3cb: {  	v62 =	vand.u32 $0x3FF, v53;
	vm12 =	veq.s32 v61, v7;
	vm9 =	veq.s32 v11, v7;
	v11 =	vld [tilespmem:s18+$0xFFFFFF90]  }
0x3cc: {  	v23 =	vshrl.u32 v18, $0xA;
	v63 =	vand.u32 $0x3FF, v8;
	[tilespmem:v16+s11+$0x0] =	vst.idx.add.s32.msk vm8, v1  }
0x3cd: {  	v58 =	vshrl.u32 v21, $0xA;
	v12 =	vand.u32 $0x3FF, v12;
	vm6 =	veq.s32 v23, v7;
	[tilespmem:v14+s11+$0x0] =	vst.idx.add.s32.msk vm4, v1  }
0x3ce: {  	v18 =	vand.u32 $0x3FF, v18;
	v8 =	vshrl.u32 v10, $0xA;
	vm4 =	veq.s32 v58, v7;
	[tilespmem:v17+s11+$0x0] =	vst.idx.add.s32.msk vm5, v1  }
0x3cf: {  	v60 =	vand.u32 $0x3FF, v21;
	vm5 =	veq.s32 v8, v7;
	[tilespmem:v9+s11+$0x0] =	vst.idx.add.s32.msk vm10, v1;
	v9 =	vshrl.u32 v56, $0xA  }
0x3d0: {  	v10 =	vand.u32 $0x3FF, v10;
	[tilespmem:v62+s11+$0x0] =	vst.idx.add.s32.msk vm11, v1;
	v8 =	vshrl.u32 v11, $0xA;
	vm7 =	veq.s32 v9, v7  }
0x3d1: {  	[tilespmem:v63+s11+$0x0] =	vst.idx.add.s32.msk vm12, v1;
	vm8 =	veq.s32 v8, v7;
	v8 =	vand.u32 $0x3FF, v56  }
0x3d2: {  	[tilespmem:v12+s11+$0x0] =	vst.idx.add.s32.msk vm9, v1;
	v9 =	vand.u32 $0x3FF, v11  }
0x3d3: {  	[tilespmem:v18+s11+$0x0] =	vst.idx.add.s32.msk vm6, v1  }
0x3d4: {  	s19 =	simm.s32 $0x0;
	[tilespmem:v60+s11+$0x0] =	vst.idx.add.s32.msk vm4, v1  }
.LBB2_36:
0x3d5: {  	s19 =	sadd.s32 $0x10, s19;
	[tilespmem:v10+s11+$0x0] =	vst.idx.add.s32.msk vm5, v1;
	s18 =	sadd.s32 $0x100, s18  }
0x3d6: {  	p0 =	slt.u32 s19, $0x7F0;
	[tilespmem:v8+s11+$0x0] =	vst.idx.add.s32.msk vm7, v1  }
0x3d7: {  	[tilespmem:v9+s11+$0x0] =	vst.idx.add.s32.msk vm8, v1  }
0x3d8: {  	v8 =	vld [tilespmem:s18+$0xFFFFFFD0]  }
0x3d9: {  	v9 =	vld [tilespmem:s18+$0xFFFFFF80]  }
0x3da: {  	v10 =	vld [tilespmem:s18+$0xFFFFFFB0]  }
0x3db: {  	v11 =	vld [tilespmem:s18+$0x70]  }
0x3dc: {  	v12 =	vld [tilespmem:s18+$0x60]  }
0x3dd: {  	v13 =	vld [tilespmem:s18+$0x50]  }
0x3de: {  	v14 =	vshrl.u32 v9, $0xA;
	v15 =	vld [tilespmem:s18+$0x40]  }
0x3df: {  	vm6 =	veq.s32 v14, v7;
	v14 =	vld [tilespmem:s18+$0x30]  }
0x3e0: {  	v9 =	vand.u32 $0x3FF, v9;
	v16 =	vld [tilespmem:s18+$0x20];
	v17 =	vshrl.u32 v11, $0xA  }
0x3e1: {  	v18 =	vld [tilespmem:s18+$0x10];
	v19 =	vshrl.u32 v12, $0xA;
	vm7 =	veq.s32 v17, v7  }
0x3e2: {  	v11 =	vand.u32 $0x3FF, v11;
	v17 =	vld [tilespmem:s18+$0x0];
	v20 =	vshrl.u32 v13, $0xA  }
0x3e3: {  	v12 =	vand.u32 $0x3FF, v12;
	vm4 =	veq.s32 v19, v7;
	v21 =	vld [tilespmem:s18+$0xFFFFFFF0];
	v22 =	vshrl.u32 v15, $0xA  }
0x3e4: {  	vm5 =	veq.s32 v20, v7;
	v19 =	vld [tilespmem:s18+$0xFFFFFFE0];
	v23 =	vshrl.u32 v14, $0xA;
	vm8 =	veq.s32 v22, v7  }
0x3e5: {  	v15 =	vand.u32 $0x3FF, v15;
	[tilespmem:v9+s11+$0x0] =	vst.idx.add.s32.msk vm6, v1;
	v9 =	vand.u32 $0x3FF, v16;
	vm9 =	veq.s32 v23, v7  }
0x3e6: {  	v14 =	vand.u32 $0x3FF, v14;
	v16 =	vshrl.u32 v16, $0xA;
	v20 =	vld [tilespmem:s18+$0xFFFFFFC0];
	v22 =	vshrl.u32 v18, $0xA  }
0x3e7: {  	v13 =	vand.u32 $0x3FF, v13;
	vm10 =	veq.s32 v16, v7;
	v23 =	vshrl.u32 v17, $0xA;
	[tilespmem:v11+s11+$0x0] =	vst.idx.add.s32.msk vm7, v1  }
0x3e8: {  	vm6 =	veq.s32 v22, v7;
	v11 =	vld [tilespmem:s18+$0xFFFFFFA0];
	v16 =	vand.u32 $0x3FF, v21;
	vm11 =	veq.s32 v23, v7  }
0x3e9: {  	v17 =	vand.u32 $0x3FF, v17;
	v21 =	vshrl.u32 v21, $0xA;
	v22 =	vld [tilespmem:s18+$0xFFFFFF90];
	v23 =	vand.u32 $0x3FF, v19  }
0x3ea: {  	v24 =	vand.u32 $0x3FF, v8;
	v19 =	vshrl.u32 v19, $0xA;
	vm12 =	veq.s32 v21, v7;
	[tilespmem:v15+s11+$0x0] =	vst.idx.add.s32.msk vm8, v1  }
0x3eb: {  	v8 =	vshrl.u32 v8, $0xA;
	v18 =	vand.u32 $0x3FF, v18;
	v15 =	vshrl.u32 v20, $0xA;
	[tilespmem:v14+s11+$0x0] =	vst.idx.add.s32.msk vm9, v1  }
0x3ec: {  	vm13 =	veq.s32 v19, v7;
	v14 =	vshrl.u32 v10, $0xA;
	vm9 =	veq.s32 v15, v7;
	[tilespmem:v13+s11+$0x0] =	vst.idx.add.s32.msk vm5, v1  }
0x3ed: {  	vm5 =	veq.s32 v14, v7;
	v14 =	vand.u32 $0x3FF, v20;
	v13 =	vshrl.u32 v11, $0xA;
	[tilespmem:v9+s11+$0x0] =	vst.idx.add.s32.msk vm10, v1  }
0x3ee: {  	vm10 =	veq.s32 v8, v7;
	v9 =	vshrl.u32 v22, $0xA;
	vm7 =	veq.s32 v13, v7;
	[tilespmem:v17+s11+$0x0] =	vst.idx.add.s32.msk vm11, v1  }
0x3ef: {  	v10 =	vand.u32 $0x3FF, v10;
	v8 =	vand.u32 $0x3FF, v11;
	vm8 =	veq.s32 v9, v7;
	[tilespmem:v12+s11+$0x0] =	vst.idx.add.s32.msk vm4, v1  }
.Ltmp17:
0x3f0: {  	v9 =	vand.u32 $0x3FF, v22;
	[tilespmem:v16+s11+$0x0] =	vst.idx.add.s32.msk vm12, v1;
	(pc) =	sbr.rel @p0 .LBB2_36-.Ltmp17, $4  }
0x3f1: {  	[tilespmem:v18+s11+$0x0] =	vst.idx.add.s32.msk vm6, v1  }
0x3f2: {  	[tilespmem:v23+s11+$0x0] =	vst.idx.add.s32.msk vm13, v1  }
0x3f3: {  	[tilespmem:v14+s11+$0x0] =	vst.idx.add.s32.msk vm9, v1  }
0x3f4: {  	[tilespmem:v24+s11+$0x0] =	vst.idx.add.s32.msk vm10, v1  }
0x3f5: {  	_ =	sdelay $0x4  }
0x3f6: {  	[tilespmem:v10+s11+$0x0] =	vst.idx.add.s32.msk vm5, v1  }
0x3f7: {  	[tilespmem:v8+s11+$0x0] =	vst.idx.add.s32.msk vm7, v1  }
0x3f8: {  	[tilespmem:v9+s11+$0x0] =	vst.idx.add.s32.msk vm8, v1;
	s18 =	simm.s32 $0x103F0  }
0x3f9: {  	v7 =	vld [tilespmem:s18+$0x0]  }
0x3fa: {  	v6 =	vxor.u32 $0x80000000, v6  }
0x3fb: {  	v6 =	vnsel vm3, $0x7FFFFFFF, v6  }
0x3fc: {  	(xrf0) =	vmax.scan.msk.u32 $0xffff, v6;
	_ =	sdelay $0x1  }
0x3fd: {  	(xrf0) =	vadd.scan.msk.s32 $0xffff, v7;
	_ =	sdelay $0x3  }
0x3fe: {  	v6, _, _ =	vpop (xrf0)  }
0x3ff: {  	(v2sf) =	vpush v6, $0xF  }
0x400: {  	v6, _, _ =	vpop (xrf0)  }
0x401: {  	s24 =	simm.s32 $0x103E0;
	(v2sf) =	vpush v6, $0xF  }
0x402: {  	v6 =	vld [tilespmem:s24+$0x0]  }
0x403: {  	s25 =	simm.s32 $0x103D0  }
0x404: {  	v7 =	vld [tilespmem:s25+$0x0];
	_ =	sdelay $0x2  }
0x405: {  	(xrf0) =	vadd.scan.msk.s32 $0xffff, v6;
	_ =	sdelay $0x1  }
0x406: {  	(xrf0) =	vadd.scan.msk.s32 $0xffff, v7;
	_ =	sdelay $0x2  }
0x407: {  	s26 =	simm.s32 $0x103C0  }
0x408: {  	v8 =	vld [tilespmem:s26+$0x0];
	v7, _, _ =	vpop (xrf0)  }
0x409: {  	s30 =	spop (v2sf);
	(v2sf) =	vpush v7, $0xF  }
0x40a: {  	v7, _, _ =	vpop (xrf0)  }
0x40b: {  	s31 =	spop (v2sf);
	(v2sf) =	vpush v7, $0xF;
	_ =	sdelay $0x1  }
0x40c: {  	s19 =	simm.s32 $0x103B0;
	(xrf0) =	vadd.scan.msk.s32 $0xffff, v8  }
0x40d: {  	v6 =	vld [tilespmem:s19+$0x0]  }
0x40e: {  	s22 =	simm.s32 $0x3D;
	s23 =	simm.s32 $0x3C;
	s21 =	simm.s32 $0x3B  }
0x40f: {  	s28 =	simm.s32 $0x3A;
	s29 =	simm.s32 $0x103A0;
	s20 =	simm.s32 $0x0  }
0x410: {  	s26 =	simm.s32 $0x3F;
	s25 =	simm.s32 $0x3E;
	s18 =	sxor.u32 $0x80000000, s30  }
0x411: {  	s24 =	simm.s32 $0x0;
	s17 =	ssub.s32 s17, s18;
	s19 =	sadd.s32 $0x0, s31  }
0x412: {  	(xrf0) =	vadd.scan.msk.s32 $0xffff, v6;
	s18 =	simm.s32 $0x0;
	v6, _, _ =	vpop (xrf0);
	p1 =	sgt.s32 s17, $0x0;
	p2 =	sge.s32 s19, s17  }
.LBB2_38:
0x413: {  	p0 =	sne.s32 s28, $0x0;
	p1 =	por !p1, !p2;
	s30 =	smov.u32 s28  }
0x414: {  	v7 =	vld [tilespmem:s29+$0x0];
	(v2sf) =	vpush v6, $0xF;
	s28 =	sadd.s32 $0xFFFFFFFF, s28;
	s31 =	smov.u32 s24;
	s24 =	smov.u32 s19  }
.Ltmp18:
0x415: {  	p1 =	por !p1, !p1;
	(pc) =	sbr.rel @p0 .LBB2_38-.Ltmp18, $4  }
0x416: {  	s18 =	smov.u32 @p1 s26;
	s20 =	smov.u32 @p1 s31;
	s26 =	smov.u32 s25  }
0x417: {  	s25 =	smov.u32 s22;
	s22 =	smov.u32 s23;
	s31 =	spop (v2sf)  }
0x418: {  	s23 =	smov.u32 s21;
	s21 =	smov.u32 s30;
	s19 =	sadd.s32 s19, s31  }
0x419: {  	s29 =	sadd.s32 $0xFFFFFFF0, s29;
	p1 =	slt.s32 s24, s17;
	(xrf0) =	vadd.scan.msk.s32 $0xffff, v7;
	v6, _, _ =	vpop (xrf0);
	p2 =	sge.s32 s19, s17  }
0x41a: {  	_ =	sdelay $0x4  }
0x41b: {  	(v2sf) =	vpush v6, $0xF;
	v6, _, _ =	vpop (xrf0)  }
0x41c: {  	(v2sf) =	vpush v6, $0xF;
	_ =	sdelay $0x6  }
0x41d: {  	p0 =	por !p1, !p2  }
0x41e: {  	s28 =	spop (v2sf);
	p0 =	por !p0, !p0  }
0x41f: {  	s18 =	smov.u32 @p0 s26;
	s26 =	sadd.s32 s19, s28  }
0x420: {  	p3 =	slt.s32 s19, s17;
	p4 =	sge.s32 s26, s17  }
0x421: {  	p1 =	por !p3, !p4  }
0x422: {  	p1 =	por !p1, !p1;
	s30 =	spop (v2sf)  }
0x423: {  	p5 =	slt.s32 s26, s17;
	s18 =	smov.u32 @p1 s25;
	s28 =	sadd.s32 s26, s30  }
0x424: {  	p4 =	sge.s32 s28, s17;
	p6 =	slt.s32 s28, s17;
	s29 =	spop (v2sf)  }
0x425: {  	p2 =	por !p5, !p4;
	s29 =	sadd.s32 s28, s29;
	s30 =	spop (v2sf)  }
0x426: {  	p2 =	por !p2, !p2;
	p5 =	sge.s32 s29, s17;
	s31 =	sadd.s32 s29, s30  }
0x427: {  	p4 =	por !p6, !p5;
	p6 =	slt.s32 s29, s17;
	p3 =	sge.s32 s31, s17  }
0x428: {  	s18 =	smov.u32 @p2 s22;
	p5 =	por !p6, !p3;
	p3 =	por !p4, !p4  }
0x429: {  	s18 =	smov.u32 @p3 s23;
	p4 =	por !p5, !p5  }
0x42a: {  	s18 =	smov.u32 @p4 s21  }
0x42b: {  	s18 =	sshll.u32 s18, $0x4  }
0x42c: {  	v7 =	vld [tilespmem:s18+$0x10000];
	_ =	sdelay $0x4  }
0x42d: {  	(xrf0) =	vadd.scan.msk.s32 $0xffff, v7;
	_ =	sdelay $0x5  }
0x42e: {  	v6, _, _ =	vpop (xrf0)  }
0x42f: {  	v8 =	vxor.u32 $0x80000000, v6  }
0x430: {  	(xrf0) =	vmax.scan.msk.u32 $0xffff, v8;
	_ =	sdelay $0x5  }
0x431: {  	v8, _, _ =	vpop (xrf0)  }
0x432: {  	(v2sf) =	vpush v8, $0xF;
	_ =	sdelay $0xa  }
0x433: {  	s20 =	smov.u32 @p0 s24  }
0x434: {  	s20 =	smov.u32 @p1 s19  }
0x435: {  	s20 =	smov.u32 @p2 s26  }
0x436: {  	s20 =	smov.u32 @p3 s28  }
0x437: {  	s20 =	smov.u32 @p4 s29;
	s29 =	spop (v2sf)  }
0x438: {  	s19 =	sadd.s32 s29, s20  }
0x439: {  	s19 =	sadd.s32 $0x80000000, s19  }
0x43a: {  	v6 =	vsub.s32 s19, v6  }
0x43b: {  	v7 =	vadd.s32 v7, v6  }
0x43c: {  	vm4 =	vlt.s32 v6, s17;
	vm3 =	vge.s32 v7, s17  }
0x43d: {  	v7 =	vor.u32 s18, v2;
	vm3 =	vmand vm4, vm3  }
0x43e: {  	v7 =	vnsel vm3, $0x7FFFFFFF, v7  }
0x43f: {  	(xrf0) =	vmax.scan.msk.u32 $0xffff, v7;
	_ =	sdelay $0x5  }
0x440: {  	v7, _, _ =	vpop (xrf0)  }
0x441: {  	(v2sf) =	vpush v7, $0xF;
	_ =	sdelay $0xc  }
0x442: {  	s30 =	simm.s32 $0x8080  }
0x443: {  	v8 =	vld [tilespmem:s30+$0xFFFFFF80]  }
0x444: {  	s31 =	spop (v2sf)  }
0x445: {  	s16 =	sshll.u32 s16, $0xA;
	v9 =	vld [tilespmem:s30+$0xFFFFFF90];
	s19 =	sxor.u32 $0x80000000, s31  }
0x446: {  	s16 =	sor.u32 s16, s19  }
0x447: {  	v10 =	vld [tilespmem:s30+$0xFFFFFFA0];
	v7 =	vmov s16  }
0x448: {  	vm4 =	vlt.s32 v7, v8  }
0x449: {  	v11 =	vimm.f32 $0.0e+00;
	v12 =	vld [tilespmem:s30+$0xFFFFFFB0];
	v8 =	vnsel vm4, $0x0, v8  }
0x44a: {  	vm4 =	vlt.s32 v7, v9;
	v8 =	vadd.f32 v8, v11  }
0x44b: {  	v9 =	vnsel vm4, $0x0, v9;
	v11 =	vld [tilespmem:s30+$0xFFFFFFC0]  }
0x44c: {  	vm4 =	vlt.s32 v7, v10;
	v8 =	vadd.f32 v9, v8  }
0x44d: {  	v9 =	vnsel vm4, $0x0, v10;
	v10 =	vld [tilespmem:s30+$0xFFFFFFD0]  }
0x44e: {  	vm4 =	vlt.s32 v7, v12;
	v8 =	vadd.f32 v9, v8  }
0x44f: {  	v61 =	vld [tilespmem:s30+$0xFFFFFFE0];
	v9 =	vnsel vm4, $0x0, v12  }
0x450: {  	vm4 =	vlt.s32 v7, v11;
	v8 =	vadd.f32 v9, v8  }
0x451: {  	v9 =	vnsel vm4, $0x0, v11;
	v11 =	vld [tilespmem:s30+$0xFFFFFFF0]  }
0x452: {  	vm4 =	vlt.s32 v7, v10;
	v8 =	vadd.f32 v9, v8  }
0x453: {  	v9 =	vnsel vm4, $0x0, v10;
	v10 =	vld [tilespmem:s30+$0x0]  }
0x454: {  	vm4 =	vlt.s32 v7, v61;
	v8 =	vadd.f32 v9, v8  }
0x455: {  	v62 =	vld [tilespmem:s30+$0x10];
	v9 =	vnsel vm4, $0x0, v61  }
0x456: {  	vm4 =	vlt.s32 v7, v11;
	v8 =	vadd.f32 v9, v8  }
0x457: {  	v9 =	vnsel vm4, $0x0, v11;
	v11 =	vld [tilespmem:s30+$0x20]  }
0x458: {  	vm4 =	vlt.s32 v7, v10;
	v8 =	vadd.f32 v9, v8  }
0x459: {  	v9 =	vnsel vm4, $0x0, v10;
	v10 =	vld [tilespmem:s30+$0x30]  }
0x45a: {  	vm4 =	vlt.s32 v7, v62;
	v8 =	vadd.f32 v9, v8  }
0x45b: {  	v9 =	vnsel vm4, $0x0, v62  }
0x45c: {  	v63 =	vld [tilespmem:s30+$0x40];
	vm4 =	vlt.s32 v7, v11;
	v9 =	vadd.f32 v9, v8  }
0x45d: {  	v11 =	vnsel vm4, $0x0, v11  }
0x45e: {  	v8 =	vld [tilespmem:s30+$0x50];
	vm4 =	vlt.s32 v7, v10;
	v9 =	vadd.f32 v11, v9  }
0x45f: {  	v10 =	vnsel vm4, $0x0, v10  }
0x460: {  	v11 =	vadd.f32 v10, v9;
	v10 =	vld [tilespmem:s30+$0x60]  }
0x461: {  	vm4 =	vlt.s32 v7, v63  }
0x462: {  	v12 =	vnsel vm4, $0x0, v63;
	v9 =	vld [tilespmem:s30+$0x70]  }
0x463: {  	s18 =	simm.s32 $0x8180;
	s16 =	simm.s32 $0x0;
	vm4 =	vlt.s32 v7, v8;
	v11 =	vadd.f32 v12, v11  }
.LBB2_40:
0x464: {  	v12 =	vld [tilespmem:s18+$0xFFFFFF80];
	s16 =	sadd.s32 $0x10, s16;
	v8 =	vnsel vm4, $0x0, v8  }
0x465: {  	p0 =	slt.u32 s16, $0x7F0;
	v8 =	vadd.f32 v8, v11;
	vm4 =	vlt.s32 v7, v10  }
0x466: {  	v11 =	vld [tilespmem:s18+$0xFFFFFF90];
	v10 =	vnsel vm4, $0x0, v10  }
0x467: {  	v8 =	vadd.f32 v10, v8;
	vm4 =	vlt.s32 v7, v9  }
0x468: {  	v10 =	vld [tilespmem:s18+$0xFFFFFFA0];
	v9 =	vnsel vm4, $0x0, v9  }
0x469: {  	vm4 =	vlt.s32 v7, v12;
	v8 =	vadd.f32 v9, v8  }
0x46a: {  	v9 =	vnsel vm4, $0x0, v12;
	v12 =	vld [tilespmem:s18+$0xFFFFFFB0]  }
0x46b: {  	v8 =	vadd.f32 v9, v8;
	vm4 =	vlt.s32 v7, v11  }
0x46c: {  	v9 =	vnsel vm4, $0x0, v11;
	v11 =	vld [tilespmem:s18+$0xFFFFFFC0]  }
0x46d: {  	v8 =	vadd.f32 v9, v8;
	vm4 =	vlt.s32 v7, v10  }
0x46e: {  	v9 =	vnsel vm4, $0x0, v10;
	v10 =	vld [tilespmem:s18+$0xFFFFFFD0]  }
0x46f: {  	v8 =	vadd.f32 v9, v8;
	vm4 =	vlt.s32 v7, v12  }
0x470: {  	v9 =	vnsel vm4, $0x0, v12;
	v12 =	vld [tilespmem:s18+$0xFFFFFFE0]  }
0x471: {  	v8 =	vadd.f32 v9, v8;
	vm4 =	vlt.s32 v7, v11  }
0x472: {  	v9 =	vnsel vm4, $0x0, v11;
	v11 =	vld [tilespmem:s18+$0xFFFFFFF0]  }
0x473: {  	v8 =	vadd.f32 v9, v8;
	vm4 =	vlt.s32 v7, v10  }
0x474: {  	v9 =	vnsel vm4, $0x0, v10;
	v10 =	vld [tilespmem:s18+$0x0]  }
0x475: {  	v8 =	vadd.f32 v9, v8;
	vm4 =	vlt.s32 v7, v12  }
0x476: {  	v9 =	vnsel vm4, $0x0, v12;
	v12 =	vld [tilespmem:s18+$0x10]  }
0x477: {  	v8 =	vadd.f32 v9, v8;
	vm4 =	vlt.s32 v7, v11  }
0x478: {  	v9 =	vnsel vm4, $0x0, v11;
	v11 =	vld [tilespmem:s18+$0x20]  }
0x479: {  	v8 =	vadd.f32 v9, v8;
	vm4 =	vlt.s32 v7, v10  }
0x47a: {  	v9 =	vnsel vm4, $0x0, v10;
	v10 =	vld [tilespmem:s18+$0x30]  }
0x47b: {  	v8 =	vadd.f32 v9, v8;
	vm4 =	vlt.s32 v7, v12  }
0x47c: {  	v9 =	vnsel vm4, $0x0, v12;
	v12 =	vld [tilespmem:s18+$0x40]  }
0x47d: {  	v9 =	vadd.f32 v9, v8;
	vm4 =	vlt.s32 v7, v11  }
0x47e: {  	v11 =	vnsel vm4, $0x0, v11;
	v8 =	vld [tilespmem:s18+$0x50]  }
.Ltmp19:
0x47f: {  	v9 =	vadd.f32 v11, v9;
	vm4 =	vlt.s32 v7, v10;
	(pc) =	sbr.rel @p0 .LBB2_40-.Ltmp19, $4  }
0x480: {  	v11 =	vnsel vm4, $0x0, v10;
	v10 =	vld [tilespmem:s18+$0x60]  }
0x481: {  	v11 =	vadd.f32 v11, v9;
	vm4 =	vlt.s32 v7, v12  }
0x482: {  	v12 =	vnsel vm4, $0x0, v12;
	v9 =	vld [tilespmem:s18+$0x70]  }
0x483: {  	s18 =	sadd.s32 $0x100, s18;
	v11 =	vadd.f32 v12, v11;
	vm4 =	vlt.s32 v7, v8  }
0x484: {  	v8 =	vnsel vm4, $0x0, v8  }
0x485: {  	v8 =	vadd.f32 v8, v11;
	vm14 =	vlt.s32 v7, v10  }
0x486: {  	(xrf2) =	vadd.scan.msk.f32 $0xffff, v5;
	v3 =	vxor.u32 $0x80000000, v3;
	v10 =	vnsel vm14, $0x0, v10  }
0x487: {  	v3 =	vnsel vm2, $0x7FFFFFFF, v3;
	v8 =	vadd.f32 v10, v8;
	vm15 =	vlt.s32 v7, v9  }
0x488: {  	(xrf0) =	vmax.scan.msk.u32 $0xffff, v3;
	v3 =	vbroadcast v4, $0x0;
	v59 =	vnsel vm15, $0x0, v9  }
0x489: {  	v5 =	vadd.f32 v59, v8  }
0x48a: {  	v60 =	vxor.u32 $0x80000000, v6;
	(xrf0) =	vmax.scan.msk.f32 $0xffff, v3  }
0x48b: {  	v3 =	vnsel vm3, $0x7FFFFFFF, v60;
	(xrf2) =	vadd.scan.msk.f32 $0xffff, v5  }
0x48c: {  	(xrf0) =	vmax.scan.msk.u32 $0xffff, v3  }
0x48d: {  	v3 =	vbroadcast v7, $0x0;
	_ =	sdelay $0x1  }
0x48e: {  	v61, _, _ =	vpop (xrf0)  }
0x48f: {  	(xrf0) =	vmax.scan.msk.f32 $0xffff, v3;
	(v2sf) =	vpush v61, $0xF;
	v62, _, _ =	vpop (xrf2)  }
0x490: {  	v3, _, _ =	vpop (xrf0);
	(v2sf) =	vpush v62, $0xF  }
0x491: {  	v63, _, _ =	vpop (xrf0);
	(v2sf) =	vpush v3, $0xF  }
0x492: {  	(v2sf) =	vpush v63, $0xF;
	_ =	sdelay $0x1  }
0x493: {  	v3, _, _ =	vpop (xrf2)  }
0x494: {  	(v2sf) =	vpush v3, $0xF;
	v3, _, _ =	vpop (xrf0)  }
0x495: {  	(v2sf) =	vpush v3, $0xF;
	_ =	sdelay $0x7  }
0x496: {  	s16 =	spop (v2sf)  }
0x497: {  	s16 =	sxor.u32 $0x80000000, s16;
	s18 =	spop (v2sf)  }
0x498: {  	s15 =	ssub.s32 s15, s16;
	s19 =	spop (v2sf)  }
0x499: {  	s15 =	scvt.s32.f32 s15;
	s29 =	spop (v2sf)  }
0x49a: {  	s16 =	sxor.u32 $0x80000000, s29  }
0x49b: {  	s15 =	smul.f32 s15, s19;
	s16 =	ssub.s32 s17, s16  }
0x49c: {  	s16 =	scvt.s32.f32 s16;
	s30 =	spop (v2sf)  }
0x49d: {  	s31 =	spop (v2sf)  }
0x49e: {  	s15 =	sadd.f32 s18, s15;
	s16 =	smul.f32 s16, s31  }
0x49f: {  	_ = 	snop  }
0x4a0: {  	s15 =	smul.f32 $4.880429480e-04, s15;
	s16 =	sadd.f32 s30, s16  }
0x4a1: {  	_ = 	snop  }
0x4a2: {  	v3 =	vmov s15;
	s16 =	smul.f32 $4.880429480e-04, s16  }
0x4a3: {  	s14 =	sadd.s32 $0x1, s14;
	v3 =	vnsel vm0, $0x0, v3  }
0x4a4: {  	p0 =	sne.s32 s14, s6;
	v3 =	vsel vm1, s16, v3  }
.Ltmp20:
0x4a5: {  	[tilespmem:$0x10400] =	vst v3;
	(pc) =	sbr.rel @p0 .LBB2_1-.Ltmp20, $4  }
0x4a6: {  	[hbm4b:s5+s2] =	stream.linear.scatter [tilespmem:s12], [sflag:$0x2], $0x80, $0x38;
	[tilespmem:$0x10480] =	vst v63  }
0x4a7: {  	_ =	swait.ge [sflag:s13], $0x80  }
0x4a8: {  	[sflag:s13] =	ssyncset.done $0x0  }
0x4a9: {  	[sflag:s13] =	ssyncadd.s32 $0xFFFFFF80  }
0x4aa: {  	_ =	sfence.sel $0x180000  }
0x4ab: {  	[bflag:$0x0] =	sbarrier.arrive $0xFFFF  }
0x4ac: {  	p0 =	sne.s32 s1, $0x0;
	_ =	strace $0x90000047  }
0x4ad: {  	s0 =	sadd.s32 @!p0 $0x100000, s0;
	[bflag:$0x2] =	sbarrier.arrive $0xFFFF  }
0x4ae: {  	[sflag:s0] =	ssyncadd.tile.s32 @!p0 $0x1;
	_ =	shalt  }
.Lfunc_end2:
_tile_overlayer_lowered:
.L_overlay_start_2:
0x4af: {  	(tag) =	ssettag $0x2  }
0x4b0: {  	s0 =	rddreg [dreg:$0x0];
	s2 =	stileid.u32  }
0x4b1: {  	s1 =	rddreg [dreg:$0x1];
	p0 =	sne.s32 s2, $0x0  }
0x4b2: {  	s3 =	rddreg [dreg:$0x2];
	[bflag:$0x3] =	sbarrier.arrive $0xFFFF;
	s2 =	simm.s32 @!p0 $0x1C02  }
0x4b3: {  	[timem:s3], [sflag:s2] =	dma.local @!p0 [hbm:s0], s1  }
0x4b4: {  	s0 =	simm.s32 @!p0 $0x2  }
0x4b5: {  	_ =	swait.ge @!p0 [sflag:s0], s1  }
0x4b6: {  	s1 =	ssub.s32 @!p0 $0x0, s1;
	[sflag:s0] =	ssyncset.done @!p0 $0x0  }
0x4b7: {  	[sflag:s0] =	ssyncadd.s32 @!p0 s1  }
0x4b8: {  	[bflag:$0x3] =	sbarrier.arrive $0xFFFF  }
0x4b9: {  	_ =	shalt  }

</sc_bundles>
